<compile_context>
chip_gen: v7x
topology: tpu7x:2x2x1
jax: 0.10.2.dev20260603
libtpu: 0.0.44.dev20260713+nightly
codegen_flags: <defaults>
</compile_context>

<pallas_src>
import functools

import jax
import jax.numpy as jnp
from jax import lax
from jax.experimental import pallas as pl
from jax.experimental.pallas import tpu as pltpu, tpu_sc as plsc

N_NODES = 10000
N_EDGES = 320000
NC, NS = 2, 16
NW = NC * NS
EPW = N_EDGES // NW
K = 80
CHUNK = 25
NCHUNK = 5
PAD = NCHUNK * CHUNK * K - EPW
NJUNK = 8
ACC_ROWS = N_NODES + NJUNK
RPT = 624
TAIL = N_NODES - NS * RPT
TAIL_OFF = NS * RPT
FB = 104
NFB = RPT // FB
HIST_W = 16

_MESH = plsc.VectorSubcoreMesh(core_axis_name="c", subcore_axis_name="s")


@functools.partial(
    pl.kernel,
    out_type=jax.ShapeDtypeStruct((NC, N_NODES, HIST_W), jnp.float32),
    mesh=_MESH,
    scratch_types=[
        pltpu.VMEM((CHUNK, K), jnp.int32),
        pltpu.VMEM((K, HIST_W), jnp.float32),
        pltpu.VMEM((FB, HIST_W), jnp.float32),
        pltpu.VMEM_SHARED((ACC_ROWS, HIST_W), jnp.float32),
        pltpu.SemaphoreType.DMA,
    ],
    compiler_params=pltpu.CompilerParams(use_tc_tiling_on_sc=False),
)
def _deg_kernel(dst_hbm, out_hbm, dst_v, ones_v, stage_v, hist_sh, sem):
    c = lax.axis_index("c")
    s = lax.axis_index("s")
    wid = s * NC + c

    def fill_stage(i, _):
        stage_v[i] = jnp.zeros((HIST_W,), jnp.float32)
        return 0

    lax.fori_loop(0, FB, fill_stage, 0)

    def fill_ones(i, _):
        ones_v[i] = jnp.ones((HIST_W,), jnp.float32)
        return 0

    lax.fori_loop(0, K, fill_ones, 0)

    def zero_block(k, _):
        pltpu.sync_copy(stage_v, hist_sh.at[pl.ds(s * RPT + k * FB, FB)])
        return 0

    lax.fori_loop(0, NFB, zero_block, 0)

    @pl.when(s == 0)
    def _():
        pltpu.sync_copy(stage_v.at[pl.ds(0, TAIL)],
                        hist_sh.at[pl.ds(TAIL_OFF, TAIL)])

    plsc.subcore_barrier()

    def chunk_loop(ci, _):
        pltpu.sync_copy(dst_hbm.at[wid, ci], dst_v)

        def step(j, _):
            pltpu.async_copy(ones_v, hist_sh.at[dst_v.at[j]], sem, add=True)
            return 0

        lax.fori_loop(0, CHUNK, step, 0)

        def drain(j, _):
            pltpu.make_async_copy(ones_v, hist_sh.at[dst_v.at[0]], sem).wait()
            return 0

        lax.fori_loop(0, CHUNK, drain, 0)
        return 0

    lax.fori_loop(0, NCHUNK, chunk_loop, 0)
    plsc.subcore_barrier()

    def flush_block(k, _):
        pltpu.sync_copy(hist_sh.at[pl.ds(s * RPT + k * FB, FB)], stage_v)
        pltpu.sync_copy(stage_v, out_hbm.at[c, pl.ds(s * RPT + k * FB, FB)])
        return 0

    lax.fori_loop(0, NFB, flush_block, 0)

    @pl.when(s == 0)
    def _():
        pltpu.sync_copy(hist_sh.at[pl.ds(TAIL_OFF, TAIL)],
                        stage_v.at[pl.ds(0, TAIL)])
        pltpu.sync_copy(stage_v.at[pl.ds(0, TAIL)],
                        out_hbm.at[c, pl.ds(TAIL_OFF, TAIL)])


def _make_agg_kernel(d, chunk, nchunk, nslots, table_in_spmem=False):
    scratch = [
        pltpu.VMEM((chunk, K), jnp.int32),
        pltpu.VMEM((chunk, K), jnp.int32),
        pltpu.VMEM((nslots, K, d), jnp.float32),
        pltpu.VMEM_SHARED((ACC_ROWS, d), jnp.float32),
    ]
    if table_in_spmem:
        scratch.append(pltpu.VMEM_SHARED((N_NODES, d), jnp.float32))
    scratch.append(pltpu.SemaphoreType.DMA)
    scratch.append(pltpu.SemaphoreType.DMA)

    @functools.partial(
        pl.kernel,
        out_type=jax.ShapeDtypeStruct((NC, N_NODES, d), jnp.float32),
        mesh=_MESH,
        scratch_types=scratch,
        compiler_params=pltpu.CompilerParams(use_tc_tiling_on_sc=False),
    )
    def agg(g_hbm, src_hbm, dst_hbm, out_hbm,
            src_v, dst_v, rows_v, acc_sh, *rest):
        if table_in_spmem:
            tbl_sh, sem, sem_s = rest
        else:
            sem, sem_s = rest
            tbl_sh = None
        gsrc = tbl_sh if table_in_spmem else g_hbm
        c = lax.axis_index("c")
        s = lax.axis_index("s")
        wid = s * NC + c

        sl = pl.ds(s * RPT, RPT)
        pltpu.sync_copy(g_hbm.at[sl], acc_sh.at[sl])
        if table_in_spmem:
            pltpu.sync_copy(g_hbm.at[sl], tbl_sh.at[sl])

        @pl.when(s == 0)
        def _():
            tl = pl.ds(TAIL_OFF, TAIL)
            pltpu.sync_copy(g_hbm.at[tl], acc_sh.at[tl])
            if table_in_spmem:
                pltpu.sync_copy(g_hbm.at[tl], tbl_sh.at[tl])

        plsc.subcore_barrier()

        def chunk_loop(ci, _):
            pltpu.sync_copy(src_hbm.at[wid, ci], src_v)
            pltpu.sync_copy(dst_hbm.at[wid, ci], dst_v)
            for b in range(nslots - 1):
                pltpu.async_copy(gsrc.at[src_v.at[b]], rows_v.at[b], sem)

            def step(j, _):
                p = j % nslots
                pltpu.make_async_copy(
                    gsrc.at[src_v.at[j]], rows_v.at[p], sem).wait()
                pltpu.async_copy(
                    rows_v.at[p], acc_sh.at[dst_v.at[j]], sem_s, add=True)

                @pl.when(j + nslots - 1 < chunk)
                def _():
                    @pl.when(j >= 1)
                    def _():
                        pltpu.make_async_copy(
                            rows_v.at[(j + nslots - 1) % nslots],
                            acc_sh.at[dst_v.at[j - 1]], sem_s).wait()

                    pltpu.async_copy(
                        gsrc.at[src_v.at[j + nslots - 1]],
                        rows_v.at[(j + nslots - 1) % nslots], sem)

                return 0

            lax.fori_loop(0, chunk, step, 0)

            def drain(i, _):
                pltpu.make_async_copy(
                    rows_v.at[0], acc_sh.at[dst_v.at[0]], sem_s).wait()
                return 0

            lax.fori_loop(0, nslots, drain, 0)
            return 0

        lax.fori_loop(0, nchunk, chunk_loop, 0)
        plsc.subcore_barrier()

        pltpu.sync_copy(acc_sh.at[sl], out_hbm.at[c, sl])

        @pl.when(s == 0)
        def _():
            tl = pl.ds(TAIL_OFF, TAIL)
            pltpu.sync_copy(acc_sh.at[tl], out_hbm.at[c, tl])

    return agg


_agg128 = _make_agg_kernel(128, chunk=CHUNK, nchunk=NCHUNK, nslots=3)
_agg64 = _make_agg_kernel(64, chunk=CHUNK, nchunk=NCHUNK, nslots=3)


_RB = 1000
_GRID = N_NODES // _RB


def _dis_block(degp_ref):
    deg = degp_ref[0][:, 0:1] + degp_ref[1][:, 0:1] + 1.0
    return lax.rsqrt(deg)


def _tc1_body(degp_ref, x_ref, w1_ref, g1_ref):
    dis = _dis_block(degp_ref)
    g1_ref[...] = dis * jnp.dot(x_ref[...], w1_ref[...],
                                preferred_element_type=jnp.float32)


def _tc2_body(degp_ref, a1_ref, g1_ref, b1_ref, w2_ref, g2_ref):
    dis = _dis_block(degp_ref)
    h = a1_ref[0] + a1_ref[1] - g1_ref[...]
    h = jnp.maximum(dis * h + b1_ref[...], 0.0)
    g2_ref[...] = dis * jnp.dot(h, w2_ref[...],
                                preferred_element_type=jnp.float32)


def _tc3_body(degp_ref, a2_ref, g2_ref, b2_ref, out_ref):
    dis = _dis_block(degp_ref)
    o = a2_ref[0] + a2_ref[1] - g2_ref[...]
    out_ref[...] = jnp.maximum(dis * o + b2_ref[...], 0.0)


def _degp_spec():
    return pl.BlockSpec((NC, _RB, HIST_W), lambda i: (0, i, 0))


def _rows_spec(d):
    return pl.BlockSpec((_RB, d), lambda i: (i, 0))


def _parts_spec(d):
    return pl.BlockSpec((NC, _RB, d), lambda i: (0, i, 0))


def _full_spec(a, b):
    return pl.BlockSpec((a, b), lambda i: (0, 0))


def kernel(x, edge_index, W1, b1, W2, b2):
    ei = edge_index.astype(jnp.int32)
    pad_src = jnp.zeros((NW, PAD), jnp.int32)
    pad_dst = jnp.broadcast_to(
        N_NODES + (jnp.arange(PAD, dtype=jnp.int32) % NJUNK), (NW, PAD))
    src_flat = jnp.concatenate([ei[0].reshape(NW, EPW), pad_src], axis=1)
    dst_flat = jnp.concatenate([ei[1].reshape(NW, EPW), pad_dst], axis=1)
    src = src_flat.reshape(NW, NCHUNK, CHUNK, K)
    dst = dst_flat.reshape(NW, NCHUNK, CHUNK, K)

    degp = _deg_kernel(dst)

    g1 = pl.pallas_call(
        _tc1_body,
        grid=(_GRID,),
        in_specs=[_degp_spec(), _rows_spec(128), _full_spec(128, 128)],
        out_specs=_rows_spec(128),
        out_shape=jax.ShapeDtypeStruct((N_NODES, 128), jnp.float32),
    )(degp, x, W1)

    a1 = _agg128(g1, src, dst)

    g2 = pl.pallas_call(
        _tc2_body,
        grid=(_GRID,),
        in_specs=[_degp_spec(), _parts_spec(128), _rows_spec(128),
                  _full_spec(1, 128), _full_spec(128, 64)],
        out_specs=_rows_spec(64),
        out_shape=jax.ShapeDtypeStruct((N_NODES, 64), jnp.float32),
    )(degp, a1, g1, b1.reshape(1, 128), W2)

    a2 = _agg64(g2, src, dst)

    out = pl.pallas_call(
        _tc3_body,
        grid=(_GRID,),
        in_specs=[_degp_spec(), _parts_spec(64), _rows_spec(64),
                  _full_spec(1, 64)],
        out_specs=_rows_spec(64),
        out_shape=jax.ShapeDtypeStruct((N_NODES, 64), jnp.float32),
    )(degp, a2, g2, b2.reshape(1, 64))

    return out

# --- scband reference (transcript-rebuilt; emitter-appended) ---
"""Pipeline reference for scband-encoder-22385369547413 (READ-ONLY COPY).

The authoritative reference and input builder live on the scoring server;
editing this copy changes nothing except your own understanding.
"""

import jax, jax.numpy as jnp
import numpy as np

N_NODES = 10000
N_EDGES = 320000
IN_CHAN = 128
HID = 128
OUT = 64


def glorot(key, shape):
    fan_in, fan_out = shape[0], shape[1]
    limit = jnp.sqrt(6.0 / (fan_in + fan_out))
    return jax.random.uniform(key, shape, minval=-limit, maxval=limit, dtype=jnp.float32)


def setup_inputs(seed: int = 0) -> dict:
    key = jax.random.key(seed)
    k_x, k_e, k_w1, k_w2 = jax.random.split(key, 4)
    x = jax.random.normal(k_x, (N_NODES, IN_CHAN), dtype=jnp.float32)
    edge_index = jax.random.randint(k_e, (2, N_EDGES), 0, N_NODES, dtype=jnp.int64 if jax.config.jax_enable_x64 else jnp.int32)
    W1 = glorot(k_w1, (IN_CHAN, HID))
    b1 = jnp.zeros((HID,), dtype=jnp.float32)
    W2 = glorot(k_w2, (HID, OUT))
    b2 = jnp.zeros((OUT,), dtype=jnp.float32)
    return {"x": x, "edge_index": edge_index, "W1": W1, "b1": b1, "W2": W2, "b2": b2}


def gcn_conv(x, edge_index, W, b):
    # Faithful PyG GCNConv: add self-loops, symmetric normalization, scatter-add aggregation.
    num_nodes = x.shape[0]
    src = edge_index[0]
    dst = edge_index[1]
    loop = jnp.arange(num_nodes, dtype=src.dtype)
    src = jnp.concatenate([src, loop])
    dst = jnp.concatenate([dst, loop])
    h = x @ W  # linear transform first (PyG default)
    deg = jnp.zeros((num_nodes,), dtype=jnp.float32).at[dst].add(1.0)
    deg_inv_sqrt = jnp.where(deg > 0, jax.lax.rsqrt(deg), 0.0)
    norm = deg_inv_sqrt[src] * deg_inv_sqrt[dst]
    msgs = h[src] * norm[:, None]
    out = jnp.zeros((num_nodes, W.shape[1]), dtype=jnp.float32).at[dst].add(msgs)
    return out + b


def reference(x, edge_index, W1, b1, W2, b2):
    h = jax.nn.relu(gcn_conv(x, edge_index, W1, b1))
    out = jax.nn.relu(gcn_conv(h, edge_index, W2, b2))
    return out

if __name__ == "__main__":
    import jax
    _d = setup_inputs()
    print(jax.jit(kernel)(*tuple(_d.values())))

</pallas_src>

<mosaic_0001>
#map = affine_map<(d0, d1) -> (0, 0, 0, 0)>
#map1 = affine_map<(d0, d1) -> (0, 0, 0)>
module attributes {stable_mosaic.version = 14 : i64} {
  func.func @_deg_kernel(%arg0: i32, %arg1: i32, %arg2: memref<32x5x25x80xi32, #tpu.memory_space<hbm>>, %arg3: memref<2x10000x16xf32, #tpu.memory_space<hbm>>, %arg4: memref<25x80xi32, #tpu.memory_space<vmem>>, %arg5: memref<80x16xf32, #tpu.memory_space<vmem>>, %arg6: memref<104x16xf32, #tpu.memory_space<vmem>>, %arg7: memref<10008x16xf32, #tpu.memory_space<vmem_shared>>, %arg8: memref<!tpu.dma_semaphore, #tpu.memory_space<semaphore_mem>>) attributes {dimension_semantics = [#tpu.dimension_semantics<core_parallel>, #tpu.dimension_semantics<subcore_parallel>], iteration_bounds = array<i64: 2, 16>, scalar_prefetch = 0 : i64, scratch_operands = 5 : i64, tpu.core_type = #tpu.core_type<sc_vector_subcore>, window_params = [{transform_indices = #map}, {transform_indices = #map1}]} {
    %mul3A = arith.constant 2 : i32
    %mul3A_0 = arith.muli %arg1, %mul3A : i32
    %add3A = arith.addi %mul3A_0, %arg0 : i32
    %scan3A = arith.constant 0 : i32
    %scan3A_1 = arith.constant 0 : i32
    %scan3A_2 = arith.constant 104 : i32
    %scan3A_3 = arith.addi %scan3A_1, %scan3A_2 : i32
    %scan3A_4 = arith.constant 1 : i32
    %scan3A_5 = scf.for %scan3A_43 = %scan3A_1 to %scan3A_3 step %scan3A_4 iter_args(%scan3A_44 = %scan3A) -> (i32)  : i32 {
      %broadcast_in_dim3A = arith.constant 0.000000e+00 : f32
      %broadcast_in_dim3A_45 = vector.broadcast %broadcast_in_dim3A : f32 to vector<16xf32>
      %swap3A = arith.index_cast %scan3A_43 : i32 to index
      %swap3A_46 = arith.constant 0 : index
      %swap3A_47 = tpu.vector_load %arg6[%swap3A, %swap3A_46] {strides = array<i32>} : memref<104x16xf32, #tpu.memory_space<vmem>>, vector<1x16xf32>,
      %swap3A_48 = vector.shape_cast %swap3A_47 : vector<1x16xf32> to vector<16xf32>
      %swap3A_49 = vector.shape_cast %broadcast_in_dim3A_45 : vector<16xf32> to vector<1x16xf32>
      tpu.vector_store %arg6[%swap3A, %swap3A_46], %swap3A_49 {strides = array<i32>} : memref<104x16xf32, #tpu.memory_space<vmem>>, vector<1x16xf32>,
      %scan3A_50 = arith.constant 0 : i32
      scf.yield %scan3A_50 : i32
    }
    %scan3A_6 = arith.constant 104 : i32
    %scan3A_7 = arith.constant 0 : i32
    %scan3A_8 = arith.constant 0 : i32
    %scan3A_9 = arith.constant 80 : i32
    %scan3A_10 = arith.addi %scan3A_8, %scan3A_9 : i32
    %scan3A_11 = arith.constant 1 : i32
    %scan3A_12 = scf.for %scan3A_43 = %scan3A_8 to %scan3A_10 step %scan3A_11 iter_args(%scan3A_44 = %scan3A_7) -> (i32)  : i32 {
      %broadcast_in_dim3A = arith.constant 1.000000e+00 : f32
      %broadcast_in_dim3A_45 = vector.broadcast %broadcast_in_dim3A : f32 to vector<16xf32>
      %swap3A = arith.index_cast %scan3A_43 : i32 to index
      %swap3A_46 = arith.constant 0 : index
      %swap3A_47 = tpu.vector_load %arg5[%swap3A, %swap3A_46] {strides = array<i32>} : memref<80x16xf32, #tpu.memory_space<vmem>>, vector<1x16xf32>,
      %swap3A_48 = vector.shape_cast %swap3A_47 : vector<1x16xf32> to vector<16xf32>
      %swap3A_49 = vector.shape_cast %broadcast_in_dim3A_45 : vector<16xf32> to vector<1x16xf32>
      tpu.vector_store %arg5[%swap3A, %swap3A_46], %swap3A_49 {strides = array<i32>} : memref<80x16xf32, #tpu.memory_space<vmem>>, vector<1x16xf32>,
      %scan3A_50 = arith.constant 0 : i32
      scf.yield %scan3A_50 : i32
    }
    %scan3A_13 = arith.constant 80 : i32
    %scan3A_14 = arith.constant 0 : i32
    %scan3A_15 = arith.constant 0 : i32
    %scan3A_16 = arith.constant 6 : i32
    %scan3A_17 = arith.addi %scan3A_15, %scan3A_16 : i32
    %scan3A_18 = arith.constant 1 : i32
    %scan3A_19 = scf.for %scan3A_43 = %scan3A_15 to %scan3A_17 step %scan3A_18 iter_args(%scan3A_44 = %scan3A_14) -> (i32)  : i32 {
      %mul3A_45 = arith.constant 624 : i32
      %mul3A_46 = arith.muli %arg1, %mul3A_45 : i32
      %mul3A_47 = arith.constant 104 : i32
      %mul3A_48 = arith.muli %scan3A_43, %mul3A_47 : i32
      %add3A_49 = arith.addi %mul3A_46, %mul3A_48 : i32
      "tpu.region"() ({
        %run_scoped3A = tpu.sem_alloc : memref<!tpu.dma_semaphore, #tpu.memory_space<semaphore_mem>>
        %dma_start3A = arith.constant 0 : i32
        %dma_start3A_51 = tpu.memref_slice %arg7[%add3A_49, %dma_start3A] : memref<10008x16xf32, #tpu.memory_space<vmem_shared>> -> memref<104x16xf32, #tpu.memory_space<vmem_shared>>
        %dma_start3A_52 = arith.constant 0 : i32
        %dma_start3A_53 = tpu.memref_slice %arg7[%add3A_49, %dma_start3A_52] : memref<10008x16xf32, #tpu.memory_space<vmem_shared>> -> memref<104x16xf32, #tpu.memory_space<vmem_shared>>
        tpu.enqueue_dma source(%arg6 : memref<104x16xf32, #tpu.memory_space<vmem>>) target(%dma_start3A_53 : memref<104x16xf32, #tpu.memory_space<vmem_shared>>) target_semaphore(%run_scoped3A : memref<!tpu.dma_semaphore, #tpu.memory_space<semaphore_mem>>)
        %dma_wait3A = arith.constant 0 : i32
        %dma_wait3A_54 = tpu.memref_slice %arg7[%add3A_49, %dma_wait3A] : memref<10008x16xf32, #tpu.memory_space<vmem_shared>> -> memref<104x16xf32, #tpu.memory_space<vmem_shared>>
        %dma_wait3A_55 = arith.constant 0 : i32
        %dma_wait3A_56 = tpu.memref_slice %arg7[%add3A_49, %dma_wait3A_55] : memref<10008x16xf32, #tpu.memory_space<vmem_shared>> -> memref<104x16xf32, #tpu.memory_space<vmem_shared>>
        tpu.wait_dma2 semaphore(%run_scoped3A : memref<!tpu.dma_semaphore, #tpu.memory_space<semaphore_mem>>) src(%arg6 : memref<104x16xf32, #tpu.memory_space<vmem>>) dst(%dma_wait3A_56 : memref<104x16xf32, #tpu.memory_space<vmem_shared>>)
        tpu.yield
      }) : () -> ()
      %scan3A_50 = arith.constant 0 : i32
      scf.yield %scan3A_50 : i32
    }
    %scan3A_20 = arith.constant 6 : i32
    %eq3A = arith.constant 0 : i32
    %eq3A_21 = arith.cmpi eq, %arg1, %eq3A : i32
    %convert_element_type3A = arith.extui %eq3A_21 : i1 to i32
    %cond3A = arith.constant 0 : i32
    %cond3A_22 = arith.cmpi ne, %convert_element_type3A, %cond3A : i32
    scf.if %cond3A_22 {
      "tpu.region"() ({
        %run_scoped3A = tpu.sem_alloc : memref<!tpu.dma_semaphore, #tpu.memory_space<semaphore_mem>>
        %dma_start3A = arith.constant 0 : i32
        %dma_start3A_43 = arith.constant 0 : i32
        %dma_start3A_44 = tpu.memref_slice %arg6[%dma_start3A, %dma_start3A_43] : memref<104x16xf32, #tpu.memory_space<vmem>> -> memref<16x16xf32, #tpu.memory_space<vmem>>
        %dma_start3A_45 = arith.constant 9984 : i32
        %dma_start3A_46 = arith.constant 0 : i32
        %dma_start3A_47 = tpu.memref_slice %arg7[%dma_start3A_45, %dma_start3A_46] : memref<10008x16xf32, #tpu.memory_space<vmem_shared>> -> memref<16x16xf32, #tpu.memory_space<vmem_shared>>
        %dma_start3A_48 = arith.constant 9984 : i32
        %dma_start3A_49 = arith.constant 0 : i32
        %dma_start3A_50 = tpu.memref_slice %arg7[%dma_start3A_48, %dma_start3A_49] : memref<10008x16xf32, #tpu.memory_space<vmem_shared>> -> memref<16x16xf32, #tpu.memory_space<vmem_shared>>
        %dma_start3A_51 = arith.constant 0 : i32
        %dma_start3A_52 = arith.constant 0 : i32
        %dma_start3A_53 = tpu.memref_slice %arg6[%dma_start3A_51, %dma_start3A_52] : memref<104x16xf32, #tpu.memory_space<vmem>> -> memref<16x16xf32, #tpu.memory_space<vmem>>
        tpu.enqueue_dma source(%dma_start3A_53 : memref<16x16xf32, #tpu.memory_space<vmem>>) target(%dma_start3A_50 : memref<16x16xf32, #tpu.memory_space<vmem_shared>>) target_semaphore(%run_scoped3A : memref<!tpu.dma_semaphore, #tpu.memory_space<semaphore_mem>>)
        %dma_wait3A = arith.constant 0 : i32
        %dma_wait3A_54 = arith.constant 0 : i32
        %dma_wait3A_55 = tpu.memref_slice %arg6[%dma_wait3A, %dma_wait3A_54] : memref<104x16xf32, #tpu.memory_space<vmem>> -> memref<16x16xf32, #tpu.memory_space<vmem>>
        %dma_wait3A_56 = arith.constant 9984 : i32
        %dma_wait3A_57 = arith.constant 0 : i32
        %dma_wait3A_58 = tpu.memref_slice %arg7[%dma_wait3A_56, %dma_wait3A_57] : memref<10008x16xf32, #tpu.memory_space<vmem_shared>> -> memref<16x16xf32, #tpu.memory_space<vmem_shared>>
        %dma_wait3A_59 = arith.constant 9984 : i32
        %dma_wait3A_60 = arith.constant 0 : i32
        %dma_wait3A_61 = tpu.memref_slice %arg7[%dma_wait3A_59, %dma_wait3A_60] : memref<10008x16xf32, #tpu.memory_space<vmem_shared>> -> memref<16x16xf32, #tpu.memory_space<vmem_shared>>
        %dma_wait3A_62 = arith.constant 0 : i32
        %dma_wait3A_63 = arith.constant 0 : i32
        %dma_wait3A_64 = tpu.memref_slice %arg6[%dma_wait3A_62, %dma_wait3A_63] : memref<104x16xf32, #tpu.memory_space<vmem>> -> memref<16x16xf32, #tpu.memory_space<vmem>>
        tpu.wait_dma2 semaphore(%run_scoped3A : memref<!tpu.dma_semaphore, #tpu.memory_space<semaphore_mem>>) src(%dma_wait3A_64 : memref<16x16xf32, #tpu.memory_space<vmem>>) dst(%dma_wait3A_61 : memref<16x16xf32, #tpu.memory_space<vmem_shared>>)
        tpu.yield
      }) : () -> ()
    } else {
    }
    %barrier3A = arith.constant 0 : index
    tpu.barrier barrier_id(%barrier3A)
    %scan3A_23 = arith.constant 0 : i32
    %scan3A_24 = arith.constant 0 : i32
    %scan3A_25 = arith.constant 5 : i32
    %scan3A_26 = arith.addi %scan3A_24, %scan3A_25 : i32
    %scan3A_27 = arith.constant 1 : i32
    %scan3A_28 = scf.for %scan3A_43 = %scan3A_24 to %scan3A_26 step %scan3A_27 iter_args(%scan3A_44 = %scan3A_23) -> (i32)  : i32 {
      "tpu.region"() ({
        %run_scoped3A = tpu.sem_alloc : memref<!tpu.dma_semaphore, #tpu.memory_space<semaphore_mem>>
        %dma_start3A = arith.constant 0 : i32
        %dma_start3A_60 = arith.constant 0 : i32
        %dma_start3A_61 = tpu.memref_slice %arg2[%add3A, %scan3A_43, %dma_start3A, %dma_start3A_60] : memref<32x5x25x80xi32, #tpu.memory_space<hbm>> -> memref<1x1x25x80xi32, #tpu.memory_space<hbm>>
        %dma_start3A_62 = tpu.memref_squeeze %dma_start3A_61 : memref<1x1x25x80xi32, #tpu.memory_space<hbm>> -> memref<25x80xi32, #tpu.memory_space<hbm>>
        %dma_start3A_63 = arith.constant 0 : i32
        %dma_start3A_64 = arith.constant 0 : i32
        %dma_start3A_65 = tpu.memref_slice %arg2[%add3A, %scan3A_43, %dma_start3A_63, %dma_start3A_64] : memref<32x5x25x80xi32, #tpu.memory_space<hbm>> -> memref<1x1x25x80xi32, #tpu.memory_space<hbm>>
        %dma_start3A_66 = tpu.memref_squeeze %dma_start3A_65 : memref<1x1x25x80xi32, #tpu.memory_space<hbm>> -> memref<25x80xi32, #tpu.memory_space<hbm>>
        tpu.enqueue_dma source(%dma_start3A_66 : memref<25x80xi32, #tpu.memory_space<hbm>>) target(%arg4 : memref<25x80xi32, #tpu.memory_space<vmem>>) target_semaphore(%run_scoped3A : memref<!tpu.dma_semaphore, #tpu.memory_space<semaphore_mem>>)
        %dma_wait3A = arith.constant 0 : i32
        %dma_wait3A_67 = arith.constant 0 : i32
        %dma_wait3A_68 = tpu.memref_slice %arg2[%add3A, %scan3A_43, %dma_wait3A, %dma_wait3A_67] : memref<32x5x25x80xi32, #tpu.memory_space<hbm>> -> memref<1x1x25x80xi32, #tpu.memory_space<hbm>>
        %dma_wait3A_69 = tpu.memref_squeeze %dma_wait3A_68 : memref<1x1x25x80xi32, #tpu.memory_space<hbm>> -> memref<25x80xi32, #tpu.memory_space<hbm>>
        %dma_wait3A_70 = arith.constant 0 : i32
        %dma_wait3A_71 = arith.constant 0 : i32
        %dma_wait3A_72 = tpu.memref_slice %arg2[%add3A, %scan3A_43, %dma_wait3A_70, %dma_wait3A_71] : memref<32x5x25x80xi32, #tpu.memory_space<hbm>> -> memref<1x1x25x80xi32, #tpu.memory_space<hbm>>
        %dma_wait3A_73 = tpu.memref_squeeze %dma_wait3A_72 : memref<1x1x25x80xi32, #tpu.memory_space<hbm>> -> memref<25x80xi32, #tpu.memory_space<hbm>>
        tpu.wait_dma2 semaphore(%run_scoped3A : memref<!tpu.dma_semaphore, #tpu.memory_space<semaphore_mem>>) src(%dma_wait3A_73 : memref<25x80xi32, #tpu.memory_space<hbm>>) dst(%arg4 : memref<25x80xi32, #tpu.memory_space<vmem>>)
        tpu.yield
      }) : () -> ()
      %scan3A_45 = arith.constant 0 : i32
      %scan3A_46 = arith.constant 0 : i32
      %scan3A_47 = arith.constant 25 : i32
      %scan3A_48 = arith.addi %scan3A_46, %scan3A_47 : i32
      %scan3A_49 = arith.constant 1 : i32
      %scan3A_50 = scf.for %scan3A_60 = %scan3A_46 to %scan3A_48 step %scan3A_49 iter_args(%scan3A_61 = %scan3A_45) -> (i32)  : i32 {
        %dma_start3A = arith.constant 0 : i32
        %dma_start3A_62 = tpu.memref_slice %arg4[%scan3A_60, %dma_start3A] : memref<25x80xi32, #tpu.memory_space<vmem>> -> memref<1x80xi32, #tpu.memory_space<vmem>>
        %dma_start3A_63 = tpu.memref_squeeze %dma_start3A_62 : memref<1x80xi32, #tpu.memory_space<vmem>> -> memref<80xi32, #tpu.memory_space<vmem>>
        %dma_start3A_64 = arith.constant 0 : i32
        %dma_start3A_65 = arith.constant 0 : i32
        %dma_start3A_66 = tpu.memref_slice %arg7[%dma_start3A_64, %dma_start3A_65] : memref<10008x16xf32, #tpu.memory_space<vmem_shared>> -> memref<10008x16xf32, #tpu.memory_space<vmem_shared>>
        tpu.enqueue_indirect_dma source(%arg5 : memref<80x16xf32, #tpu.memory_space<vmem>>) target(%dma_start3A_66 : memref<10008x16xf32, #tpu.memory_space<vmem_shared>>) offsets(%dma_start3A_63 : memref<80xi32, #tpu.memory_space<vmem>>) semaphore(%arg8 : memref<!tpu.dma_semaphore, #tpu.memory_space<semaphore_mem>>) {add = true}
        %scan3A_67 = arith.constant 0 : i32
        scf.yield %scan3A_67 : i32
      }
      %scan3A_51 = arith.constant 25 : i32
      %scan3A_52 = arith.constant 0 : i32
      %scan3A_53 = arith.constant 0 : i32
      %scan3A_54 = arith.constant 25 : i32
      %scan3A_55 = arith.addi %scan3A_53, %scan3A_54 : i32
      %scan3A_56 = arith.constant 1 : i32
      %scan3A_57 = scf.for %scan3A_60 = %scan3A_53 to %scan3A_55 step %scan3A_56 iter_args(%scan3A_61 = %scan3A_52) -> (i32)  : i32 {
        %dma_wait3A = arith.constant 0 : i32
        %dma_wait3A_62 = arith.constant 0 : i32
        %dma_wait3A_63 = tpu.memref_slice %arg4[%dma_wait3A, %dma_wait3A_62] : memref<25x80xi32, #tpu.memory_space<vmem>> -> memref<1x80xi32, #tpu.memory_space<vmem>>
        %dma_wait3A_64 = tpu.memref_squeeze %dma_wait3A_63 : memref<1x80xi32, #tpu.memory_space<vmem>> -> memref<80xi32, #tpu.memory_space<vmem>>
        %dma_wait3A_65 = arith.constant 0 : i32
        %dma_wait3A_66 = arith.constant 0 : i32
        %dma_wait3A_67 = tpu.memref_slice %arg7[%dma_wait3A_65, %dma_wait3A_66] : memref<10008x16xf32, #tpu.memory_space<vmem_shared>> -> memref<10008x16xf32, #tpu.memory_space<vmem_shared>>
        tpu.wait_indirect_dma semaphore(%arg8 : memref<!tpu.dma_semaphore, #tpu.memory_space<semaphore_mem>>) src(%arg5 : memref<80x16xf32, #tpu.memory_space<vmem>>) dst(%dma_wait3A_67 : memref<10008x16xf32, #tpu.memory_space<vmem_shared>>)
        %scan3A_68 = arith.constant 0 : i32
        scf.yield %scan3A_68 : i32
      }
      %scan3A_58 = arith.constant 25 : i32
      %scan3A_59 = arith.constant 0 : i32
      scf.yield %scan3A_59 : i32
    }
    %scan3A_29 = arith.constant 5 : i32
    %barrier3A_30 = arith.constant 0 : index
    tpu.barrier barrier_id(%barrier3A_30)
    %scan3A_31 = arith.constant 0 : i32
    %scan3A_32 = arith.constant 0 : i32
    %scan3A_33 = arith.constant 6 : i32
    %scan3A_34 = arith.addi %scan3A_32, %scan3A_33 : i32
    %scan3A_35 = arith.constant 1 : i32
    %scan3A_36 = scf.for %scan3A_43 = %scan3A_32 to %scan3A_34 step %scan3A_35 iter_args(%scan3A_44 = %scan3A_31) -> (i32)  : i32 {
      %mul3A_45 = arith.constant 624 : i32
      %mul3A_46 = arith.muli %arg1, %mul3A_45 : i32
      %mul3A_47 = arith.constant 104 : i32
      %mul3A_48 = arith.muli %scan3A_43, %mul3A_47 : i32
      %add3A_49 = arith.addi %mul3A_46, %mul3A_48 : i32
      "tpu.region"() ({
        %run_scoped3A = tpu.sem_alloc : memref<!tpu.dma_semaphore, #tpu.memory_space<semaphore_mem>>
        %dma_start3A = arith.constant 0 : i32
        %dma_start3A_56 = tpu.memref_slice %arg7[%add3A_49, %dma_start3A] : memref<10008x16xf32, #tpu.memory_space<vmem_shared>> -> memref<104x16xf32, #tpu.memory_space<vmem_shared>>
        %dma_start3A_57 = arith.constant 0 : i32
        %dma_start3A_58 = tpu.memref_slice %arg7[%add3A_49, %dma_start3A_57] : memref<10008x16xf32, #tpu.memory_space<vmem_shared>> -> memref<104x16xf32, #tpu.memory_space<vmem_shared>>
        tpu.enqueue_dma source(%dma_start3A_58 : memref<104x16xf32, #tpu.memory_space<vmem_shared>>) target(%arg6 : memref<104x16xf32, #tpu.memory_space<vmem>>) target_semaphore(%run_scoped3A : memref<!tpu.dma_semaphore, #tpu.memory_space<semaphore_mem>>)
        %dma_wait3A = arith.constant 0 : i32
        %dma_wait3A_59 = tpu.memref_slice %arg7[%add3A_49, %dma_wait3A] : memref<10008x16xf32, #tpu.memory_space<vmem_shared>> -> memref<104x16xf32, #tpu.memory_space<vmem_shared>>
        %dma_wait3A_60 = arith.constant 0 : i32
        %dma_wait3A_61 = tpu.memref_slice %arg7[%add3A_49, %dma_wait3A_60] : memref<10008x16xf32, #tpu.memory_space<vmem_shared>> -> memref<104x16xf32, #tpu.memory_space<vmem_shared>>
        tpu.wait_dma2 semaphore(%run_scoped3A : memref<!tpu.dma_semaphore, #tpu.memory_space<semaphore_mem>>) src(%dma_wait3A_61 : memref<104x16xf32, #tpu.memory_space<vmem_shared>>) dst(%arg6 : memref<104x16xf32, #tpu.memory_space<vmem>>)
        tpu.yield
      }) : () -> ()
      %mul3A_50 = arith.constant 624 : i32
      %mul3A_51 = arith.muli %arg1, %mul3A_50 : i32
      %mul3A_52 = arith.constant 104 : i32
      %mul3A_53 = arith.muli %scan3A_43, %mul3A_52 : i32
      %add3A_54 = arith.addi %mul3A_51, %mul3A_53 : i32
      "tpu.region"() ({
        %run_scoped3A = tpu.sem_alloc : memref<!tpu.dma_semaphore, #tpu.memory_space<semaphore_mem>>
        %dma_start3A = arith.constant 0 : i32
        %dma_start3A_56 = tpu.memref_slice %arg3[%arg0, %add3A_54, %dma_start3A] : memref<2x10000x16xf32, #tpu.memory_space<hbm>> -> memref<1x104x16xf32, #tpu.memory_space<hbm>>
        %dma_start3A_57 = tpu.memref_squeeze %dma_start3A_56 : memref<1x104x16xf32, #tpu.memory_space<hbm>> -> memref<104x16xf32, #tpu.memory_space<hbm>>
        %dma_start3A_58 = arith.constant 0 : i32
        %dma_start3A_59 = tpu.memref_slice %arg3[%arg0, %add3A_54, %dma_start3A_58] : memref<2x10000x16xf32, #tpu.memory_space<hbm>> -> memref<1x104x16xf32, #tpu.memory_space<hbm>>
        %dma_start3A_60 = tpu.memref_squeeze %dma_start3A_59 : memref<1x104x16xf32, #tpu.memory_space<hbm>> -> memref<104x16xf32, #tpu.memory_space<hbm>>
        tpu.enqueue_dma source(%arg6 : memref<104x16xf32, #tpu.memory_space<vmem>>) target(%dma_start3A_60 : memref<104x16xf32, #tpu.memory_space<hbm>>) target_semaphore(%run_scoped3A : memref<!tpu.dma_semaphore, #tpu.memory_space<semaphore_mem>>)
        %dma_wait3A = arith.constant 0 : i32
        %dma_wait3A_61 = tpu.memref_slice %arg3[%arg0, %add3A_54, %dma_wait3A] : memref<2x10000x16xf32, #tpu.memory_space<hbm>> -> memref<1x104x16xf32, #tpu.memory_space<hbm>>
        %dma_wait3A_62 = tpu.memref_squeeze %dma_wait3A_61 : memref<1x104x16xf32, #tpu.memory_space<hbm>> -> memref<104x16xf32, #tpu.memory_space<hbm>>
        %dma_wait3A_63 = arith.constant 0 : i32
        %dma_wait3A_64 = tpu.memref_slice %arg3[%arg0, %add3A_54, %dma_wait3A_63] : memref<2x10000x16xf32, #tpu.memory_space<hbm>> -> memref<1x104x16xf32, #tpu.memory_space<hbm>>
        %dma_wait3A_65 = tpu.memref_squeeze %dma_wait3A_64 : memref<1x104x16xf32, #tpu.memory_space<hbm>> -> memref<104x16xf32, #tpu.memory_space<hbm>>
        tpu.wait_dma2 semaphore(%run_scoped3A : memref<!tpu.dma_semaphore, #tpu.memory_space<semaphore_mem>>) src(%arg6 : memref<104x16xf32, #tpu.memory_space<vmem>>) dst(%dma_wait3A_65 : memref<104x16xf32, #tpu.memory_space<hbm>>)
        tpu.yield
      }) : () -> ()
      %scan3A_55 = arith.constant 0 : i32
      scf.yield %scan3A_55 : i32
    }
    %scan3A_37 = arith.constant 6 : i32
    %eq3A_38 = arith.constant 0 : i32
    %eq3A_39 = arith.cmpi eq, %arg1, %eq3A_38 : i32
    %convert_element_type3A_40 = arith.extui %eq3A_39 : i1 to i32
    %cond3A_41 = arith.constant 0 : i32
    %cond3A_42 = arith.cmpi ne, %convert_element_type3A_40, %cond3A_41 : i32
    scf.if %cond3A_42 {
      "tpu.region"() ({
        %run_scoped3A = tpu.sem_alloc : memref<!tpu.dma_semaphore, #tpu.memory_space<semaphore_mem>>
        %dma_start3A = arith.constant 0 : i32
        %dma_start3A_43 = arith.constant 0 : i32
        %dma_start3A_44 = tpu.memref_slice %arg6[%dma_start3A, %dma_start3A_43] : memref<104x16xf32, #tpu.memory_space<vmem>> -> memref<16x16xf32, #tpu.memory_space<vmem>>
        %dma_start3A_45 = arith.constant 9984 : i32
        %dma_start3A_46 = arith.constant 0 : i32
        %dma_start3A_47 = tpu.memref_slice %arg7[%dma_start3A_45, %dma_start3A_46] : memref<10008x16xf32, #tpu.memory_space<vmem_shared>> -> memref<16x16xf32, #tpu.memory_space<vmem_shared>>
        %dma_start3A_48 = arith.constant 0 : i32
        %dma_start3A_49 = arith.constant 0 : i32
        %dma_start3A_50 = tpu.memref_slice %arg6[%dma_start3A_48, %dma_start3A_49] : memref<104x16xf32, #tpu.memory_space<vmem>> -> memref<16x16xf32, #tpu.memory_space<vmem>>
        %dma_start3A_51 = arith.constant 9984 : i32
        %dma_start3A_52 = arith.constant 0 : i32
        %dma_start3A_53 = tpu.memref_slice %arg7[%dma_start3A_51, %dma_start3A_52] : memref<10008x16xf32, #tpu.memory_space<vmem_shared>> -> memref<16x16xf32, #tpu.memory_space<vmem_shared>>
        tpu.enqueue_dma source(%dma_start3A_53 : memref<16x16xf32, #tpu.memory_space<vmem_shared>>) target(%dma_start3A_50 : memref<16x16xf32, #tpu.memory_space<vmem>>) target_semaphore(%run_scoped3A : memref<!tpu.dma_semaphore, #tpu.memory_space<semaphore_mem>>)
        %dma_wait3A = arith.constant 0 : i32
        %dma_wait3A_54 = arith.constant 0 : i32
        %dma_wait3A_55 = tpu.memref_slice %arg6[%dma_wait3A, %dma_wait3A_54] : memref<104x16xf32, #tpu.memory_space<vmem>> -> memref<16x16xf32, #tpu.memory_space<vmem>>
        %dma_wait3A_56 = arith.constant 9984 : i32
        %dma_wait3A_57 = arith.constant 0 : i32
        %dma_wait3A_58 = tpu.memref_slice %arg7[%dma_wait3A_56, %dma_wait3A_57] : memref<10008x16xf32, #tpu.memory_space<vmem_shared>> -> memref<16x16xf32, #tpu.memory_space<vmem_shared>>
        %dma_wait3A_59 = arith.constant 0 : i32
        %dma_wait3A_60 = arith.constant 0 : i32
        %dma_wait3A_61 = tpu.memref_slice %arg6[%dma_wait3A_59, %dma_wait3A_60] : memref<104x16xf32, #tpu.memory_space<vmem>> -> memref<16x16xf32, #tpu.memory_space<vmem>>
        %dma_wait3A_62 = arith.constant 9984 : i32
        %dma_wait3A_63 = arith.constant 0 : i32
        %dma_wait3A_64 = tpu.memref_slice %arg7[%dma_wait3A_62, %dma_wait3A_63] : memref<10008x16xf32, #tpu.memory_space<vmem_shared>> -> memref<16x16xf32, #tpu.memory_space<vmem_shared>>
        tpu.wait_dma2 semaphore(%run_scoped3A : memref<!tpu.dma_semaphore, #tpu.memory_space<semaphore_mem>>) src(%dma_wait3A_64 : memref<16x16xf32, #tpu.memory_space<vmem_shared>>) dst(%dma_wait3A_61 : memref<16x16xf32, #tpu.memory_space<vmem>>)
        tpu.yield
      }) : () -> ()
      "tpu.region"() ({
        %run_scoped3A = tpu.sem_alloc : memref<!tpu.dma_semaphore, #tpu.memory_space<semaphore_mem>>
        %dma_start3A = arith.constant 0 : i32
        %dma_start3A_43 = arith.constant 0 : i32
        %dma_start3A_44 = tpu.memref_slice %arg6[%dma_start3A, %dma_start3A_43] : memref<104x16xf32, #tpu.memory_space<vmem>> -> memref<16x16xf32, #tpu.memory_space<vmem>>
        %dma_start3A_45 = arith.constant 9984 : i32
        %dma_start3A_46 = arith.constant 0 : i32
        %dma_start3A_47 = tpu.memref_slice %arg3[%arg0, %dma_start3A_45, %dma_start3A_46] : memref<2x10000x16xf32, #tpu.memory_space<hbm>> -> memref<1x16x16xf32, #tpu.memory_space<hbm>>
        %dma_start3A_48 = tpu.memref_squeeze %dma_start3A_47 : memref<1x16x16xf32, #tpu.memory_space<hbm>> -> memref<16x16xf32, #tpu.memory_space<hbm>>
        %dma_start3A_49 = arith.constant 9984 : i32
        %dma_start3A_50 = arith.constant 0 : i32
        %dma_start3A_51 = tpu.memref_slice %arg3[%arg0, %dma_start3A_49, %dma_start3A_50] : memref<2x10000x16xf32, #tpu.memory_space<hbm>> -> memref<1x16x16xf32, #tpu.memory_space<hbm>>
        %dma_start3A_52 = tpu.memref_squeeze %dma_start3A_51 : memref<1x16x16xf32, #tpu.memory_space<hbm>> -> memref<16x16xf32, #tpu.memory_space<hbm>>
        %dma_start3A_53 = arith.constant 0 : i32
        %dma_start3A_54 = arith.constant 0 : i32
        %dma_start3A_55 = tpu.memref_slice %arg6[%dma_start3A_53, %dma_start3A_54] : memref<104x16xf32, #tpu.memory_space<vmem>> -> memref<16x16xf32, #tpu.memory_space<vmem>>
        tpu.enqueue_dma source(%dma_start3A_55 : memref<16x16xf32, #tpu.memory_space<vmem>>) target(%dma_start3A_52 : memref<16x16xf32, #tpu.memory_space<hbm>>) target_semaphore(%run_scoped3A : memref<!tpu.dma_semaphore, #tpu.memory_space<semaphore_mem>>)
        %dma_wait3A = arith.constant 0 : i32
        %dma_wait3A_56 = arith.constant 0 : i32
        %dma_wait3A_57 = tpu.memref_slice %arg6[%dma_wait3A, %dma_wait3A_56] : memref<104x16xf32, #tpu.memory_space<vmem>> -> memref<16x16xf32, #tpu.memory_space<vmem>>
        %dma_wait3A_58 = arith.constant 9984 : i32
        %dma_wait3A_59 = arith.constant 0 : i32
        %dma_wait3A_60 = tpu.memref_slice %arg3[%arg0, %dma_wait3A_58, %dma_wait3A_59] : memref<2x10000x16xf32, #tpu.memory_space<hbm>> -> memref<1x16x16xf32, #tpu.memory_space<hbm>>
        %dma_wait3A_61 = tpu.memref_squeeze %dma_wait3A_60 : memref<1x16x16xf32, #tpu.memory_space<hbm>> -> memref<16x16xf32, #tpu.memory_space<hbm>>
        %dma_wait3A_62 = arith.constant 9984 : i32
        %dma_wait3A_63 = arith.constant 0 : i32
        %dma_wait3A_64 = tpu.memref_slice %arg3[%arg0, %dma_wait3A_62, %dma_wait3A_63] : memref<2x10000x16xf32, #tpu.memory_space<hbm>> -> memref<1x16x16xf32, #tpu.memory_space<hbm>>
        %dma_wait3A_65 = tpu.memref_squeeze %dma_wait3A_64 : memref<1x16x16xf32, #tpu.memory_space<hbm>> -> memref<16x16xf32, #tpu.memory_space<hbm>>
        %dma_wait3A_66 = arith.constant 0 : i32
        %dma_wait3A_67 = arith.constant 0 : i32
        %dma_wait3A_68 = tpu.memref_slice %arg6[%dma_wait3A_66, %dma_wait3A_67] : memref<104x16xf32, #tpu.memory_space<vmem>> -> memref<16x16xf32, #tpu.memory_space<vmem>>
        tpu.wait_dma2 semaphore(%run_scoped3A : memref<!tpu.dma_semaphore, #tpu.memory_space<semaphore_mem>>) src(%dma_wait3A_68 : memref<16x16xf32, #tpu.memory_space<vmem>>) dst(%dma_wait3A_65 : memref<16x16xf32, #tpu.memory_space<hbm>>)
        tpu.yield
      }) : () -> ()
    } else {
    }
    return
  }
}

#map = affine_map<(d0, d1) -> (0, 0)>
#map1 = affine_map<(d0, d1) -> (0, 0, 0, 0)>
#map2 = affine_map<(d0, d1) -> (0, 0, 0)>
module attributes {stable_mosaic.version = 14 : i64} {
  func.func @agg(%arg0: i32, %arg1: i32, %arg2: memref<10000x128xf32, #tpu.memory_space<hbm>>, %arg3: memref<32x5x25x80xi32, #tpu.memory_space<hbm>>, %arg4: memref<32x5x25x80xi32, #tpu.memory_space<hbm>>, %arg5: memref<2x10000x128xf32, #tpu.memory_space<hbm>>, %arg6: memref<25x80xi32, #tpu.memory_space<vmem>>, %arg7: memref<25x80xi32, #tpu.memory_space<vmem>>, %arg8: memref<3x80x128xf32, #tpu.memory_space<vmem>>, %arg9: memref<10008x128xf32, #tpu.memory_space<vmem_shared>>, %arg10: memref<!tpu.dma_semaphore, #tpu.memory_space<semaphore_mem>>, %arg11: memref<!tpu.dma_semaphore, #tpu.memory_space<semaphore_mem>>) attributes {dimension_semantics = [#tpu.dimension_semantics<core_parallel>, #tpu.dimension_semantics<subcore_parallel>], iteration_bounds = array<i64: 2, 16>, scalar_prefetch = 0 : i64, scratch_operands = 6 : i64, tpu.core_type = #tpu.core_type<sc_vector_subcore>, window_params = [{transform_indices = #map}, {transform_indices = #map1}, {transform_indices = #map1}, {transform_indices = #map2}]} {
    %mul3A = arith.constant 2 : i32
    %mul3A_0 = arith.muli %arg1, %mul3A : i32
    %add3A = arith.addi %mul3A_0, %arg0 : i32
    %mul3A_1 = arith.constant 624 : i32
    %mul3A_2 = arith.muli %arg1, %mul3A_1 : i32
    "tpu.region"() ({
      %run_scoped3A = tpu.sem_alloc : memref<!tpu.dma_semaphore, #tpu.memory_space<semaphore_mem>>
      %dma_start3A = arith.constant 0 : i32
      %dma_start3A_17 = tpu.memref_slice %arg9[%mul3A_2, %dma_start3A] : memref<10008x128xf32, #tpu.memory_space<vmem_shared>> -> memref<624x128xf32, #tpu.memory_space<vmem_shared>>
      %dma_start3A_18 = arith.constant 0 : i32
      %dma_start3A_19 = tpu.memref_slice %arg2[%mul3A_2, %dma_start3A_18] : memref<10000x128xf32, #tpu.memory_space<hbm>> -> memref<624x128xf32, #tpu.memory_space<hbm>>
      tpu.enqueue_dma source(%dma_start3A_19 : memref<624x128xf32, #tpu.memory_space<hbm>>) target(%dma_start3A_17 : memref<624x128xf32, #tpu.memory_space<vmem_shared>>) target_semaphore(%run_scoped3A : memref<!tpu.dma_semaphore, #tpu.memory_space<semaphore_mem>>)
      %dma_wait3A = arith.constant 0 : i32
      %dma_wait3A_20 = tpu.memref_slice %arg9[%mul3A_2, %dma_wait3A] : memref<10008x128xf32, #tpu.memory_space<vmem_shared>> -> memref<624x128xf32, #tpu.memory_space<vmem_shared>>
      %dma_wait3A_21 = arith.constant 0 : i32
      %dma_wait3A_22 = tpu.memref_slice %arg2[%mul3A_2, %dma_wait3A_21] : memref<10000x128xf32, #tpu.memory_space<hbm>> -> memref<624x128xf32, #tpu.memory_space<hbm>>
      tpu.wait_dma2 semaphore(%run_scoped3A : memref<!tpu.dma_semaphore, #tpu.memory_space<semaphore_mem>>) src(%dma_wait3A_22 : memref<624x128xf32, #tpu.memory_space<hbm>>) dst(%dma_wait3A_20 : memref<624x128xf32, #tpu.memory_space<vmem_shared>>)
      tpu.yield
    }) : () -> ()
    %eq3A = arith.constant 0 : i32
    %eq3A_3 = arith.cmpi eq, %arg1, %eq3A : i32
    %convert_element_type3A = arith.extui %eq3A_3 : i1 to i32
    %cond3A = arith.constant 0 : i32
    %cond3A_4 = arith.cmpi ne, %convert_element_type3A, %cond3A : i32
    scf.if %cond3A_4 {
      "tpu.region"() ({
        %run_scoped3A = tpu.sem_alloc : memref<!tpu.dma_semaphore, #tpu.memory_space<semaphore_mem>>
        %dma_start3A = arith.constant 9984 : i32
        %dma_start3A_17 = arith.constant 0 : i32
        %dma_start3A_18 = tpu.memref_slice %arg9[%dma_start3A, %dma_start3A_17] : memref<10008x128xf32, #tpu.memory_space<vmem_shared>> -> memref<16x128xf32, #tpu.memory_space<vmem_shared>>
        %dma_start3A_19 = arith.constant 9984 : i32
        %dma_start3A_20 = arith.constant 0 : i32
        %dma_start3A_21 = tpu.memref_slice %arg2[%dma_start3A_19, %dma_start3A_20] : memref<10000x128xf32, #tpu.memory_space<hbm>> -> memref<16x128xf32, #tpu.memory_space<hbm>>
        tpu.enqueue_dma source(%dma_start3A_21 : memref<16x128xf32, #tpu.memory_space<hbm>>) target(%dma_start3A_18 : memref<16x128xf32, #tpu.memory_space<vmem_shared>>) target_semaphore(%run_scoped3A : memref<!tpu.dma_semaphore, #tpu.memory_space<semaphore_mem>>)
        %dma_wait3A = arith.constant 9984 : i32
        %dma_wait3A_22 = arith.constant 0 : i32
        %dma_wait3A_23 = tpu.memref_slice %arg9[%dma_wait3A, %dma_wait3A_22] : memref<10008x128xf32, #tpu.memory_space<vmem_shared>> -> memref<16x128xf32, #tpu.memory_space<vmem_shared>>
        %dma_wait3A_24 = arith.constant 9984 : i32
        %dma_wait3A_25 = arith.constant 0 : i32
        %dma_wait3A_26 = tpu.memref_slice %arg2[%dma_wait3A_24, %dma_wait3A_25] : memref<10000x128xf32, #tpu.memory_space<hbm>> -> memref<16x128xf32, #tpu.memory_space<hbm>>
        tpu.wait_dma2 semaphore(%run_scoped3A : memref<!tpu.dma_semaphore, #tpu.memory_space<semaphore_mem>>) src(%dma_wait3A_26 : memref<16x128xf32, #tpu.memory_space<hbm>>) dst(%dma_wait3A_23 : memref<16x128xf32, #tpu.memory_space<vmem_shared>>)
        tpu.yield
      }) : () -> ()
    } else {
    }
    %barrier3A = arith.constant 0 : index
    tpu.barrier barrier_id(%barrier3A)
    %scan3A = arith.constant 0 : i32
    %scan3A_5 = arith.constant 0 : i32
    %scan3A_6 = arith.constant 5 : i32
    %scan3A_7 = arith.addi %scan3A_5, %scan3A_6 : i32
    %scan3A_8 = arith.constant 1 : i32
    %scan3A_9 = scf.for %scan3A_17 = %scan3A_5 to %scan3A_7 step %scan3A_8 iter_args(%scan3A_18 = %scan3A) -> (i32)  : i32 {
      "tpu.region"() ({
        %run_scoped3A = tpu.sem_alloc : memref<!tpu.dma_semaphore, #tpu.memory_space<semaphore_mem>>
        %dma_start3A_57 = arith.constant 0 : i32
        %dma_start3A_58 = arith.constant 0 : i32
        %dma_start3A_59 = tpu.memref_slice %arg3[%add3A, %scan3A_17, %dma_start3A_57, %dma_start3A_58] : memref<32x5x25x80xi32, #tpu.memory_space<hbm>> -> memref<1x1x25x80xi32, #tpu.memory_space<hbm>>
        %dma_start3A_60 = tpu.memref_squeeze %dma_start3A_59 : memref<1x1x25x80xi32, #tpu.memory_space<hbm>> -> memref<25x80xi32, #tpu.memory_space<hbm>>
        %dma_start3A_61 = arith.constant 0 : i32
        %dma_start3A_62 = arith.constant 0 : i32
        %dma_start3A_63 = tpu.memref_slice %arg3[%add3A, %scan3A_17, %dma_start3A_61, %dma_start3A_62] : memref<32x5x25x80xi32, #tpu.memory_space<hbm>> -> memref<1x1x25x80xi32, #tpu.memory_space<hbm>>
        %dma_start3A_64 = tpu.memref_squeeze %dma_start3A_63 : memref<1x1x25x80xi32, #tpu.memory_space<hbm>> -> memref<25x80xi32, #tpu.memory_space<hbm>>
        tpu.enqueue_dma source(%dma_start3A_64 : memref<25x80xi32, #tpu.memory_space<hbm>>) target(%arg6 : memref<25x80xi32, #tpu.memory_space<vmem>>) target_semaphore(%run_scoped3A : memref<!tpu.dma_semaphore, #tpu.memory_space<semaphore_mem>>)
        %dma_wait3A = arith.constant 0 : i32
        %dma_wait3A_65 = arith.constant 0 : i32
        %dma_wait3A_66 = tpu.memref_slice %arg3[%add3A, %scan3A_17, %dma_wait3A, %dma_wait3A_65] : memref<32x5x25x80xi32, #tpu.memory_space<hbm>> -> memref<1x1x25x80xi32, #tpu.memory_space<hbm>>
        %dma_wait3A_67 = tpu.memref_squeeze %dma_wait3A_66 : memref<1x1x25x80xi32, #tpu.memory_space<hbm>> -> memref<25x80xi32, #tpu.memory_space<hbm>>
        %dma_wait3A_68 = arith.constant 0 : i32
        %dma_wait3A_69 = arith.constant 0 : i32
        %dma_wait3A_70 = tpu.memref_slice %arg3[%add3A, %scan3A_17, %dma_wait3A_68, %dma_wait3A_69] : memref<32x5x25x80xi32, #tpu.memory_space<hbm>> -> memref<1x1x25x80xi32, #tpu.memory_space<hbm>>
        %dma_wait3A_71 = tpu.memref_squeeze %dma_wait3A_70 : memref<1x1x25x80xi32, #tpu.memory_space<hbm>> -> memref<25x80xi32, #tpu.memory_space<hbm>>
        tpu.wait_dma2 semaphore(%run_scoped3A : memref<!tpu.dma_semaphore, #tpu.memory_space<semaphore_mem>>) src(%dma_wait3A_71 : memref<25x80xi32, #tpu.memory_space<hbm>>) dst(%arg6 : memref<25x80xi32, #tpu.memory_space<vmem>>)
        tpu.yield
      }) : () -> ()
      "tpu.region"() ({
        %run_scoped3A = tpu.sem_alloc : memref<!tpu.dma_semaphore, #tpu.memory_space<semaphore_mem>>
        %dma_start3A_57 = arith.constant 0 : i32
        %dma_start3A_58 = arith.constant 0 : i32
        %dma_start3A_59 = tpu.memref_slice %arg4[%add3A, %scan3A_17, %dma_start3A_57, %dma_start3A_58] : memref<32x5x25x80xi32, #tpu.memory_space<hbm>> -> memref<1x1x25x80xi32, #tpu.memory_space<hbm>>
        %dma_start3A_60 = tpu.memref_squeeze %dma_start3A_59 : memref<1x1x25x80xi32, #tpu.memory_space<hbm>> -> memref<25x80xi32, #tpu.memory_space<hbm>>
        %dma_start3A_61 = arith.constant 0 : i32
        %dma_start3A_62 = arith.constant 0 : i32
        %dma_start3A_63 = tpu.memref_slice %arg4[%add3A, %scan3A_17, %dma_start3A_61, %dma_start3A_62] : memref<32x5x25x80xi32, #tpu.memory_space<hbm>> -> memref<1x1x25x80xi32, #tpu.memory_space<hbm>>
        %dma_start3A_64 = tpu.memref_squeeze %dma_start3A_63 : memref<1x1x25x80xi32, #tpu.memory_space<hbm>> -> memref<25x80xi32, #tpu.memory_space<hbm>>
        tpu.enqueue_dma source(%dma_start3A_64 : memref<25x80xi32, #tpu.memory_space<hbm>>) target(%arg7 : memref<25x80xi32, #tpu.memory_space<vmem>>) target_semaphore(%run_scoped3A : memref<!tpu.dma_semaphore, #tpu.memory_space<semaphore_mem>>)
        %dma_wait3A = arith.constant 0 : i32
        %dma_wait3A_65 = arith.constant 0 : i32
        %dma_wait3A_66 = tpu.memref_slice %arg4[%add3A, %scan3A_17, %dma_wait3A, %dma_wait3A_65] : memref<32x5x25x80xi32, #tpu.memory_space<hbm>> -> memref<1x1x25x80xi32, #tpu.memory_space<hbm>>
        %dma_wait3A_67 = tpu.memref_squeeze %dma_wait3A_66 : memref<1x1x25x80xi32, #tpu.memory_space<hbm>> -> memref<25x80xi32, #tpu.memory_space<hbm>>
        %dma_wait3A_68 = arith.constant 0 : i32
        %dma_wait3A_69 = arith.constant 0 : i32
        %dma_wait3A_70 = tpu.memref_slice %arg4[%add3A, %scan3A_17, %dma_wait3A_68, %dma_wait3A_69] : memref<32x5x25x80xi32, #tpu.memory_space<hbm>> -> memref<1x1x25x80xi32, #tpu.memory_space<hbm>>
        %dma_wait3A_71 = tpu.memref_squeeze %dma_wait3A_70 : memref<1x1x25x80xi32, #tpu.memory_space<hbm>> -> memref<25x80xi32, #tpu.memory_space<hbm>>
        tpu.wait_dma2 semaphore(%run_scoped3A : memref<!tpu.dma_semaphore, #tpu.memory_space<semaphore_mem>>) src(%dma_wait3A_71 : memref<25x80xi32, #tpu.memory_space<hbm>>) dst(%arg7 : memref<25x80xi32, #tpu.memory_space<vmem>>)
        tpu.yield
      }) : () -> ()
      %dma_start3A = arith.constant 0 : i32
      %dma_start3A_19 = arith.constant 0 : i32
      %dma_start3A_20 = arith.constant 0 : i32
      %dma_start3A_21 = arith.constant 0 : i32
      %dma_start3A_22 = tpu.memref_slice %arg8[%dma_start3A_19, %dma_start3A_20, %dma_start3A_21] : memref<3x80x128xf32, #tpu.memory_space<vmem>> -> memref<1x80x128xf32, #tpu.memory_space<vmem>>
      %dma_start3A_23 = tpu.memref_squeeze %dma_start3A_22 : memref<1x80x128xf32, #tpu.memory_space<vmem>> -> memref<80x128xf32, #tpu.memory_space<vmem>>
      %dma_start3A_24 = arith.constant 0 : i32
      %dma_start3A_25 = tpu.memref_slice %arg6[%dma_start3A, %dma_start3A_24] : memref<25x80xi32, #tpu.memory_space<vmem>> -> memref<1x80xi32, #tpu.memory_space<vmem>>
      %dma_start3A_26 = tpu.memref_squeeze %dma_start3A_25 : memref<1x80xi32, #tpu.memory_space<vmem>> -> memref<80xi32, #tpu.memory_space<vmem>>
      %dma_start3A_27 = arith.constant 0 : i32
      %dma_start3A_28 = arith.constant 0 : i32
      %dma_start3A_29 = tpu.memref_slice %arg2[%dma_start3A_27, %dma_start3A_28] : memref<10000x128xf32, #tpu.memory_space<hbm>> -> memref<10000x128xf32, #tpu.memory_space<hbm>>
      tpu.enqueue_indirect_dma source(%dma_start3A_29 : memref<10000x128xf32, #tpu.memory_space<hbm>>) target(%dma_start3A_23 : memref<80x128xf32, #tpu.memory_space<vmem>>) offsets(%dma_start3A_26 : memref<80xi32, #tpu.memory_space<vmem>>) semaphore(%arg10 : memref<!tpu.dma_semaphore, #tpu.memory_space<semaphore_mem>>)
      %dma_start3A_30 = arith.constant 1 : i32
      %dma_start3A_31 = arith.constant 1 : i32
      %dma_start3A_32 = arith.constant 0 : i32
      %dma_start3A_33 = arith.constant 0 : i32
      %dma_start3A_34 = tpu.memref_slice %arg8[%dma_start3A_31, %dma_start3A_32, %dma_start3A_33] : memref<3x80x128xf32, #tpu.memory_space<vmem>> -> memref<1x80x128xf32, #tpu.memory_space<vmem>>
      %dma_start3A_35 = tpu.memref_squeeze %dma_start3A_34 : memref<1x80x128xf32, #tpu.memory_space<vmem>> -> memref<80x128xf32, #tpu.memory_space<vmem>>
      %dma_start3A_36 = arith.constant 0 : i32
      %dma_start3A_37 = tpu.memref_slice %arg6[%dma_start3A_30, %dma_start3A_36] : memref<25x80xi32, #tpu.memory_space<vmem>> -> memref<1x80xi32, #tpu.memory_space<vmem>>
      %dma_start3A_38 = tpu.memref_squeeze %dma_start3A_37 : memref<1x80xi32, #tpu.memory_space<vmem>> -> memref<80xi32, #tpu.memory_space<vmem>>
      %dma_start3A_39 = arith.constant 0 : i32
      %dma_start3A_40 = arith.constant 0 : i32
      %dma_start3A_41 = tpu.memref_slice %arg2[%dma_start3A_39, %dma_start3A_40] : memref<10000x128xf32, #tpu.memory_space<hbm>> -> memref<10000x128xf32, #tpu.memory_space<hbm>>
      tpu.enqueue_indirect_dma source(%dma_start3A_41 : memref<10000x128xf32, #tpu.memory_space<hbm>>) target(%dma_start3A_35 : memref<80x128xf32, #tpu.memory_space<vmem>>) offsets(%dma_start3A_38 : memref<80xi32, #tpu.memory_space<vmem>>) semaphore(%arg10 : memref<!tpu.dma_semaphore, #tpu.memory_space<semaphore_mem>>)
      %scan3A_42 = arith.constant 0 : i32
      %scan3A_43 = arith.constant 0 : i32
      %scan3A_44 = arith.constant 25 : i32
      %scan3A_45 = arith.addi %scan3A_43, %scan3A_44 : i32
      %scan3A_46 = arith.constant 1 : i32
      %scan3A_47 = scf.for %scan3A_57 = %scan3A_43 to %scan3A_45 step %scan3A_46 iter_args(%scan3A_58 = %scan3A_42) -> (i32)  : i32 {
        %jit3A = arith.constant 3 : i32
        %eq3A_59 = arith.constant 0 : i32
        %eq3A_60 = arith.cmpi eq, %jit3A, %eq3A_59 : i32
        %jit3A_61 = arith.constant 1 : i32
        %select_n3A = arith.select %eq3A_60, %jit3A_61, %jit3A : i32
        %rem3A = arith.remsi %scan3A_57, %select_n3A : i32
        %ne3A = arith.constant 0 : i32
        %ne3A_62 = arith.cmpi ne, %rem3A, %ne3A : i32
        %lt3A = arith.constant 0 : i32
        %lt3A_63 = arith.cmpi slt, %rem3A, %lt3A : i32
        %lt3A_64 = arith.constant 0 : i32
        %lt3A_65 = arith.cmpi slt, %select_n3A, %lt3A_64 : i32
        %ne3A_66 = arith.xori %lt3A_63, %lt3A_65 : i1
        %and3A = arith.andi %ne3A_66, %ne3A_62 : i1
        %add3A_67 = arith.addi %rem3A, %select_n3A : i32
        %select_n3A_68 = arith.select %and3A, %add3A_67, %rem3A : i32
        %dma_wait3A = arith.constant 0 : i32
        %dma_wait3A_69 = arith.constant 0 : i32
        %dma_wait3A_70 = tpu.memref_slice %arg8[%select_n3A_68, %dma_wait3A, %dma_wait3A_69] : memref<3x80x128xf32, #tpu.memory_space<vmem>> -> memref<1x80x128xf32, #tpu.memory_space<vmem>>
        %dma_wait3A_71 = tpu.memref_squeeze %dma_wait3A_70 : memref<1x80x128xf32, #tpu.memory_space<vmem>> -> memref<80x128xf32, #tpu.memory_space<vmem>>
        %dma_wait3A_72 = arith.constant 0 : i32
        %dma_wait3A_73 = tpu.memref_slice %arg6[%scan3A_57, %dma_wait3A_72] : memref<25x80xi32, #tpu.memory_space<vmem>> -> memref<1x80xi32, #tpu.memory_space<vmem>>
        %dma_wait3A_74 = tpu.memref_squeeze %dma_wait3A_73 : memref<1x80xi32, #tpu.memory_space<vmem>> -> memref<80xi32, #tpu.memory_space<vmem>>
        %dma_wait3A_75 = arith.constant 0 : i32
        %dma_wait3A_76 = arith.constant 0 : i32
        %dma_wait3A_77 = tpu.memref_slice %arg2[%dma_wait3A_75, %dma_wait3A_76] : memref<10000x128xf32, #tpu.memory_space<hbm>> -> memref<10000x128xf32, #tpu.memory_space<hbm>>
        tpu.wait_indirect_dma semaphore(%arg10 : memref<!tpu.dma_semaphore, #tpu.memory_space<semaphore_mem>>) src(%dma_wait3A_77 : memref<10000x128xf32, #tpu.memory_space<hbm>>) dst(%dma_wait3A_71 : memref<80x128xf32, #tpu.memory_space<vmem>>)
        %dma_start3A_78 = arith.constant 0 : i32
        %dma_start3A_79 = arith.constant 0 : i32
        %dma_start3A_80 = tpu.memref_slice %arg8[%select_n3A_68, %dma_start3A_78, %dma_start3A_79] : memref<3x80x128xf32, #tpu.memory_space<vmem>> -> memref<1x80x128xf32, #tpu.memory_space<vmem>>
        %dma_start3A_81 = tpu.memref_squeeze %dma_start3A_80 : memref<1x80x128xf32, #tpu.memory_space<vmem>> -> memref<80x128xf32, #tpu.memory_space<vmem>>
        %dma_start3A_82 = arith.constant 0 : i32
        %dma_start3A_83 = tpu.memref_slice %arg7[%scan3A_57, %dma_start3A_82] : memref<25x80xi32, #tpu.memory_space<vmem>> -> memref<1x80xi32, #tpu.memory_space<vmem>>
        %dma_start3A_84 = tpu.memref_squeeze %dma_start3A_83 : memref<1x80xi32, #tpu.memory_space<vmem>> -> memref<80xi32, #tpu.memory_space<vmem>>
        %dma_start3A_85 = arith.constant 0 : i32
        %dma_start3A_86 = arith.constant 0 : i32
        %dma_start3A_87 = tpu.memref_slice %arg9[%dma_start3A_85, %dma_start3A_86] : memref<10008x128xf32, #tpu.memory_space<vmem_shared>> -> memref<10008x128xf32, #tpu.memory_space<vmem_shared>>
        tpu.enqueue_indirect_dma source(%dma_start3A_81 : memref<80x128xf32, #tpu.memory_space<vmem>>) target(%dma_start3A_87 : memref<10008x128xf32, #tpu.memory_space<vmem_shared>>) offsets(%dma_start3A_84 : memref<80xi32, #tpu.memory_space<vmem>>) semaphore(%arg11 : memref<!tpu.dma_semaphore, #tpu.memory_space<semaphore_mem>>) {add = true}
        %add3A_88 = arith.constant 3 : i32
        %add3A_89 = arith.addi %scan3A_57, %add3A_88 : i32
        %sub3A = arith.constant 1 : i32
        %sub3A_90 = arith.subi %add3A_89, %sub3A : i32
        %lt3A_91 = arith.constant 25 : i32
        %lt3A_92 = arith.cmpi slt, %sub3A_90, %lt3A_91 : i32
        %convert_element_type3A_93 = arith.extui %lt3A_92 : i1 to i32
        %cond3A_94 = arith.constant 0 : i32
        %cond3A_95 = arith.cmpi ne, %convert_element_type3A_93, %cond3A_94 : i32
        scf.if %cond3A_95 {
          %ge3A = arith.constant 1 : i32
          %ge3A_97 = arith.cmpi sge, %scan3A_57, %ge3A : i32
          %convert_element_type3A_98 = arith.extui %ge3A_97 : i1 to i32
          %cond3A_99 = arith.constant 0 : i32
          %cond3A_100 = arith.cmpi ne, %convert_element_type3A_98, %cond3A_99 : i32
          scf.if %cond3A_100 {
            %add3A_135 = arith.constant 3 : i32
            %add3A_136 = arith.addi %scan3A_57, %add3A_135 : i32
            %sub3A_137 = arith.constant 1 : i32
            %sub3A_138 = arith.subi %add3A_136, %sub3A_137 : i32
            %jit3A_139 = arith.constant 3 : i32
            %eq3A_140 = arith.constant 0 : i32
            %eq3A_141 = arith.cmpi eq, %jit3A_139, %eq3A_140 : i32
            %jit3A_142 = arith.constant 1 : i32
            %select_n3A_143 = arith.select %eq3A_141, %jit3A_142, %jit3A_139 : i32
            %rem3A_144 = arith.remsi %sub3A_138, %select_n3A_143 : i32
            %ne3A_145 = arith.constant 0 : i32
            %ne3A_146 = arith.cmpi ne, %rem3A_144, %ne3A_145 : i32
            %lt3A_147 = arith.constant 0 : i32
            %lt3A_148 = arith.cmpi slt, %rem3A_144, %lt3A_147 : i32
            %lt3A_149 = arith.constant 0 : i32
            %lt3A_150 = arith.cmpi slt, %select_n3A_143, %lt3A_149 : i32
            %ne3A_151 = arith.xori %lt3A_148, %lt3A_150 : i1
            %and3A_152 = arith.andi %ne3A_151, %ne3A_146 : i1
            %add3A_153 = arith.addi %rem3A_144, %select_n3A_143 : i32
            %select_n3A_154 = arith.select %and3A_152, %add3A_153, %rem3A_144 : i32
            %sub3A_155 = arith.constant 1 : i32
            %sub3A_156 = arith.subi %scan3A_57, %sub3A_155 : i32
            %dma_wait3A_157 = arith.constant 0 : i32
            %dma_wait3A_158 = arith.constant 0 : i32
            %dma_wait3A_159 = tpu.memref_slice %arg8[%select_n3A_154, %dma_wait3A_157, %dma_wait3A_158] : memref<3x80x128xf32, #tpu.memory_space<vmem>> -> memref<1x80x128xf32, #tpu.memory_space<vmem>>
            %dma_wait3A_160 = tpu.memref_squeeze %dma_wait3A_159 : memref<1x80x128xf32, #tpu.memory_space<vmem>> -> memref<80x128xf32, #tpu.memory_space<vmem>>
            %dma_wait3A_161 = arith.constant 0 : i32
            %dma_wait3A_162 = tpu.memref_slice %arg7[%sub3A_156, %dma_wait3A_161] : memref<25x80xi32, #tpu.memory_space<vmem>> -> memref<1x80xi32, #tpu.memory_space<vmem>>
            %dma_wait3A_163 = tpu.memref_squeeze %dma_wait3A_162 : memref<1x80xi32, #tpu.memory_space<vmem>> -> memref<80xi32, #tpu.memory_space<vmem>>
            %dma_wait3A_164 = arith.constant 0 : i32
            %dma_wait3A_165 = arith.constant 0 : i32
            %dma_wait3A_166 = tpu.memref_slice %arg9[%dma_wait3A_164, %dma_wait3A_165] : memref<10008x128xf32, #tpu.memory_space<vmem_shared>> -> memref<10008x128xf32, #tpu.memory_space<vmem_shared>>
            tpu.wait_indirect_dma semaphore(%arg11 : memref<!tpu.dma_semaphore, #tpu.memory_space<semaphore_mem>>) src(%dma_wait3A_160 : memref<80x128xf32, #tpu.memory_space<vmem>>) dst(%dma_wait3A_166 : memref<10008x128xf32, #tpu.memory_space<vmem_shared>>)
          } else {
          }
          %add3A_101 = arith.constant 3 : i32
          %add3A_102 = arith.addi %scan3A_57, %add3A_101 : i32
          %sub3A_103 = arith.constant 1 : i32
          %sub3A_104 = arith.subi %add3A_102, %sub3A_103 : i32
          %add3A_105 = arith.constant 3 : i32
          %add3A_106 = arith.addi %scan3A_57, %add3A_105 : i32
          %sub3A_107 = arith.constant 1 : i32
          %sub3A_108 = arith.subi %add3A_106, %sub3A_107 : i32
          %jit3A_109 = arith.constant 3 : i32
          %eq3A_110 = arith.constant 0 : i32
          %eq3A_111 = arith.cmpi eq, %jit3A_109, %eq3A_110 : i32
          %jit3A_112 = arith.constant 1 : i32
          %select_n3A_113 = arith.select %eq3A_111, %jit3A_112, %jit3A_109 : i32
          %rem3A_114 = arith.remsi %sub3A_108, %select_n3A_113 : i32
          %ne3A_115 = arith.constant 0 : i32
          %ne3A_116 = arith.cmpi ne, %rem3A_114, %ne3A_115 : i32
          %lt3A_117 = arith.constant 0 : i32
          %lt3A_118 = arith.cmpi slt, %rem3A_114, %lt3A_117 : i32
          %lt3A_119 = arith.constant 0 : i32
          %lt3A_120 = arith.cmpi slt, %select_n3A_113, %lt3A_119 : i32
          %ne3A_121 = arith.xori %lt3A_118, %lt3A_120 : i1
          %and3A_122 = arith.andi %ne3A_121, %ne3A_116 : i1
          %add3A_123 = arith.addi %rem3A_114, %select_n3A_113 : i32
          %select_n3A_124 = arith.select %and3A_122, %add3A_123, %rem3A_114 : i32
          %dma_start3A_125 = arith.constant 0 : i32
          %dma_start3A_126 = arith.constant 0 : i32
          %dma_start3A_127 = tpu.memref_slice %arg8[%select_n3A_124, %dma_start3A_125, %dma_start3A_126] : memref<3x80x128xf32, #tpu.memory_space<vmem>> -> memref<1x80x128xf32, #tpu.memory_space<vmem>>
          %dma_start3A_128 = tpu.memref_squeeze %dma_start3A_127 : memref<1x80x128xf32, #tpu.memory_space<vmem>> -> memref<80x128xf32, #tpu.memory_space<vmem>>
          %dma_start3A_129 = arith.constant 0 : i32
          %dma_start3A_130 = tpu.memref_slice %arg6[%sub3A_104, %dma_start3A_129] : memref<25x80xi32, #tpu.memory_space<vmem>> -> memref<1x80xi32, #tpu.memory_space<vmem>>
          %dma_start3A_131 = tpu.memref_squeeze %dma_start3A_130 : memref<1x80xi32, #tpu.memory_space<vmem>> -> memref<80xi32, #tpu.memory_space<vmem>>
          %dma_start3A_132 = arith.constant 0 : i32
          %dma_start3A_133 = arith.constant 0 : i32
          %dma_start3A_134 = tpu.memref_slice %arg2[%dma_start3A_132, %dma_start3A_133] : memref<10000x128xf32, #tpu.memory_space<hbm>> -> memref<10000x128xf32, #tpu.memory_space<hbm>>
          tpu.enqueue_indirect_dma source(%dma_start3A_134 : memref<10000x128xf32, #tpu.memory_space<hbm>>) target(%dma_start3A_128 : memref<80x128xf32, #tpu.memory_space<vmem>>) offsets(%dma_start3A_131 : memref<80xi32, #tpu.memory_space<vmem>>) semaphore(%arg10 : memref<!tpu.dma_semaphore, #tpu.memory_space<semaphore_mem>>)
        } else {
        }
        %scan3A_96 = arith.constant 0 : i32
        scf.yield %scan3A_96 : i32
      }
      %scan3A_48 = arith.constant 25 : i32
      %scan3A_49 = arith.constant 0 : i32
      %scan3A_50 = arith.constant 0 : i32
      %scan3A_51 = arith.constant 3 : i32
      %scan3A_52 = arith.addi %scan3A_50, %scan3A_51 : i32
      %scan3A_53 = arith.constant 1 : i32
      %scan3A_54 = scf.for %scan3A_57 = %scan3A_50 to %scan3A_52 step %scan3A_53 iter_args(%scan3A_58 = %scan3A_49) -> (i32)  : i32 {
        %dma_wait3A = arith.constant 0 : i32
        %dma_wait3A_59 = arith.constant 0 : i32
        %dma_wait3A_60 = arith.constant 0 : i32
        %dma_wait3A_61 = arith.constant 0 : i32
        %dma_wait3A_62 = tpu.memref_slice %arg8[%dma_wait3A, %dma_wait3A_60, %dma_wait3A_61] : memref<3x80x128xf32, #tpu.memory_space<vmem>> -> memref<1x80x128xf32, #tpu.memory_space<vmem>>
        %dma_wait3A_63 = tpu.memref_squeeze %dma_wait3A_62 : memref<1x80x128xf32, #tpu.memory_space<vmem>> -> memref<80x128xf32, #tpu.memory_space<vmem>>
        %dma_wait3A_64 = arith.constant 0 : i32
        %dma_wait3A_65 = tpu.memref_slice %arg7[%dma_wait3A_59, %dma_wait3A_64] : memref<25x80xi32, #tpu.memory_space<vmem>> -> memref<1x80xi32, #tpu.memory_space<vmem>>
        %dma_wait3A_66 = tpu.memref_squeeze %dma_wait3A_65 : memref<1x80xi32, #tpu.memory_space<vmem>> -> memref<80xi32, #tpu.memory_space<vmem>>
        %dma_wait3A_67 = arith.constant 0 : i32
        %dma_wait3A_68 = arith.constant 0 : i32
        %dma_wait3A_69 = tpu.memref_slice %arg9[%dma_wait3A_67, %dma_wait3A_68] : memref<10008x128xf32, #tpu.memory_space<vmem_shared>> -> memref<10008x128xf32, #tpu.memory_space<vmem_shared>>
        tpu.wait_indirect_dma semaphore(%arg11 : memref<!tpu.dma_semaphore, #tpu.memory_space<semaphore_mem>>) src(%dma_wait3A_63 : memref<80x128xf32, #tpu.memory_space<vmem>>) dst(%dma_wait3A_69 : memref<10008x128xf32, #tpu.memory_space<vmem_shared>>)
        %scan3A_70 = arith.constant 0 : i32
        scf.yield %scan3A_70 : i32
      }
      %scan3A_55 = arith.constant 3 : i32
      %scan3A_56 = arith.constant 0 : i32
      scf.yield %scan3A_56 : i32
    }
    %scan3A_10 = arith.constant 5 : i32
    %barrier3A_11 = arith.constant 0 : index
    tpu.barrier barrier_id(%barrier3A_11)
    "tpu.region"() ({
      %run_scoped3A = tpu.sem_alloc : memref<!tpu.dma_semaphore, #tpu.memory_space<semaphore_mem>>
      %dma_start3A = arith.constant 0 : i32
      %dma_start3A_17 = tpu.memref_slice %arg5[%arg0, %mul3A_2, %dma_start3A] : memref<2x10000x128xf32, #tpu.memory_space<hbm>> -> memref<1x624x128xf32, #tpu.memory_space<hbm>>
      %dma_start3A_18 = tpu.memref_squeeze %dma_start3A_17 : memref<1x624x128xf32, #tpu.memory_space<hbm>> -> memref<624x128xf32, #tpu.memory_space<hbm>>
      %dma_start3A_19 = arith.constant 0 : i32
      %dma_start3A_20 = tpu.memref_slice %arg9[%mul3A_2, %dma_start3A_19] : memref<10008x128xf32, #tpu.memory_space<vmem_shared>> -> memref<624x128xf32, #tpu.memory_space<vmem_shared>>
      tpu.enqueue_dma source(%dma_start3A_20 : memref<624x128xf32, #tpu.memory_space<vmem_shared>>) target(%dma_start3A_18 : memref<624x128xf32, #tpu.memory_space<hbm>>) target_semaphore(%run_scoped3A : memref<!tpu.dma_semaphore, #tpu.memory_space<semaphore_mem>>)
      %dma_wait3A = arith.constant 0 : i32
      %dma_wait3A_21 = tpu.memref_slice %arg5[%arg0, %mul3A_2, %dma_wait3A] : memref<2x10000x128xf32, #tpu.memory_space<hbm>> -> memref<1x624x128xf32, #tpu.memory_space<hbm>>
      %dma_wait3A_22 = tpu.memref_squeeze %dma_wait3A_21 : memref<1x624x128xf32, #tpu.memory_space<hbm>> -> memref<624x128xf32, #tpu.memory_space<hbm>>
      %dma_wait3A_23 = arith.constant 0 : i32
      %dma_wait3A_24 = tpu.memref_slice %arg9[%mul3A_2, %dma_wait3A_23] : memref<10008x128xf32, #tpu.memory_space<vmem_shared>> -> memref<624x128xf32, #tpu.memory_space<vmem_shared>>
      tpu.wait_dma2 semaphore(%run_scoped3A : memref<!tpu.dma_semaphore, #tpu.memory_space<semaphore_mem>>) src(%dma_wait3A_24 : memref<624x128xf32, #tpu.memory_space<vmem_shared>>) dst(%dma_wait3A_22 : memref<624x128xf32, #tpu.memory_space<hbm>>)
      tpu.yield
    }) : () -> ()
    %eq3A_12 = arith.constant 0 : i32
    %eq3A_13 = arith.cmpi eq, %arg1, %eq3A_12 : i32
    %convert_element_type3A_14 = arith.extui %eq3A_13 : i1 to i32
    %cond3A_15 = arith.constant 0 : i32
    %cond3A_16 = arith.cmpi ne, %convert_element_type3A_14, %cond3A_15 : i32
    scf.if %cond3A_16 {
      "tpu.region"() ({
        %run_scoped3A = tpu.sem_alloc : memref<!tpu.dma_semaphore, #tpu.memory_space<semaphore_mem>>
        %dma_start3A = arith.constant 9984 : i32
        %dma_start3A_17 = arith.constant 0 : i32
        %dma_start3A_18 = tpu.memref_slice %arg5[%arg0, %dma_start3A, %dma_start3A_17] : memref<2x10000x128xf32, #tpu.memory_space<hbm>> -> memref<1x16x128xf32, #tpu.memory_space<hbm>>
        %dma_start3A_19 = tpu.memref_squeeze %dma_start3A_18 : memref<1x16x128xf32, #tpu.memory_space<hbm>> -> memref<16x128xf32, #tpu.memory_space<hbm>>
        %dma_start3A_20 = arith.constant 9984 : i32
        %dma_start3A_21 = arith.constant 0 : i32
        %dma_start3A_22 = tpu.memref_slice %arg9[%dma_start3A_20, %dma_start3A_21] : memref<10008x128xf32, #tpu.memory_space<vmem_shared>> -> memref<16x128xf32, #tpu.memory_space<vmem_shared>>
        tpu.enqueue_dma source(%dma_start3A_22 : memref<16x128xf32, #tpu.memory_space<vmem_shared>>) target(%dma_start3A_19 : memref<16x128xf32, #tpu.memory_space<hbm>>) target_semaphore(%run_scoped3A : memref<!tpu.dma_semaphore, #tpu.memory_space<semaphore_mem>>)
        %dma_wait3A = arith.constant 9984 : i32
        %dma_wait3A_23 = arith.constant 0 : i32
        %dma_wait3A_24 = tpu.memref_slice %arg5[%arg0, %dma_wait3A, %dma_wait3A_23] : memref<2x10000x128xf32, #tpu.memory_space<hbm>> -> memref<1x16x128xf32, #tpu.memory_space<hbm>>
        %dma_wait3A_25 = tpu.memref_squeeze %dma_wait3A_24 : memref<1x16x128xf32, #tpu.memory_space<hbm>> -> memref<16x128xf32, #tpu.memory_space<hbm>>
        %dma_wait3A_26 = arith.constant 9984 : i32
        %dma_wait3A_27 = arith.constant 0 : i32
        %dma_wait3A_28 = tpu.memref_slice %arg9[%dma_wait3A_26, %dma_wait3A_27] : memref<10008x128xf32, #tpu.memory_space<vmem_shared>> -> memref<16x128xf32, #tpu.memory_space<vmem_shared>>
        tpu.wait_dma2 semaphore(%run_scoped3A : memref<!tpu.dma_semaphore, #tpu.memory_space<semaphore_mem>>) src(%dma_wait3A_28 : memref<16x128xf32, #tpu.memory_space<vmem_shared>>) dst(%dma_wait3A_25 : memref<16x128xf32, #tpu.memory_space<hbm>>)
        tpu.yield
      }) : () -> ()
    } else {
    }
    return
  }
}

#map = affine_map<(d0, d1) -> (0, 0)>
#map1 = affine_map<(d0, d1) -> (0, 0, 0, 0)>
#map2 = affine_map<(d0, d1) -> (0, 0, 0)>
module attributes {stable_mosaic.version = 14 : i64} {
  func.func @agg(%arg0: i32, %arg1: i32, %arg2: memref<10000x64xf32, #tpu.memory_space<hbm>>, %arg3: memref<32x5x25x80xi32, #tpu.memory_space<hbm>>, %arg4: memref<32x5x25x80xi32, #tpu.memory_space<hbm>>, %arg5: memref<2x10000x64xf32, #tpu.memory_space<hbm>>, %arg6: memref<25x80xi32, #tpu.memory_space<vmem>>, %arg7: memref<25x80xi32, #tpu.memory_space<vmem>>, %arg8: memref<3x80x64xf32, #tpu.memory_space<vmem>>, %arg9: memref<10008x64xf32, #tpu.memory_space<vmem_shared>>, %arg10: memref<!tpu.dma_semaphore, #tpu.memory_space<semaphore_mem>>, %arg11: memref<!tpu.dma_semaphore, #tpu.memory_space<semaphore_mem>>) attributes {dimension_semantics = [#tpu.dimension_semantics<core_parallel>, #tpu.dimension_semantics<subcore_parallel>], iteration_bounds = array<i64: 2, 16>, scalar_prefetch = 0 : i64, scratch_operands = 6 : i64, tpu.core_type = #tpu.core_type<sc_vector_subcore>, window_params = [{transform_indices = #map}, {transform_indices = #map1}, {transform_indices = #map1}, {transform_indices = #map2}]} {
    %mul3A = arith.constant 2 : i32
    %mul3A_0 = arith.muli %arg1, %mul3A : i32
    %add3A = arith.addi %mul3A_0, %arg0 : i32
    %mul3A_1 = arith.constant 624 : i32
    %mul3A_2 = arith.muli %arg1, %mul3A_1 : i32
    "tpu.region"() ({
      %run_scoped3A = tpu.sem_alloc : memref<!tpu.dma_semaphore, #tpu.memory_space<semaphore_mem>>
      %dma_start3A = arith.constant 0 : i32
      %dma_start3A_17 = tpu.memref_slice %arg9[%mul3A_2, %dma_start3A] : memref<10008x64xf32, #tpu.memory_space<vmem_shared>> -> memref<624x64xf32, #tpu.memory_space<vmem_shared>>
      %dma_start3A_18 = arith.constant 0 : i32
      %dma_start3A_19 = tpu.memref_slice %arg2[%mul3A_2, %dma_start3A_18] : memref<10000x64xf32, #tpu.memory_space<hbm>> -> memref<624x64xf32, #tpu.memory_space<hbm>>
      tpu.enqueue_dma source(%dma_start3A_19 : memref<624x64xf32, #tpu.memory_space<hbm>>) target(%dma_start3A_17 : memref<624x64xf32, #tpu.memory_space<vmem_shared>>) target_semaphore(%run_scoped3A : memref<!tpu.dma_semaphore, #tpu.memory_space<semaphore_mem>>)
      %dma_wait3A = arith.constant 0 : i32
      %dma_wait3A_20 = tpu.memref_slice %arg9[%mul3A_2, %dma_wait3A] : memref<10008x64xf32, #tpu.memory_space<vmem_shared>> -> memref<624x64xf32, #tpu.memory_space<vmem_shared>>
      %dma_wait3A_21 = arith.constant 0 : i32
      %dma_wait3A_22 = tpu.memref_slice %arg2[%mul3A_2, %dma_wait3A_21] : memref<10000x64xf32, #tpu.memory_space<hbm>> -> memref<624x64xf32, #tpu.memory_space<hbm>>
      tpu.wait_dma2 semaphore(%run_scoped3A : memref<!tpu.dma_semaphore, #tpu.memory_space<semaphore_mem>>) src(%dma_wait3A_22 : memref<624x64xf32, #tpu.memory_space<hbm>>) dst(%dma_wait3A_20 : memref<624x64xf32, #tpu.memory_space<vmem_shared>>)
      tpu.yield
    }) : () -> ()
    %eq3A = arith.constant 0 : i32
    %eq3A_3 = arith.cmpi eq, %arg1, %eq3A : i32
    %convert_element_type3A = arith.extui %eq3A_3 : i1 to i32
    %cond3A = arith.constant 0 : i32
    %cond3A_4 = arith.cmpi ne, %convert_element_type3A, %cond3A : i32
    scf.if %cond3A_4 {
      "tpu.region"() ({
        %run_scoped3A = tpu.sem_alloc : memref<!tpu.dma_semaphore, #tpu.memory_space<semaphore_mem>>
        %dma_start3A = arith.constant 9984 : i32
        %dma_start3A_17 = arith.constant 0 : i32
        %dma_start3A_18 = tpu.memref_slice %arg9[%dma_start3A, %dma_start3A_17] : memref<10008x64xf32, #tpu.memory_space<vmem_shared>> -> memref<16x64xf32, #tpu.memory_space<vmem_shared>>
        %dma_start3A_19 = arith.constant 9984 : i32
        %dma_start3A_20 = arith.constant 0 : i32
        %dma_start3A_21 = tpu.memref_slice %arg2[%dma_start3A_19, %dma_start3A_20] : memref<10000x64xf32, #tpu.memory_space<hbm>> -> memref<16x64xf32, #tpu.memory_space<hbm>>
        tpu.enqueue_dma source(%dma_start3A_21 : memref<16x64xf32, #tpu.memory_space<hbm>>) target(%dma_start3A_18 : memref<16x64xf32, #tpu.memory_space<vmem_shared>>) target_semaphore(%run_scoped3A : memref<!tpu.dma_semaphore, #tpu.memory_space<semaphore_mem>>)
        %dma_wait3A = arith.constant 9984 : i32
        %dma_wait3A_22 = arith.constant 0 : i32
        %dma_wait3A_23 = tpu.memref_slice %arg9[%dma_wait3A, %dma_wait3A_22] : memref<10008x64xf32, #tpu.memory_space<vmem_shared>> -> memref<16x64xf32, #tpu.memory_space<vmem_shared>>
        %dma_wait3A_24 = arith.constant 9984 : i32
        %dma_wait3A_25 = arith.constant 0 : i32
        %dma_wait3A_26 = tpu.memref_slice %arg2[%dma_wait3A_24, %dma_wait3A_25] : memref<10000x64xf32, #tpu.memory_space<hbm>> -> memref<16x64xf32, #tpu.memory_space<hbm>>
        tpu.wait_dma2 semaphore(%run_scoped3A : memref<!tpu.dma_semaphore, #tpu.memory_space<semaphore_mem>>) src(%dma_wait3A_26 : memref<16x64xf32, #tpu.memory_space<hbm>>) dst(%dma_wait3A_23 : memref<16x64xf32, #tpu.memory_space<vmem_shared>>)
        tpu.yield
      }) : () -> ()
    } else {
    }
    %barrier3A = arith.constant 0 : index
    tpu.barrier barrier_id(%barrier3A)
    %scan3A = arith.constant 0 : i32
    %scan3A_5 = arith.constant 0 : i32
    %scan3A_6 = arith.constant 5 : i32
    %scan3A_7 = arith.addi %scan3A_5, %scan3A_6 : i32
    %scan3A_8 = arith.constant 1 : i32
    %scan3A_9 = scf.for %scan3A_17 = %scan3A_5 to %scan3A_7 step %scan3A_8 iter_args(%scan3A_18 = %scan3A) -> (i32)  : i32 {
      "tpu.region"() ({
        %run_scoped3A = tpu.sem_alloc : memref<!tpu.dma_semaphore, #tpu.memory_space<semaphore_mem>>
        %dma_start3A_57 = arith.constant 0 : i32
        %dma_start3A_58 = arith.constant 0 : i32
        %dma_start3A_59 = tpu.memref_slice %arg3[%add3A, %scan3A_17, %dma_start3A_57, %dma_start3A_58] : memref<32x5x25x80xi32, #tpu.memory_space<hbm>> -> memref<1x1x25x80xi32, #tpu.memory_space<hbm>>
        %dma_start3A_60 = tpu.memref_squeeze %dma_start3A_59 : memref<1x1x25x80xi32, #tpu.memory_space<hbm>> -> memref<25x80xi32, #tpu.memory_space<hbm>>
        %dma_start3A_61 = arith.constant 0 : i32
        %dma_start3A_62 = arith.constant 0 : i32
        %dma_start3A_63 = tpu.memref_slice %arg3[%add3A, %scan3A_17, %dma_start3A_61, %dma_start3A_62] : memref<32x5x25x80xi32, #tpu.memory_space<hbm>> -> memref<1x1x25x80xi32, #tpu.memory_space<hbm>>
        %dma_start3A_64 = tpu.memref_squeeze %dma_start3A_63 : memref<1x1x25x80xi32, #tpu.memory_space<hbm>> -> memref<25x80xi32, #tpu.memory_space<hbm>>
        tpu.enqueue_dma source(%dma_start3A_64 : memref<25x80xi32, #tpu.memory_space<hbm>>) target(%arg6 : memref<25x80xi32, #tpu.memory_space<vmem>>) target_semaphore(%run_scoped3A : memref<!tpu.dma_semaphore, #tpu.memory_space<semaphore_mem>>)
        %dma_wait3A = arith.constant 0 : i32
        %dma_wait3A_65 = arith.constant 0 : i32
        %dma_wait3A_66 = tpu.memref_slice %arg3[%add3A, %scan3A_17, %dma_wait3A, %dma_wait3A_65] : memref<32x5x25x80xi32, #tpu.memory_space<hbm>> -> memref<1x1x25x80xi32, #tpu.memory_space<hbm>>
        %dma_wait3A_67 = tpu.memref_squeeze %dma_wait3A_66 : memref<1x1x25x80xi32, #tpu.memory_space<hbm>> -> memref<25x80xi32, #tpu.memory_space<hbm>>
        %dma_wait3A_68 = arith.constant 0 : i32
        %dma_wait3A_69 = arith.constant 0 : i32
        %dma_wait3A_70 = tpu.memref_slice %arg3[%add3A, %scan3A_17, %dma_wait3A_68, %dma_wait3A_69] : memref<32x5x25x80xi32, #tpu.memory_space<hbm>> -> memref<1x1x25x80xi32, #tpu.memory_space<hbm>>
        %dma_wait3A_71 = tpu.memref_squeeze %dma_wait3A_70 : memref<1x1x25x80xi32, #tpu.memory_space<hbm>> -> memref<25x80xi32, #tpu.memory_space<hbm>>
        tpu.wait_dma2 semaphore(%run_scoped3A : memref<!tpu.dma_semaphore, #tpu.memory_space<semaphore_mem>>) src(%dma_wait3A_71 : memref<25x80xi32, #tpu.memory_space<hbm>>) dst(%arg6 : memref<25x80xi32, #tpu.memory_space<vmem>>)
        tpu.yield
      }) : () -> ()
      "tpu.region"() ({
        %run_scoped3A = tpu.sem_alloc : memref<!tpu.dma_semaphore, #tpu.memory_space<semaphore_mem>>
        %dma_start3A_57 = arith.constant 0 : i32
        %dma_start3A_58 = arith.constant 0 : i32
        %dma_start3A_59 = tpu.memref_slice %arg4[%add3A, %scan3A_17, %dma_start3A_57, %dma_start3A_58] : memref<32x5x25x80xi32, #tpu.memory_space<hbm>> -> memref<1x1x25x80xi32, #tpu.memory_space<hbm>>
        %dma_start3A_60 = tpu.memref_squeeze %dma_start3A_59 : memref<1x1x25x80xi32, #tpu.memory_space<hbm>> -> memref<25x80xi32, #tpu.memory_space<hbm>>
        %dma_start3A_61 = arith.constant 0 : i32
        %dma_start3A_62 = arith.constant 0 : i32
        %dma_start3A_63 = tpu.memref_slice %arg4[%add3A, %scan3A_17, %dma_start3A_61, %dma_start3A_62] : memref<32x5x25x80xi32, #tpu.memory_space<hbm>> -> memref<1x1x25x80xi32, #tpu.memory_space<hbm>>
        %dma_start3A_64 = tpu.memref_squeeze %dma_start3A_63 : memref<1x1x25x80xi32, #tpu.memory_space<hbm>> -> memref<25x80xi32, #tpu.memory_space<hbm>>
        tpu.enqueue_dma source(%dma_start3A_64 : memref<25x80xi32, #tpu.memory_space<hbm>>) target(%arg7 : memref<25x80xi32, #tpu.memory_space<vmem>>) target_semaphore(%run_scoped3A : memref<!tpu.dma_semaphore, #tpu.memory_space<semaphore_mem>>)
        %dma_wait3A = arith.constant 0 : i32
        %dma_wait3A_65 = arith.constant 0 : i32
        %dma_wait3A_66 = tpu.memref_slice %arg4[%add3A, %scan3A_17, %dma_wait3A, %dma_wait3A_65] : memref<32x5x25x80xi32, #tpu.memory_space<hbm>> -> memref<1x1x25x80xi32, #tpu.memory_space<hbm>>
        %dma_wait3A_67 = tpu.memref_squeeze %dma_wait3A_66 : memref<1x1x25x80xi32, #tpu.memory_space<hbm>> -> memref<25x80xi32, #tpu.memory_space<hbm>>
        %dma_wait3A_68 = arith.constant 0 : i32
        %dma_wait3A_69 = arith.constant 0 : i32
        %dma_wait3A_70 = tpu.memref_slice %arg4[%add3A, %scan3A_17, %dma_wait3A_68, %dma_wait3A_69] : memref<32x5x25x80xi32, #tpu.memory_space<hbm>> -> memref<1x1x25x80xi32, #tpu.memory_space<hbm>>
        %dma_wait3A_71 = tpu.memref_squeeze %dma_wait3A_70 : memref<1x1x25x80xi32, #tpu.memory_space<hbm>> -> memref<25x80xi32, #tpu.memory_space<hbm>>
        tpu.wait_dma2 semaphore(%run_scoped3A : memref<!tpu.dma_semaphore, #tpu.memory_space<semaphore_mem>>) src(%dma_wait3A_71 : memref<25x80xi32, #tpu.memory_space<hbm>>) dst(%arg7 : memref<25x80xi32, #tpu.memory_space<vmem>>)
        tpu.yield
      }) : () -> ()
      %dma_start3A = arith.constant 0 : i32
      %dma_start3A_19 = arith.constant 0 : i32
      %dma_start3A_20 = arith.constant 0 : i32
      %dma_start3A_21 = arith.constant 0 : i32
      %dma_start3A_22 = tpu.memref_slice %arg8[%dma_start3A_19, %dma_start3A_20, %dma_start3A_21] : memref<3x80x64xf32, #tpu.memory_space<vmem>> -> memref<1x80x64xf32, #tpu.memory_space<vmem>>
      %dma_start3A_23 = tpu.memref_squeeze %dma_start3A_22 : memref<1x80x64xf32, #tpu.memory_space<vmem>> -> memref<80x64xf32, #tpu.memory_space<vmem>>
      %dma_start3A_24 = arith.constant 0 : i32
      %dma_start3A_25 = tpu.memref_slice %arg6[%dma_start3A, %dma_start3A_24] : memref<25x80xi32, #tpu.memory_space<vmem>> -> memref<1x80xi32, #tpu.memory_space<vmem>>
      %dma_start3A_26 = tpu.memref_squeeze %dma_start3A_25 : memref<1x80xi32, #tpu.memory_space<vmem>> -> memref<80xi32, #tpu.memory_space<vmem>>
      %dma_start3A_27 = arith.constant 0 : i32
      %dma_start3A_28 = arith.constant 0 : i32
      %dma_start3A_29 = tpu.memref_slice %arg2[%dma_start3A_27, %dma_start3A_28] : memref<10000x64xf32, #tpu.memory_space<hbm>> -> memref<10000x64xf32, #tpu.memory_space<hbm>>
      tpu.enqueue_indirect_dma source(%dma_start3A_29 : memref<10000x64xf32, #tpu.memory_space<hbm>>) target(%dma_start3A_23 : memref<80x64xf32, #tpu.memory_space<vmem>>) offsets(%dma_start3A_26 : memref<80xi32, #tpu.memory_space<vmem>>) semaphore(%arg10 : memref<!tpu.dma_semaphore, #tpu.memory_space<semaphore_mem>>)
      %dma_start3A_30 = arith.constant 1 : i32
      %dma_start3A_31 = arith.constant 1 : i32
      %dma_start3A_32 = arith.constant 0 : i32
      %dma_start3A_33 = arith.constant 0 : i32
      %dma_start3A_34 = tpu.memref_slice %arg8[%dma_start3A_31, %dma_start3A_32, %dma_start3A_33] : memref<3x80x64xf32, #tpu.memory_space<vmem>> -> memref<1x80x64xf32, #tpu.memory_space<vmem>>
      %dma_start3A_35 = tpu.memref_squeeze %dma_start3A_34 : memref<1x80x64xf32, #tpu.memory_space<vmem>> -> memref<80x64xf32, #tpu.memory_space<vmem>>
      %dma_start3A_36 = arith.constant 0 : i32
      %dma_start3A_37 = tpu.memref_slice %arg6[%dma_start3A_30, %dma_start3A_36] : memref<25x80xi32, #tpu.memory_space<vmem>> -> memref<1x80xi32, #tpu.memory_space<vmem>>
      %dma_start3A_38 = tpu.memref_squeeze %dma_start3A_37 : memref<1x80xi32, #tpu.memory_space<vmem>> -> memref<80xi32, #tpu.memory_space<vmem>>
      %dma_start3A_39 = arith.constant 0 : i32
      %dma_start3A_40 = arith.constant 0 : i32
      %dma_start3A_41 = tpu.memref_slice %arg2[%dma_start3A_39, %dma_start3A_40] : memref<10000x64xf32, #tpu.memory_space<hbm>> -> memref<10000x64xf32, #tpu.memory_space<hbm>>
      tpu.enqueue_indirect_dma source(%dma_start3A_41 : memref<10000x64xf32, #tpu.memory_space<hbm>>) target(%dma_start3A_35 : memref<80x64xf32, #tpu.memory_space<vmem>>) offsets(%dma_start3A_38 : memref<80xi32, #tpu.memory_space<vmem>>) semaphore(%arg10 : memref<!tpu.dma_semaphore, #tpu.memory_space<semaphore_mem>>)
      %scan3A_42 = arith.constant 0 : i32
      %scan3A_43 = arith.constant 0 : i32
      %scan3A_44 = arith.constant 25 : i32
      %scan3A_45 = arith.addi %scan3A_43, %scan3A_44 : i32
      %scan3A_46 = arith.constant 1 : i32
      %scan3A_47 = scf.for %scan3A_57 = %scan3A_43 to %scan3A_45 step %scan3A_46 iter_args(%scan3A_58 = %scan3A_42) -> (i32)  : i32 {
        %jit3A = arith.constant 3 : i32
        %eq3A_59 = arith.constant 0 : i32
        %eq3A_60 = arith.cmpi eq, %jit3A, %eq3A_59 : i32
        %jit3A_61 = arith.constant 1 : i32
        %select_n3A = arith.select %eq3A_60, %jit3A_61, %jit3A : i32
        %rem3A = arith.remsi %scan3A_57, %select_n3A : i32
        %ne3A = arith.constant 0 : i32
        %ne3A_62 = arith.cmpi ne, %rem3A, %ne3A : i32
        %lt3A = arith.constant 0 : i32
        %lt3A_63 = arith.cmpi slt, %rem3A, %lt3A : i32
        %lt3A_64 = arith.constant 0 : i32
        %lt3A_65 = arith.cmpi slt, %select_n3A, %lt3A_64 : i32
        %ne3A_66 = arith.xori %lt3A_63, %lt3A_65 : i1
        %and3A = arith.andi %ne3A_66, %ne3A_62 : i1
        %add3A_67 = arith.addi %rem3A, %select_n3A : i32
        %select_n3A_68 = arith.select %and3A, %add3A_67, %rem3A : i32
        %dma_wait3A = arith.constant 0 : i32
        %dma_wait3A_69 = arith.constant 0 : i32
        %dma_wait3A_70 = tpu.memref_slice %arg8[%select_n3A_68, %dma_wait3A, %dma_wait3A_69] : memref<3x80x64xf32, #tpu.memory_space<vmem>> -> memref<1x80x64xf32, #tpu.memory_space<vmem>>
        %dma_wait3A_71 = tpu.memref_squeeze %dma_wait3A_70 : memref<1x80x64xf32, #tpu.memory_space<vmem>> -> memref<80x64xf32, #tpu.memory_space<vmem>>
        %dma_wait3A_72 = arith.constant 0 : i32
        %dma_wait3A_73 = tpu.memref_slice %arg6[%scan3A_57, %dma_wait3A_72] : memref<25x80xi32, #tpu.memory_space<vmem>> -> memref<1x80xi32, #tpu.memory_space<vmem>>
        %dma_wait3A_74 = tpu.memref_squeeze %dma_wait3A_73 : memref<1x80xi32, #tpu.memory_space<vmem>> -> memref<80xi32, #tpu.memory_space<vmem>>
        %dma_wait3A_75 = arith.constant 0 : i32
        %dma_wait3A_76 = arith.constant 0 : i32
        %dma_wait3A_77 = tpu.memref_slice %arg2[%dma_wait3A_75, %dma_wait3A_76] : memref<10000x64xf32, #tpu.memory_space<hbm>> -> memref<10000x64xf32, #tpu.memory_space<hbm>>
        tpu.wait_indirect_dma semaphore(%arg10 : memref<!tpu.dma_semaphore, #tpu.memory_space<semaphore_mem>>) src(%dma_wait3A_77 : memref<10000x64xf32, #tpu.memory_space<hbm>>) dst(%dma_wait3A_71 : memref<80x64xf32, #tpu.memory_space<vmem>>)
        %dma_start3A_78 = arith.constant 0 : i32
        %dma_start3A_79 = arith.constant 0 : i32
        %dma_start3A_80 = tpu.memref_slice %arg8[%select_n3A_68, %dma_start3A_78, %dma_start3A_79] : memref<3x80x64xf32, #tpu.memory_space<vmem>> -> memref<1x80x64xf32, #tpu.memory_space<vmem>>
        %dma_start3A_81 = tpu.memref_squeeze %dma_start3A_80 : memref<1x80x64xf32, #tpu.memory_space<vmem>> -> memref<80x64xf32, #tpu.memory_space<vmem>>
        %dma_start3A_82 = arith.constant 0 : i32
        %dma_start3A_83 = tpu.memref_slice %arg7[%scan3A_57, %dma_start3A_82] : memref<25x80xi32, #tpu.memory_space<vmem>> -> memref<1x80xi32, #tpu.memory_space<vmem>>
        %dma_start3A_84 = tpu.memref_squeeze %dma_start3A_83 : memref<1x80xi32, #tpu.memory_space<vmem>> -> memref<80xi32, #tpu.memory_space<vmem>>
        %dma_start3A_85 = arith.constant 0 : i32
        %dma_start3A_86 = arith.constant 0 : i32
        %dma_start3A_87 = tpu.memref_slice %arg9[%dma_start3A_85, %dma_start3A_86] : memref<10008x64xf32, #tpu.memory_space<vmem_shared>> -> memref<10008x64xf32, #tpu.memory_space<vmem_shared>>
        tpu.enqueue_indirect_dma source(%dma_start3A_81 : memref<80x64xf32, #tpu.memory_space<vmem>>) target(%dma_start3A_87 : memref<10008x64xf32, #tpu.memory_space<vmem_shared>>) offsets(%dma_start3A_84 : memref<80xi32, #tpu.memory_space<vmem>>) semaphore(%arg11 : memref<!tpu.dma_semaphore, #tpu.memory_space<semaphore_mem>>) {add = true}
        %add3A_88 = arith.constant 3 : i32
        %add3A_89 = arith.addi %scan3A_57, %add3A_88 : i32
        %sub3A = arith.constant 1 : i32
        %sub3A_90 = arith.subi %add3A_89, %sub3A : i32
        %lt3A_91 = arith.constant 25 : i32
        %lt3A_92 = arith.cmpi slt, %sub3A_90, %lt3A_91 : i32
        %convert_element_type3A_93 = arith.extui %lt3A_92 : i1 to i32
        %cond3A_94 = arith.constant 0 : i32
        %cond3A_95 = arith.cmpi ne, %convert_element_type3A_93, %cond3A_94 : i32
        scf.if %cond3A_95 {
          %ge3A = arith.constant 1 : i32
          %ge3A_97 = arith.cmpi sge, %scan3A_57, %ge3A : i32
          %convert_element_type3A_98 = arith.extui %ge3A_97 : i1 to i32
          %cond3A_99 = arith.constant 0 : i32
          %cond3A_100 = arith.cmpi ne, %convert_element_type3A_98, %cond3A_99 : i32
          scf.if %cond3A_100 {
            %add3A_135 = arith.constant 3 : i32
            %add3A_136 = arith.addi %scan3A_57, %add3A_135 : i32
            %sub3A_137 = arith.constant 1 : i32
            %sub3A_138 = arith.subi %add3A_136, %sub3A_137 : i32
            %jit3A_139 = arith.constant 3 : i32
            %eq3A_140 = arith.constant 0 : i32
            %eq3A_141 = arith.cmpi eq, %jit3A_139, %eq3A_140 : i32
            %jit3A_142 = arith.constant 1 : i32
            %select_n3A_143 = arith.select %eq3A_141, %jit3A_142, %jit3A_139 : i32
            %rem3A_144 = arith.remsi %sub3A_138, %select_n3A_143 : i32
            %ne3A_145 = arith.constant 0 : i32
            %ne3A_146 = arith.cmpi ne, %rem3A_144, %ne3A_145 : i32
            %lt3A_147 = arith.constant 0 : i32
            %lt3A_148 = arith.cmpi slt, %rem3A_144, %lt3A_147 : i32
            %lt3A_149 = arith.constant 0 : i32
            %lt3A_150 = arith.cmpi slt, %select_n3A_143, %lt3A_149 : i32
            %ne3A_151 = arith.xori %lt3A_148, %lt3A_150 : i1
            %and3A_152 = arith.andi %ne3A_151, %ne3A_146 : i1
            %add3A_153 = arith.addi %rem3A_144, %select_n3A_143 : i32
            %select_n3A_154 = arith.select %and3A_152, %add3A_153, %rem3A_144 : i32
            %sub3A_155 = arith.constant 1 : i32
            %sub3A_156 = arith.subi %scan3A_57, %sub3A_155 : i32
            %dma_wait3A_157 = arith.constant 0 : i32
            %dma_wait3A_158 = arith.constant 0 : i32
            %dma_wait3A_159 = tpu.memref_slice %arg8[%select_n3A_154, %dma_wait3A_157, %dma_wait3A_158] : memref<3x80x64xf32, #tpu.memory_space<vmem>> -> memref<1x80x64xf32, #tpu.memory_space<vmem>>
            %dma_wait3A_160 = tpu.memref_squeeze %dma_wait3A_159 : memref<1x80x64xf32, #tpu.memory_space<vmem>> -> memref<80x64xf32, #tpu.memory_space<vmem>>
            %dma_wait3A_161 = arith.constant 0 : i32
            %dma_wait3A_162 = tpu.memref_slice %arg7[%sub3A_156, %dma_wait3A_161] : memref<25x80xi32, #tpu.memory_space<vmem>> -> memref<1x80xi32, #tpu.memory_space<vmem>>
            %dma_wait3A_163 = tpu.memref_squeeze %dma_wait3A_162 : memref<1x80xi32, #tpu.memory_space<vmem>> -> memref<80xi32, #tpu.memory_space<vmem>>
            %dma_wait3A_164 = arith.constant 0 : i32
            %dma_wait3A_165 = arith.constant 0 : i32
            %dma_wait3A_166 = tpu.memref_slice %arg9[%dma_wait3A_164, %dma_wait3A_165] : memref<10008x64xf32, #tpu.memory_space<vmem_shared>> -> memref<10008x64xf32, #tpu.memory_space<vmem_shared>>
            tpu.wait_indirect_dma semaphore(%arg11 : memref<!tpu.dma_semaphore, #tpu.memory_space<semaphore_mem>>) src(%dma_wait3A_160 : memref<80x64xf32, #tpu.memory_space<vmem>>) dst(%dma_wait3A_166 : memref<10008x64xf32, #tpu.memory_space<vmem_shared>>)
          } else {
          }
          %add3A_101 = arith.constant 3 : i32
          %add3A_102 = arith.addi %scan3A_57, %add3A_101 : i32
          %sub3A_103 = arith.constant 1 : i32
          %sub3A_104 = arith.subi %add3A_102, %sub3A_103 : i32
          %add3A_105 = arith.constant 3 : i32
          %add3A_106 = arith.addi %scan3A_57, %add3A_105 : i32
          %sub3A_107 = arith.constant 1 : i32
          %sub3A_108 = arith.subi %add3A_106, %sub3A_107 : i32
          %jit3A_109 = arith.constant 3 : i32
          %eq3A_110 = arith.constant 0 : i32
          %eq3A_111 = arith.cmpi eq, %jit3A_109, %eq3A_110 : i32
          %jit3A_112 = arith.constant 1 : i32
          %select_n3A_113 = arith.select %eq3A_111, %jit3A_112, %jit3A_109 : i32
          %rem3A_114 = arith.remsi %sub3A_108, %select_n3A_113 : i32
          %ne3A_115 = arith.constant 0 : i32
          %ne3A_116 = arith.cmpi ne, %rem3A_114, %ne3A_115 : i32
          %lt3A_117 = arith.constant 0 : i32
          %lt3A_118 = arith.cmpi slt, %rem3A_114, %lt3A_117 : i32
          %lt3A_119 = arith.constant 0 : i32
          %lt3A_120 = arith.cmpi slt, %select_n3A_113, %lt3A_119 : i32
          %ne3A_121 = arith.xori %lt3A_118, %lt3A_120 : i1
          %and3A_122 = arith.andi %ne3A_121, %ne3A_116 : i1
          %add3A_123 = arith.addi %rem3A_114, %select_n3A_113 : i32
          %select_n3A_124 = arith.select %and3A_122, %add3A_123, %rem3A_114 : i32
          %dma_start3A_125 = arith.constant 0 : i32
          %dma_start3A_126 = arith.constant 0 : i32
          %dma_start3A_127 = tpu.memref_slice %arg8[%select_n3A_124, %dma_start3A_125, %dma_start3A_126] : memref<3x80x64xf32, #tpu.memory_space<vmem>> -> memref<1x80x64xf32, #tpu.memory_space<vmem>>
          %dma_start3A_128 = tpu.memref_squeeze %dma_start3A_127 : memref<1x80x64xf32, #tpu.memory_space<vmem>> -> memref<80x64xf32, #tpu.memory_space<vmem>>
          %dma_start3A_129 = arith.constant 0 : i32
          %dma_start3A_130 = tpu.memref_slice %arg6[%sub3A_104, %dma_start3A_129] : memref<25x80xi32, #tpu.memory_space<vmem>> -> memref<1x80xi32, #tpu.memory_space<vmem>>
          %dma_start3A_131 = tpu.memref_squeeze %dma_start3A_130 : memref<1x80xi32, #tpu.memory_space<vmem>> -> memref<80xi32, #tpu.memory_space<vmem>>
          %dma_start3A_132 = arith.constant 0 : i32
          %dma_start3A_133 = arith.constant 0 : i32
          %dma_start3A_134 = tpu.memref_slice %arg2[%dma_start3A_132, %dma_start3A_133] : memref<10000x64xf32, #tpu.memory_space<hbm>> -> memref<10000x64xf32, #tpu.memory_space<hbm>>
          tpu.enqueue_indirect_dma source(%dma_start3A_134 : memref<10000x64xf32, #tpu.memory_space<hbm>>) target(%dma_start3A_128 : memref<80x64xf32, #tpu.memory_space<vmem>>) offsets(%dma_start3A_131 : memref<80xi32, #tpu.memory_space<vmem>>) semaphore(%arg10 : memref<!tpu.dma_semaphore, #tpu.memory_space<semaphore_mem>>)
        } else {
        }
        %scan3A_96 = arith.constant 0 : i32
        scf.yield %scan3A_96 : i32
      }
      %scan3A_48 = arith.constant 25 : i32
      %scan3A_49 = arith.constant 0 : i32
      %scan3A_50 = arith.constant 0 : i32
      %scan3A_51 = arith.constant 3 : i32
      %scan3A_52 = arith.addi %scan3A_50, %scan3A_51 : i32
      %scan3A_53 = arith.constant 1 : i32
      %scan3A_54 = scf.for %scan3A_57 = %scan3A_50 to %scan3A_52 step %scan3A_53 iter_args(%scan3A_58 = %scan3A_49) -> (i32)  : i32 {
        %dma_wait3A = arith.constant 0 : i32
        %dma_wait3A_59 = arith.constant 0 : i32
        %dma_wait3A_60 = arith.constant 0 : i32
        %dma_wait3A_61 = arith.constant 0 : i32
        %dma_wait3A_62 = tpu.memref_slice %arg8[%dma_wait3A, %dma_wait3A_60, %dma_wait3A_61] : memref<3x80x64xf32, #tpu.memory_space<vmem>> -> memref<1x80x64xf32, #tpu.memory_space<vmem>>
        %dma_wait3A_63 = tpu.memref_squeeze %dma_wait3A_62 : memref<1x80x64xf32, #tpu.memory_space<vmem>> -> memref<80x64xf32, #tpu.memory_space<vmem>>
        %dma_wait3A_64 = arith.constant 0 : i32
        %dma_wait3A_65 = tpu.memref_slice %arg7[%dma_wait3A_59, %dma_wait3A_64] : memref<25x80xi32, #tpu.memory_space<vmem>> -> memref<1x80xi32, #tpu.memory_space<vmem>>
        %dma_wait3A_66 = tpu.memref_squeeze %dma_wait3A_65 : memref<1x80xi32, #tpu.memory_space<vmem>> -> memref<80xi32, #tpu.memory_space<vmem>>
        %dma_wait3A_67 = arith.constant 0 : i32
        %dma_wait3A_68 = arith.constant 0 : i32
        %dma_wait3A_69 = tpu.memref_slice %arg9[%dma_wait3A_67, %dma_wait3A_68] : memref<10008x64xf32, #tpu.memory_space<vmem_shared>> -> memref<10008x64xf32, #tpu.memory_space<vmem_shared>>
        tpu.wait_indirect_dma semaphore(%arg11 : memref<!tpu.dma_semaphore, #tpu.memory_space<semaphore_mem>>) src(%dma_wait3A_63 : memref<80x64xf32, #tpu.memory_space<vmem>>) dst(%dma_wait3A_69 : memref<10008x64xf32, #tpu.memory_space<vmem_shared>>)
        %scan3A_70 = arith.constant 0 : i32
        scf.yield %scan3A_70 : i32
      }
      %scan3A_55 = arith.constant 3 : i32
      %scan3A_56 = arith.constant 0 : i32
      scf.yield %scan3A_56 : i32
    }
    %scan3A_10 = arith.constant 5 : i32
    %barrier3A_11 = arith.constant 0 : index
    tpu.barrier barrier_id(%barrier3A_11)
    "tpu.region"() ({
      %run_scoped3A = tpu.sem_alloc : memref<!tpu.dma_semaphore, #tpu.memory_space<semaphore_mem>>
      %dma_start3A = arith.constant 0 : i32
      %dma_start3A_17 = tpu.memref_slice %arg5[%arg0, %mul3A_2, %dma_start3A] : memref<2x10000x64xf32, #tpu.memory_space<hbm>> -> memref<1x624x64xf32, #tpu.memory_space<hbm>>
      %dma_start3A_18 = tpu.memref_squeeze %dma_start3A_17 : memref<1x624x64xf32, #tpu.memory_space<hbm>> -> memref<624x64xf32, #tpu.memory_space<hbm>>
      %dma_start3A_19 = arith.constant 0 : i32
      %dma_start3A_20 = tpu.memref_slice %arg9[%mul3A_2, %dma_start3A_19] : memref<10008x64xf32, #tpu.memory_space<vmem_shared>> -> memref<624x64xf32, #tpu.memory_space<vmem_shared>>
      tpu.enqueue_dma source(%dma_start3A_20 : memref<624x64xf32, #tpu.memory_space<vmem_shared>>) target(%dma_start3A_18 : memref<624x64xf32, #tpu.memory_space<hbm>>) target_semaphore(%run_scoped3A : memref<!tpu.dma_semaphore, #tpu.memory_space<semaphore_mem>>)
      %dma_wait3A = arith.constant 0 : i32
      %dma_wait3A_21 = tpu.memref_slice %arg5[%arg0, %mul3A_2, %dma_wait3A] : memref<2x10000x64xf32, #tpu.memory_space<hbm>> -> memref<1x624x64xf32, #tpu.memory_space<hbm>>
      %dma_wait3A_22 = tpu.memref_squeeze %dma_wait3A_21 : memref<1x624x64xf32, #tpu.memory_space<hbm>> -> memref<624x64xf32, #tpu.memory_space<hbm>>
      %dma_wait3A_23 = arith.constant 0 : i32
      %dma_wait3A_24 = tpu.memref_slice %arg9[%mul3A_2, %dma_wait3A_23] : memref<10008x64xf32, #tpu.memory_space<vmem_shared>> -> memref<624x64xf32, #tpu.memory_space<vmem_shared>>
      tpu.wait_dma2 semaphore(%run_scoped3A : memref<!tpu.dma_semaphore, #tpu.memory_space<semaphore_mem>>) src(%dma_wait3A_24 : memref<624x64xf32, #tpu.memory_space<vmem_shared>>) dst(%dma_wait3A_22 : memref<624x64xf32, #tpu.memory_space<hbm>>)
      tpu.yield
    }) : () -> ()
    %eq3A_12 = arith.constant 0 : i32
    %eq3A_13 = arith.cmpi eq, %arg1, %eq3A_12 : i32
    %convert_element_type3A_14 = arith.extui %eq3A_13 : i1 to i32
    %cond3A_15 = arith.constant 0 : i32
    %cond3A_16 = arith.cmpi ne, %convert_element_type3A_14, %cond3A_15 : i32
    scf.if %cond3A_16 {
      "tpu.region"() ({
        %run_scoped3A = tpu.sem_alloc : memref<!tpu.dma_semaphore, #tpu.memory_space<semaphore_mem>>
        %dma_start3A = arith.constant 9984 : i32
        %dma_start3A_17 = arith.constant 0 : i32
        %dma_start3A_18 = tpu.memref_slice %arg5[%arg0, %dma_start3A, %dma_start3A_17] : memref<2x10000x64xf32, #tpu.memory_space<hbm>> -> memref<1x16x64xf32, #tpu.memory_space<hbm>>
        %dma_start3A_19 = tpu.memref_squeeze %dma_start3A_18 : memref<1x16x64xf32, #tpu.memory_space<hbm>> -> memref<16x64xf32, #tpu.memory_space<hbm>>
        %dma_start3A_20 = arith.constant 9984 : i32
        %dma_start3A_21 = arith.constant 0 : i32
        %dma_start3A_22 = tpu.memref_slice %arg9[%dma_start3A_20, %dma_start3A_21] : memref<10008x64xf32, #tpu.memory_space<vmem_shared>> -> memref<16x64xf32, #tpu.memory_space<vmem_shared>>
        tpu.enqueue_dma source(%dma_start3A_22 : memref<16x64xf32, #tpu.memory_space<vmem_shared>>) target(%dma_start3A_19 : memref<16x64xf32, #tpu.memory_space<hbm>>) target_semaphore(%run_scoped3A : memref<!tpu.dma_semaphore, #tpu.memory_space<semaphore_mem>>)
        %dma_wait3A = arith.constant 9984 : i32
        %dma_wait3A_23 = arith.constant 0 : i32
        %dma_wait3A_24 = tpu.memref_slice %arg5[%arg0, %dma_wait3A, %dma_wait3A_23] : memref<2x10000x64xf32, #tpu.memory_space<hbm>> -> memref<1x16x64xf32, #tpu.memory_space<hbm>>
        %dma_wait3A_25 = tpu.memref_squeeze %dma_wait3A_24 : memref<1x16x64xf32, #tpu.memory_space<hbm>> -> memref<16x64xf32, #tpu.memory_space<hbm>>
        %dma_wait3A_26 = arith.constant 9984 : i32
        %dma_wait3A_27 = arith.constant 0 : i32
        %dma_wait3A_28 = tpu.memref_slice %arg9[%dma_wait3A_26, %dma_wait3A_27] : memref<10008x64xf32, #tpu.memory_space<vmem_shared>> -> memref<16x64xf32, #tpu.memory_space<vmem_shared>>
        tpu.wait_dma2 semaphore(%run_scoped3A : memref<!tpu.dma_semaphore, #tpu.memory_space<semaphore_mem>>) src(%dma_wait3A_28 : memref<16x64xf32, #tpu.memory_space<vmem_shared>>) dst(%dma_wait3A_25 : memref<16x64xf32, #tpu.memory_space<hbm>>)
        tpu.yield
      }) : () -> ()
    } else {
    }
    return
  }
}

module attributes {stable_mosaic.version = 14 : i64} {
  func.func @_tc1_body(%arg0: i32, %arg1: memref<2x1000x16xf32, #tpu.memory_space<vmem>>, %arg2: memref<1000x128xf32, #tpu.memory_space<vmem>>, %arg3: memref<128x128xf32, #tpu.memory_space<vmem>>, %arg4: memref<1000x128xf32, #tpu.memory_space<vmem>>) attributes {dimension_semantics = [#tpu.dimension_semantics<arbitrary>], iteration_bounds = array<i64: 10>, scalar_prefetch = 0 : i64, scratch_operands = 0 : i64, tpu.core_type = #tpu.core_type<tc>, window_params = [{transform_indices = @transform_0, window_bounds = array<i64: 2, 1000, 16>}, {transform_indices = @transform_1, window_bounds = array<i64: 1000, 128>}, {pipeline_mode = #tpu.pipeline_mode<synchronous>, transform_indices = @transform_2, window_bounds = array<i64: 128, 128>}, {transform_indices = @transform_3, window_bounds = array<i64: 1000, 128>}]} {
    %get3A = arith.constant 0 : index
    %get3A_0 = arith.constant 0 : index
    %get3A_1 = arith.constant 0 : index
    %get3A_2 = vector.load %arg1[%get3A, %get3A_0, %get3A_1] : memref<2x1000x16xf32, #tpu.memory_space<vmem>>, vector<1x1000x16xf32>
    %get3A_3 = vector.shape_cast %get3A_2 : vector<1x1000x16xf32> to vector<1000x16xf32>
    %slice3A = vector.extract_strided_slice %get3A_3 {offsets = [0, 0], sizes = [1000, 1], strides = [1, 1]} : vector<1000x16xf32> to vector<1000x1xf32>
    %get3A_4 = arith.constant 1 : index
    %get3A_5 = arith.constant 0 : index
    %get3A_6 = arith.constant 0 : index
    %get3A_7 = vector.load %arg1[%get3A_4, %get3A_5, %get3A_6] : memref<2x1000x16xf32, #tpu.memory_space<vmem>>, vector<1x1000x16xf32>
    %get3A_8 = vector.shape_cast %get3A_7 : vector<1x1000x16xf32> to vector<1000x16xf32>
    %slice3A_9 = vector.extract_strided_slice %get3A_8 {offsets = [0, 0], sizes = [1000, 1], strides = [1, 1]} : vector<1000x16xf32> to vector<1000x1xf32>
    %add3A = arith.addf %slice3A, %slice3A_9 : vector<1000x1xf32>
    %add3A_10 = arith.constant 1.000000e+00 : f32
    %add3A_11 = vector.broadcast %add3A_10 : f32 to vector<1000x1xf32>
    %add3A_12 = arith.addf %add3A, %add3A_11 : vector<1000x1xf32>
    %rsqrt3A = math.rsqrt %add3A_12 : vector<1000x1xf32>
    %get3A_13 = arith.constant 0 : index
    %get3A_14 = arith.constant 0 : index
    %get3A_15 = vector.load %arg2[%get3A_13, %get3A_14] : memref<1000x128xf32, #tpu.memory_space<vmem>>, vector<1000x128xf32>
    %get3A_16 = arith.constant 0 : index
    %get3A_17 = arith.constant 0 : index
    %get3A_18 = vector.load %arg3[%get3A_16, %get3A_17] : memref<128x128xf32, #tpu.memory_space<vmem>>, vector<128x128xf32>
    %dot_general3A = arith.constant dense<0.000000e+00> : vector<1000x128xf32>
    %dot_general3A_19 = tpu.matmul %get3A_15, %get3A_18, %dot_general3A {dimension_numbers = #tpu.dot_dimension_numbers<[1], [0], [0], [1], [0, 0, 1, 1], [], []>, transpose_lhs_hint = false} : vector<1000x128xf32>, vector<128x128xf32>, vector<1000x128xf32> -> vector<1000x128xf32>
    %mul3A = vector.broadcast %rsqrt3A : vector<1000x1xf32> to vector<1000x128xf32>
    %mul3A_20 = arith.mulf %mul3A, %dot_general3A_19 : vector<1000x128xf32>
    %swap3A = arith.constant 0 : index
    %swap3A_21 = arith.constant 0 : index
    %swap3A_22 = vector.load %arg4[%swap3A, %swap3A_21] : memref<1000x128xf32, #tpu.memory_space<vmem>>, vector<1000x128xf32>
    tpu.vector_store %arg4[%swap3A, %swap3A_21], %mul3A_20 {strides = array<i32>} : memref<1000x128xf32, #tpu.memory_space<vmem>>, vector<1000x128xf32>,
    return
  }
  func.func @transform_0(%arg0: i32) -> (i32, i32, i32) {
    %c0_i32 = arith.constant 0 : i32
    %c0_i32_0 = arith.constant 0 : i32
    %c0_i32_1 = arith.constant 0 : i32
    return %c0_i32, %arg0, %c0_i32_0 : i32, i32, i32
  }
  func.func @transform_1(%arg0: i32) -> (i32, i32) {
    %c0_i32 = arith.constant 0 : i32
    %c0_i32_0 = arith.constant 0 : i32
    return %arg0, %c0_i32 : i32, i32
  }
  func.func @transform_2(%arg0: i32) -> (i32, i32) {
    %c0_i32 = arith.constant 0 : i32
    %c0_i32_0 = arith.constant 0 : i32
    %c0_i32_1 = arith.constant 0 : i32
    return %c0_i32, %c0_i32_0 : i32, i32
  }
  func.func @transform_3(%arg0: i32) -> (i32, i32) {
    %c0_i32 = arith.constant 0 : i32
    %c0_i32_0 = arith.constant 0 : i32
    return %arg0, %c0_i32 : i32, i32
  }
}

module attributes {stable_mosaic.version = 14 : i64} {
  func.func @_tc2_body(%arg0: i32, %arg1: memref<2x1000x16xf32, #tpu.memory_space<vmem>>, %arg2: memref<2x1000x128xf32, #tpu.memory_space<vmem>>, %arg3: memref<1000x128xf32, #tpu.memory_space<vmem>>, %arg4: memref<1x128xf32, #tpu.memory_space<vmem>>, %arg5: memref<128x64xf32, #tpu.memory_space<vmem>>, %arg6: memref<1000x64xf32, #tpu.memory_space<vmem>>) attributes {dimension_semantics = [#tpu.dimension_semantics<arbitrary>], iteration_bounds = array<i64: 10>, scalar_prefetch = 0 : i64, scratch_operands = 0 : i64, tpu.core_type = #tpu.core_type<tc>, window_params = [{transform_indices = @transform_0, window_bounds = array<i64: 2, 1000, 16>}, {transform_indices = @transform_1, window_bounds = array<i64: 2, 1000, 128>}, {transform_indices = @transform_2, window_bounds = array<i64: 1000, 128>}, {pipeline_mode = #tpu.pipeline_mode<synchronous>, transform_indices = @transform_3, window_bounds = array<i64: 1, 128>}, {pipeline_mode = #tpu.pipeline_mode<synchronous>, transform_indices = @transform_4, window_bounds = array<i64: 128, 64>}, {transform_indices = @transform_5, window_bounds = array<i64: 1000, 64>}]} {
    %get3A = arith.constant 0 : index
    %get3A_0 = arith.constant 0 : index
    %get3A_1 = arith.constant 0 : index
    %get3A_2 = vector.load %arg1[%get3A, %get3A_0, %get3A_1] : memref<2x1000x16xf32, #tpu.memory_space<vmem>>, vector<1x1000x16xf32>
    %get3A_3 = vector.shape_cast %get3A_2 : vector<1x1000x16xf32> to vector<1000x16xf32>
    %slice3A = vector.extract_strided_slice %get3A_3 {offsets = [0, 0], sizes = [1000, 1], strides = [1, 1]} : vector<1000x16xf32> to vector<1000x1xf32>
    %get3A_4 = arith.constant 1 : index
    %get3A_5 = arith.constant 0 : index
    %get3A_6 = arith.constant 0 : index
    %get3A_7 = vector.load %arg1[%get3A_4, %get3A_5, %get3A_6] : memref<2x1000x16xf32, #tpu.memory_space<vmem>>, vector<1x1000x16xf32>
    %get3A_8 = vector.shape_cast %get3A_7 : vector<1x1000x16xf32> to vector<1000x16xf32>
    %slice3A_9 = vector.extract_strided_slice %get3A_8 {offsets = [0, 0], sizes = [1000, 1], strides = [1, 1]} : vector<1000x16xf32> to vector<1000x1xf32>
    %add3A = arith.addf %slice3A, %slice3A_9 : vector<1000x1xf32>
    %add3A_10 = arith.constant 1.000000e+00 : f32
    %add3A_11 = vector.broadcast %add3A_10 : f32 to vector<1000x1xf32>
    %add3A_12 = arith.addf %add3A, %add3A_11 : vector<1000x1xf32>
    %rsqrt3A = math.rsqrt %add3A_12 : vector<1000x1xf32>
    %get3A_13 = arith.constant 0 : index
    %get3A_14 = arith.constant 0 : index
    %get3A_15 = arith.constant 0 : index
    %get3A_16 = vector.load %arg2[%get3A_13, %get3A_14, %get3A_15] : memref<2x1000x128xf32, #tpu.memory_space<vmem>>, vector<1x1000x128xf32>
    %get3A_17 = vector.shape_cast %get3A_16 : vector<1x1000x128xf32> to vector<1000x128xf32>
    %get3A_18 = arith.constant 1 : index
    %get3A_19 = arith.constant 0 : index
    %get3A_20 = arith.constant 0 : index
    %get3A_21 = vector.load %arg2[%get3A_18, %get3A_19, %get3A_20] : memref<2x1000x128xf32, #tpu.memory_space<vmem>>, vector<1x1000x128xf32>
    %get3A_22 = vector.shape_cast %get3A_21 : vector<1x1000x128xf32> to vector<1000x128xf32>
    %add3A_23 = arith.addf %get3A_17, %get3A_22 : vector<1000x128xf32>
    %get3A_24 = arith.constant 0 : index
    %get3A_25 = arith.constant 0 : index
    %get3A_26 = vector.load %arg3[%get3A_24, %get3A_25] : memref<1000x128xf32, #tpu.memory_space<vmem>>, vector<1000x128xf32>
    %sub3A = arith.subf %add3A_23, %get3A_26 : vector<1000x128xf32>
    %mul3A = vector.broadcast %rsqrt3A : vector<1000x1xf32> to vector<1000x128xf32>
    %mul3A_27 = arith.mulf %mul3A, %sub3A : vector<1000x128xf32>
    %get3A_28 = arith.constant 0 : index
    %get3A_29 = arith.constant 0 : index
    %get3A_30 = vector.load %arg4[%get3A_28, %get3A_29] : memref<1x128xf32, #tpu.memory_space<vmem>>, vector<1x128xf32>
    %add3A_31 = vector.broadcast %get3A_30 : vector<1x128xf32> to vector<1000x128xf32>
    %add3A_32 = arith.addf %mul3A_27, %add3A_31 : vector<1000x128xf32>
    %max3A = arith.constant 0.000000e+00 : f32
    %max3A_33 = vector.broadcast %max3A : f32 to vector<1000x128xf32>
    %max3A_34 = arith.maximumf %add3A_32, %max3A_33 : vector<1000x128xf32>
    %get3A_35 = arith.constant 0 : index
    %get3A_36 = arith.constant 0 : index
    %get3A_37 = vector.load %arg5[%get3A_35, %get3A_36] : memref<128x64xf32, #tpu.memory_space<vmem>>, vector<128x64xf32>
    %dot_general3A = arith.constant dense<0.000000e+00> : vector<1000x64xf32>
    %dot_general3A_38 = tpu.matmul %max3A_34, %get3A_37, %dot_general3A {dimension_numbers = #tpu.dot_dimension_numbers<[1], [0], [0], [1], [0, 0, 1, 1], [], []>, transpose_lhs_hint = false} : vector<1000x128xf32>, vector<128x64xf32>, vector<1000x64xf32> -> vector<1000x64xf32>
    %mul3A_39 = vector.broadcast %rsqrt3A : vector<1000x1xf32> to vector<1000x64xf32>
    %mul3A_40 = arith.mulf %mul3A_39, %dot_general3A_38 : vector<1000x64xf32>
    %swap3A = arith.constant 0 : index
    %swap3A_41 = arith.constant 0 : index
    %swap3A_42 = vector.load %arg6[%swap3A, %swap3A_41] : memref<1000x64xf32, #tpu.memory_space<vmem>>, vector<1000x64xf32>
    tpu.vector_store %arg6[%swap3A, %swap3A_41], %mul3A_40 {strides = array<i32>} : memref<1000x64xf32, #tpu.memory_space<vmem>>, vector<1000x64xf32>,
    return
  }
  func.func @transform_0(%arg0: i32) -> (i32, i32, i32) {
    %c0_i32 = arith.constant 0 : i32
    %c0_i32_0 = arith.constant 0 : i32
    %c0_i32_1 = arith.constant 0 : i32
    return %c0_i32, %arg0, %c0_i32_0 : i32, i32, i32
  }
  func.func @transform_1(%arg0: i32) -> (i32, i32, i32) {
    %c0_i32 = arith.constant 0 : i32
    %c0_i32_0 = arith.constant 0 : i32
    %c0_i32_1 = arith.constant 0 : i32
    return %c0_i32, %arg0, %c0_i32_0 : i32, i32, i32
  }
  func.func @transform_2(%arg0: i32) -> (i32, i32) {
    %c0_i32 = arith.constant 0 : i32
    %c0_i32_0 = arith.constant 0 : i32
    return %arg0, %c0_i32 : i32, i32
  }
  func.func @transform_3(%arg0: i32) -> (i32, i32) {
    %c0_i32 = arith.constant 0 : i32
    %c0_i32_0 = arith.constant 0 : i32
    %c0_i32_1 = arith.constant 0 : i32
    return %c0_i32, %c0_i32_0 : i32, i32
  }
  func.func @transform_4(%arg0: i32) -> (i32, i32) {
    %c0_i32 = arith.constant 0 : i32
    %c0_i32_0 = arith.constant 0 : i32
    %c0_i32_1 = arith.constant 0 : i32
    return %c0_i32, %c0_i32_0 : i32, i32
  }
  func.func @transform_5(%arg0: i32) -> (i32, i32) {
    %c0_i32 = arith.constant 0 : i32
    %c0_i32_0 = arith.constant 0 : i32
    return %arg0, %c0_i32 : i32, i32
  }
}

module attributes {stable_mosaic.version = 14 : i64} {
  func.func @_tc3_body(%arg0: i32, %arg1: memref<2x1000x16xf32, #tpu.memory_space<vmem>>, %arg2: memref<2x1000x64xf32, #tpu.memory_space<vmem>>, %arg3: memref<1000x64xf32, #tpu.memory_space<vmem>>, %arg4: memref<1x64xf32, #tpu.memory_space<vmem>>, %arg5: memref<1000x64xf32, #tpu.memory_space<vmem>>) attributes {dimension_semantics = [#tpu.dimension_semantics<arbitrary>], iteration_bounds = array<i64: 10>, scalar_prefetch = 0 : i64, scratch_operands = 0 : i64, tpu.core_type = #tpu.core_type<tc>, window_params = [{transform_indices = @transform_0, window_bounds = array<i64: 2, 1000, 16>}, {transform_indices = @transform_1, window_bounds = array<i64: 2, 1000, 64>}, {transform_indices = @transform_2, window_bounds = array<i64: 1000, 64>}, {pipeline_mode = #tpu.pipeline_mode<synchronous>, transform_indices = @transform_3, window_bounds = array<i64: 1, 64>}, {transform_indices = @transform_4, window_bounds = array<i64: 1000, 64>}]} {
    %get3A = arith.constant 0 : index
    %get3A_0 = arith.constant 0 : index
    %get3A_1 = arith.constant 0 : index
    %get3A_2 = vector.load %arg1[%get3A, %get3A_0, %get3A_1] : memref<2x1000x16xf32, #tpu.memory_space<vmem>>, vector<1x1000x16xf32>
    %get3A_3 = vector.shape_cast %get3A_2 : vector<1x1000x16xf32> to vector<1000x16xf32>
    %slice3A = vector.extract_strided_slice %get3A_3 {offsets = [0, 0], sizes = [1000, 1], strides = [1, 1]} : vector<1000x16xf32> to vector<1000x1xf32>
    %get3A_4 = arith.constant 1 : index
    %get3A_5 = arith.constant 0 : index
    %get3A_6 = arith.constant 0 : index
    %get3A_7 = vector.load %arg1[%get3A_4, %get3A_5, %get3A_6] : memref<2x1000x16xf32, #tpu.memory_space<vmem>>, vector<1x1000x16xf32>
    %get3A_8 = vector.shape_cast %get3A_7 : vector<1x1000x16xf32> to vector<1000x16xf32>
    %slice3A_9 = vector.extract_strided_slice %get3A_8 {offsets = [0, 0], sizes = [1000, 1], strides = [1, 1]} : vector<1000x16xf32> to vector<1000x1xf32>
    %add3A = arith.addf %slice3A, %slice3A_9 : vector<1000x1xf32>
    %add3A_10 = arith.constant 1.000000e+00 : f32
    %add3A_11 = vector.broadcast %add3A_10 : f32 to vector<1000x1xf32>
    %add3A_12 = arith.addf %add3A, %add3A_11 : vector<1000x1xf32>
    %rsqrt3A = math.rsqrt %add3A_12 : vector<1000x1xf32>
    %get3A_13 = arith.constant 0 : index
    %get3A_14 = arith.constant 0 : index
    %get3A_15 = arith.constant 0 : index
    %get3A_16 = vector.load %arg2[%get3A_13, %get3A_14, %get3A_15] : memref<2x1000x64xf32, #tpu.memory_space<vmem>>, vector<1x1000x64xf32>
    %get3A_17 = vector.shape_cast %get3A_16 : vector<1x1000x64xf32> to vector<1000x64xf32>
    %get3A_18 = arith.constant 1 : index
    %get3A_19 = arith.constant 0 : index
    %get3A_20 = arith.constant 0 : index
    %get3A_21 = vector.load %arg2[%get3A_18, %get3A_19, %get3A_20] : memref<2x1000x64xf32, #tpu.memory_space<vmem>>, vector<1x1000x64xf32>
    %get3A_22 = vector.shape_cast %get3A_21 : vector<1x1000x64xf32> to vector<1000x64xf32>
    %add3A_23 = arith.addf %get3A_17, %get3A_22 : vector<1000x64xf32>
    %get3A_24 = arith.constant 0 : index
    %get3A_25 = arith.constant 0 : index
    %get3A_26 = vector.load %arg3[%get3A_24, %get3A_25] : memref<1000x64xf32, #tpu.memory_space<vmem>>, vector<1000x64xf32>
    %sub3A = arith.subf %add3A_23, %get3A_26 : vector<1000x64xf32>
    %mul3A = vector.broadcast %rsqrt3A : vector<1000x1xf32> to vector<1000x64xf32>
    %mul3A_27 = arith.mulf %mul3A, %sub3A : vector<1000x64xf32>
    %get3A_28 = arith.constant 0 : index
    %get3A_29 = arith.constant 0 : index
    %get3A_30 = vector.load %arg4[%get3A_28, %get3A_29] : memref<1x64xf32, #tpu.memory_space<vmem>>, vector<1x64xf32>
    %add3A_31 = vector.broadcast %get3A_30 : vector<1x64xf32> to vector<1000x64xf32>
    %add3A_32 = arith.addf %mul3A_27, %add3A_31 : vector<1000x64xf32>
    %max3A = arith.constant 0.000000e+00 : f32
    %max3A_33 = vector.broadcast %max3A : f32 to vector<1000x64xf32>
    %max3A_34 = arith.maximumf %add3A_32, %max3A_33 : vector<1000x64xf32>
    %swap3A = arith.constant 0 : index
    %swap3A_35 = arith.constant 0 : index
    %swap3A_36 = vector.load %arg5[%swap3A, %swap3A_35] : memref<1000x64xf32, #tpu.memory_space<vmem>>, vector<1000x64xf32>
    tpu.vector_store %arg5[%swap3A, %swap3A_35], %max3A_34 {strides = array<i32>} : memref<1000x64xf32, #tpu.memory_space<vmem>>, vector<1000x64xf32>,
    return
  }
  func.func @transform_0(%arg0: i32) -> (i32, i32, i32) {
    %c0_i32 = arith.constant 0 : i32
    %c0_i32_0 = arith.constant 0 : i32
    %c0_i32_1 = arith.constant 0 : i32
    return %c0_i32, %arg0, %c0_i32_0 : i32, i32, i32
  }
  func.func @transform_1(%arg0: i32) -> (i32, i32, i32) {
    %c0_i32 = arith.constant 0 : i32
    %c0_i32_0 = arith.constant 0 : i32
    %c0_i32_1 = arith.constant 0 : i32
    return %c0_i32, %arg0, %c0_i32_0 : i32, i32, i32
  }
  func.func @transform_2(%arg0: i32) -> (i32, i32) {
    %c0_i32 = arith.constant 0 : i32
    %c0_i32_0 = arith.constant 0 : i32
    return %arg0, %c0_i32 : i32, i32
  }
  func.func @transform_3(%arg0: i32) -> (i32, i32) {
    %c0_i32 = arith.constant 0 : i32
    %c0_i32_0 = arith.constant 0 : i32
    %c0_i32_1 = arith.constant 0 : i32
    return %c0_i32, %c0_i32_0 : i32, i32
  }
  func.func @transform_4(%arg0: i32) -> (i32, i32) {
    %c0_i32 = arith.constant 0 : i32
    %c0_i32_0 = arith.constant 0 : i32
    return %arg0, %c0_i32 : i32, i32
  }
}

</mosaic_0001>

<sc_bundles>
// kernel: kernel.11.cloned.1.call-start
scs
__scs_entry_jumppad:
0x0: {  	(pc) =	sbr.rel $0x88, $3  }
0x1: {  	(tag) =	ssettag $0x0;
	lr =	simm.s32 $0x1  }
0x2: {  	[smem:$0x3F9B] =	sst lr;
	_ =	strace $0xD0000000  }
0x3: {  	_ = 	snop  }
0x4: {  	_ = 	snop  }
0x5: {  	_ = 	snop  }
0x6: {  	_ = 	snop  }
0x7: {  	_ = 	snop  }
__scs_overlays_trampoline_lowered:
0x8: {  	[smem:$0x3FAA] =	sst s0  }
0x9: {  	[smem:$0x3FAB] =	sst s1  }
0xa: {  	[smem:$0x3FAC] =	sst s2  }
0xb: {  	[smem:$0x3FAD] =	sst s3  }
0xc: {  	[smem:$0x3FAE] =	sst s4  }
0xd: {  	[smem:$0x3FAF] =	sst s5  }
0xe: {  	[smem:$0x3FB0] =	sst s6  }
0xf: {  	[smem:$0x3FB1] =	sst s7  }
0x10: {  	[smem:$0x3FB2] =	sst s8  }
0x11: {  	[smem:$0x3FB3] =	sst s9;
	s0 =	simm.s32 @!p0 $0x0  }
0x12: {  	s1 =	sld [smem:$0x3F99];
	s0 =	simm.s32 @p0 $0x1  }
0x13: {  	[smem:$0x3FB4] =	sst s0;
	s0 =	simm.s32 @!p1 $0x0  }
0x14: {  	s2 =	sld [smem:$0x3F98];
	s0 =	simm.s32 @p1 $0x1  }
0x15: {  	[smem:$0x3FB5] =	sst s0;
	s0 =	simm.s32 @!p2 $0x0  }
0x16: {  	s3 =	sld [smem:$0x3FDB];
	s0 =	simm.s32 @p2 $0x1  }
0x17: {  	s4 =	simm.s32 $0x1BF5;
	[smem:$0x3FB7] =	sst s0  }
0x18: {  	s0 =	sld [smem:$0x3F9A];
	_ =	swait.ge [sflag:s4], $0x0  }
0x19: {  	s7 =	sld [smem:$0x3F9B]  }
0x1a: {  	s8 =	sadd.s32 $0xFFFFE003, lr  }
0x1b: {  	s9 =	sadd.s32 $0xFFFFFEF7, lr;
	s5 =	simm.s32 $0xFFFFFFFF;
	p2 =	slt.u32 s8, $0xFFFFF086  }
0x1c: {  	p1 =	slt.u32 s9, $0xF7A;
	s5 =	simm.s32 @!p2 $0x0  }
0x1d: {  	s5 =	simm.s32 @p1 $0x1;
	p0 =	seq.s32 s7, s2  }
0x1e: {  	s7 =	smul.u32 @!p0 $0xF7A, s2;
	p2 =	seq.s32 @!p0 s5, $0x0  }
0x1f: {  	s9 =	smul.u32 $0xF7A, s1;
	s8 =	simm.s32 @!p0 $0x1BF5;
	p2 =	por !p2, p0  }
0x20: {  	[sflag:s8] =	ssyncset.s32 @!p0 $0xFFFFF086;
	s6 =	sadd.s32 @!p0 s3, s7;
	s7 =	simm.s32 @!p0 $0x108  }
0x21: {  	s3 =	sadd.s32 s3, s9;
	s6 =	sadd.s32 @!p0 $0x88, s6;
	s7 =	simm.s32 @p2 $0x1082  }
0x22: {  	[simem:s7], [sflag:s8] =	dma.local @!p0 [hbm:s6], $0xF7A  }
0x23: {  	s9 =	sor.u32 $0xD0000000, s2;
	s6 =	simm.s32 $0x108;
	_ =	swait.ge @!p0 [sflag:s8], $0x0  }
0x24: {  	s3 =	sadd.s32 $0x88, s3;
	s6 =	simm.s32 @!p1 $0x1082;
	[sflag:s4] =	ssyncset.s32 $0xFFFFF086  }
0x25: {  	[simem:s6], [sflag:s4] =	dma.local [hbm:s3], $0xF7A  }
0x26: {  	[smem:$0x3F9B] =	sst s1;
	(tag) =	ssettag s2;
	_ =	strace s9  }
0x27: {  	s1 =	sld [smem:$0x3FAB]  }
0x28: {  	s2 =	sld [smem:$0x3FAC]  }
0x29: {  	s4 =	sld [smem:$0x3FAE]  }
0x2a: {  	p0 =	seq.s32 s5, $0x0;
	s5 =	sld [smem:$0x3FAF]  }
0x2b: {  	s6 =	sld [smem:$0x3FB0]  }
0x2c: {  	s7 =	sld [smem:$0x3FB1]  }
0x2d: {  	s3 =	simm.s32 $0x108;
	s8 =	sld [smem:$0x3FB2]  }
0x2e: {  	s3 =	simm.s32 @!p0 $0x1082;
	s9 =	sld [smem:$0x3FB3]  }
0x2f: {  	lr =	sadd.s32 s0, s3;
	s0 =	sld [smem:$0x3FAA]  }
0x30: {  	s3 =	sld [smem:$0x3FAD]  }
0x31: {  	[smem:$0x3FB6] =	sst s10  }
0x32: {  	s10 =	sld [smem:$0x3FB4];
	_ =	sdelay $0x3  }
0x33: {  	p0 =	seq.s32 s10, $0x1;
	s10 =	sld [smem:$0x3FB6];
	_ =	sdelay $0x3  }
0x34: {  	[smem:$0x3FB6] =	sst s10  }
0x35: {  	s10 =	sld [smem:$0x3FB5];
	_ =	sdelay $0x3  }
0x36: {  	p1 =	seq.s32 s10, $0x1;
	s10 =	sld [smem:$0x3FB6];
	_ =	sdelay $0x3  }
0x37: {  	[smem:$0x3FB6] =	sst s10  }
0x38: {  	s10 =	sld [smem:$0x3FB7]  }
0x39: {  	_ = 	snop;
	(pc) =	sbr.ind lr, $3  }
0x3a: {  	_ = 	snop  }
0x3b: {  	_ = 	snop  }
0x3c: {  	p2 =	seq.s32 s10, $0x1;
	s10 =	sld [smem:$0x3FB6]  }
0x3d: {  	_ =	shalt  }
0x3e: {  	_ =	shalt  }
0x3f: {  	_ =	shalt  }
0x40: {  	_ =	shalt  }
0x41: {  	_ =	shalt  }
0x42: {  	_ =	shalt  }
0x43: {  	_ =	shalt  }
0x44: {  	_ =	shalt  }
0x45: {  	_ =	shalt  }
0x46: {  	_ =	shalt  }
0x47: {  	_ =	shalt  }
0x48: {  	_ =	shalt  }
0x49: {  	_ =	shalt  }
0x4a: {  	_ =	shalt  }
0x4b: {  	_ =	shalt  }
0x4c: {  	_ =	shalt  }
0x4d: {  	_ =	shalt  }
0x4e: {  	_ =	shalt  }
0x4f: {  	_ =	shalt  }
0x50: {  	_ =	shalt  }
0x51: {  	_ =	shalt  }
0x52: {  	_ =	shalt  }
0x53: {  	_ =	shalt  }
0x54: {  	_ =	shalt  }
0x55: {  	_ =	shalt  }
0x56: {  	_ =	shalt  }
0x57: {  	_ =	shalt  }
0x58: {  	_ =	shalt  }
0x59: {  	_ =	shalt  }
0x5a: {  	_ =	shalt  }
0x5b: {  	_ =	shalt  }
0x5c: {  	_ =	shalt  }
0x5d: {  	_ =	shalt  }
0x5e: {  	_ =	shalt  }
0x5f: {  	_ =	shalt  }
0x60: {  	_ =	shalt  }
0x61: {  	_ =	shalt  }
0x62: {  	_ =	shalt  }
0x63: {  	_ =	shalt  }
0x64: {  	_ =	shalt  }
0x65: {  	_ =	shalt  }
0x66: {  	_ =	shalt  }
0x67: {  	_ =	shalt  }
0x68: {  	_ =	shalt  }
0x69: {  	_ =	shalt  }
0x6a: {  	_ =	shalt  }
0x6b: {  	_ =	shalt  }
0x6c: {  	_ =	shalt  }
0x6d: {  	_ =	shalt  }
0x6e: {  	_ =	shalt  }
0x6f: {  	_ =	shalt  }
0x70: {  	_ =	shalt  }
0x71: {  	_ =	shalt  }
0x72: {  	_ =	shalt  }
0x73: {  	_ =	shalt  }
0x74: {  	_ =	shalt  }
0x75: {  	_ =	shalt  }
0x76: {  	_ =	shalt  }
0x77: {  	_ =	shalt  }
0x78: {  	_ =	shalt  }
0x79: {  	_ =	shalt  }
0x7a: {  	_ =	shalt  }
0x7b: {  	_ =	shalt  }
0x7c: {  	_ =	shalt  }
0x7d: {  	_ =	shalt  }
0x7e: {  	_ =	shalt  }
0x7f: {  	_ =	shalt  }
0x80: {  	_ =	shalt  }
0x81: {  	_ =	shalt  }
0x82: {  	_ =	shalt  }
0x83: {  	_ =	shalt  }
0x84: {  	_ =	shalt  }
0x85: {  	_ =	shalt  }
0x86: {  	_ =	shalt  }
0x87: {  	_ =	shalt  }
.Lfunc_end0:
.L_simem_size_0:
called_computation.1_lowered:
.L_overlay_start_0:
0x88: {  	s2 =	sld [smem:$0x3FD9]  }
0x89: {  	s3 =	sld [smem:$0x3FFE];
	_ =	sdelay $0x1  }
0x8a: {  	s1 =	srdreg.scid  }
0x8b: {  	s0 =	sand.u32 $0x1, s1  }
0x8c: {  	s16 =	sshll.u32 s0, $0xA;
	s2 =	sadd.s32 s3, s2  }
0x8d: {  	s2 =	sadd.s32 s2, s16  }
0x8e: {  	[smem:$0x3FC2] =	sst s2  }
0x8f: {  	_ = 	snop  }
0x90: {  	(tm) =	ssettm $0x1  }
0x91: {  	s17 =	sld [smem:$0x3FFB];
	_ =	sdelay $0x3  }
0x92: {  	_ =	strace s17  }
0x93: {  	s2 =	sld [smem:$0x3FFC];
	_ =	sdelay $0x3  }
0x94: {  	_ =	strace s2  }
0x95: {  	s2 =	sld [smem:$0x3FFD];
	_ =	sdelay $0x3  }
0x96: {  	_ =	strace s2  }
0x97: {  	_ =	strace $0x8FFFFFFF  }
0x98: {  	s18 =	sld [smem:$0x3FDB];
	_ =	sdelay $0x1  }
0x99: {  	s19 =	simm.s32 $_scs_section_size  }
0x9a: {  	s4 =	simm.s32 $_size__tile_overlayer_lowered;
	s5 =	simm.s32 $_tile_overlayer_lowered  }
0x9b: {  	s22 =	simm.s32 $0x1BFF;
	s21 =	sshll.u32 s5, $0x1;
	s2 =	sadd.s32 s19, s18  }
0x9c: {  	s6 =	simm.s32 $0x0;
	s20 =	sshll.u32 s4, $0x1;
	s4 =	sadd.s32 s21, s2  }
0x9d: {  	[timem:s6], [sflag:s22] =	dma.local [hbm:s4], s20  }
0x9e: {  	_ =	swait.ge [sflag:s22], s20  }
0x9f: {  	s3 =	ssub.s32 $0x0, s20;
	[sflag:s22] =	ssyncset.done $0x0  }
0xa0: {  	[sflag:s22] =	ssyncadd.s32 s3;
	_ =	sdelay $0x1  }
0xa1: {  	s23 =	simm.s32 $0x1B8B  }
0xa2: {  	_ =	swait.ge [sflag:s23], $0x1  }
0xa3: {  	[sflag:s23] =	ssyncset.done $0x0  }
0xa4: {  	s25 =	simm.s32 $0x1B8E;
	s24 =	sld [smem:$0x3FFE];
	[sflag:s23] =	ssyncadd.s32 $0xFFFFFFFF  }
0xa5: {  	s26 =	simm.s32 $execute0_lowered;
	[smem:$0x3FD2] =	sst s25  }
0xa6: {  	s4 =	sshll.u32 s26, $0x1;
	_ =	strace $0x80000049;
	[dreg:$0x1] =	wrdreg $0xFFFFFFFF  }
0xa7: {  	s28 =	simm.s32 $_size_execute0_lowered;
	s2 =	sadd.s32 s2, s4;
	[dreg:$0x0] =	wrdreg $0x0  }
0xa8: {  	s4 =	sshll.u32 s28, $0x1;
	[dreg:$0x2] =	wrdreg s2  }
0xa9: {  	[dreg:$0x3] =	wrdreg s4  }
0xaa: {  	[dreg:$0x4] =	wrdreg $0xC0  }
0xab: {  	_ =	task [dreg:s6], $0x5FFFF  }
0xac: {  	[dreg:$0x1] =	wrdreg $0xFFFFFFFF  }
0xad: {  	[dreg:$0x0] =	wrdreg $0x60  }
0xae: {  	[dreg:$0x2] =	wrdreg s24  }
0xaf: {  	[dreg:$0x3] =	wrdreg $0x87A00  }
0xb0: {  	[dreg:$0x4] =	wrdreg $0x9  }
0xb1: {  	_ =	task.clear_ibuf [dreg:s6], $0x5FFFF;
	_ =	strace $0x90000049  }
0xb2: {  	s29 =	simm.s32 $0x9;
	_ =	strace $0x8000004B  }
0xb3: {  	_ =	swait.ge [sflag:s29], $0x1  }
0xb4: {  	[sflag:s29] =	ssyncadd.s32 $0xFFFFFFFF  }
0xb5: {  	_ =	strace $0x9000004B  }
0xb6: {  	_ =	sfence  }
0xb7: {  	s30 =	sld [smem:$0x0];
	_ =	sdelay $0x2  }
0xb8: {  	s31 =	sshll.u32 s1, $0xD;
	s1 =	sshrl.u32 s1, $0x2  }
0xb9: {  	s3 =	sand.u32 $0x4000, s31;
	s1 =	sadd.s32 s1, s30  }
0xba: {  	s0 =	sor.u32 s3, s0;
	s1 =	sshll.u32 s1, $0x11  }
0xbb: {  	s0 =	sor.u32 s1, s0  }
0xbc: {  	s0 =	sadd.s32 $0x8F2B, s0  }
0xbd: {  	[sflag:s0] =	ssyncadd.remote.s32 $0x1  }
0xbe: {  	_ =	sfence.sel $0xFFFF  }
0xbf: {  	[dreg:$0x0] =	wrdreg $0xFFFFFFFF;
	(pc) =	sbr.abs _section_cstart, $3  }
0xc0: {  	[dreg:$0x1] =	wrdreg $0xFFFFFFFF  }
0xc1: {  	_ =	task.clear_ibuf [dreg:s6], $0x2FFFF;
	_ =	strace $0x9FFFFFFF  }
0xc2: {  	(tm) =	ssettm $0x7FFFFFFF  }
0xc3: {  	_ =	shalt  }
tec
execute0_lowered:
.L_overlay_start_1:
0x0: {  	(tag) =	ssettag $0x1  }
0x1: {  	s0 =	rddreg [dreg:$0x0]  }
0x2: {  	s1 =	rddreg [dreg:$0x1];
	s2 =	simm.s32 $0x0;
	s5 =	srdreg.scid  }
0x3: {  	s13 =	stileid.u32;
	s17 =	simm.s32 $0xFA0;
	s18 =	simm.s32 $0x37A0  }
0x4: {  	s19 =	simm.s32 $0x1;
	s20 =	simm.s32 $0x2;
	[smem:$0x7FF] =	sst s2  }
0x5: {  	s3 =	sadd.s32 $0x15A00, s0;
	s4 =	sadd.s32 $0x1E00, s0;
	s6 =	sand.u32 $0x1, s5  }
0x6: {  	s5 =	sadd.s32 $0xBC00, s0;
	s9 =	smul.u32 $0x13800, s13;
	s10 =	sadd.s32 $0x3CC00, s0  }
0x7: {  	s11 =	sshll.u32 s13, $0x1;
	s28 =	sshll.u32 s13, $0x6;
	s16 =	sadd.s32 $0x138000, s1  }
0x8: {  	s0 =	sadd.s32 $0x3CA00, s0;
	p0 =	sne.s32 s13, $0x0;
	_ =	strace $0x8000004A  }
0x9: {  	s7 =	ssub.s32 $0x2, s6;
	s11 =	sor.u32 s6, s11;
	s15 =	smul.u32 $0x138800, s6  }
0xa: {  	[dreg:$0x4] =	wrdreg s0;
	s8 =	sshrl.u32 s7, $0x1;
	s26 =	sshrl.u32 s9, $0x3  }
0xb: {  	s14 =	sadd.s32 s9, s1;
	s12 =	ssub.s32 s7, s8;
	s29 =	sadd.s32 s3, s26  }
0xc: {  	s7 =	sor.u32 $0x1C03, s28;
	s30 =	sadd.s32 s9, s15;
	s15 =	sshrl.u32 s15, $0x3  }
0xd: {  	s9 =	smul.u32 $0x2710, s11;
	s13 =	sshrl.u32 s14, $0x3;
	s14 =	simm.s32 $0x3  }
0xe: {  	[dreg:$0x3] =	wrdreg s29;
	s0 =	sshrl.u32 s30, $0x3;
	s31 =	sadd.s32 s10, s15  }
0xf: {  	s12 =	smax.u32 s12, $0x1;
	s15 =	sshrl.u32 @!p0 s16, $0x3;
	s0 =	sadd.s32 s10, s0  }
0x10: {  	s16 =	simm.s32 $0x50;
	s11 =	sadd.s32 $0x27000, s31;
	[dreg:$0x5] =	wrdreg s0  }
.LBB2_1:
0x11: {  	s0 =	rddreg [dreg:$0x3]  }
0x12: {  	[spmem:s13], [sflag:s7] =	dma.local [hbm:s0], $0x2700  }
0x13: {  	_ =	swait.ge [sflag:s14], $0x2700  }
0x14: {  	[sflag:s14] =	ssyncset.done $0x0  }
0x15: {  	s0 =	rddreg [dreg:$0x4];
	[sflag:s14] =	ssyncadd.s32 $0xFFFFD900  }
0x16: {  	[spmem:s15], [sflag:s7] =	dma.local @!p0 [hbm:s0], $0x100  }
0x17: {  	s0 =	simm.s32 @!p0 $0x3  }
0x18: {  	_ =	swait.ge @!p0 [sflag:s0], $0x100  }
0x19: {  	[sflag:s0] =	ssyncset.done @!p0 $0x0  }
0x1a: {  	[sflag:s0] =	ssyncadd.s32 @!p0 $0xFFFFFF00  }
0x1b: {  	s21 =	simm.s32 $0x0;
	[bflag:$0x0] =	sbarrier.arrive $0xFFFF  }
.LBB2_2:
0x1c: {  	s0 =	smul.u32 $0x7D0, s21;
	_ =	sdelay $0x1  }
0x1d: {  	s0 =	sadd.s32 s9, s0  }
0x1e: {  	s0 =	sshrl.u32 s0, $0x3  }
0x1f: {  	s23 =	simm.s32 $0x0;
	s28 =	simm.s32 $0x7D0;
	s22 =	sadd.s32 s4, s0  }
0x20: {  	[tilespmem:s23], [sflag:$0x3] =	stream.linear.gather [hbm4b:s22+s23], $0x7D0, $0x38;
	[tilespmem:$0x1C060] =	vst v63  }
0x21: {  	p2 =	por $0x0, $0x0;
	s25 =	simm.s32 $0xA0;
	s22 =	simm.s32 $0x2  }
0x22: {  	s24 =	simm.s32 $0x1;
	_ =	swait.ge [sflag:s14], $0x7D0;
	s22 =	smul.u32 @!p2 $0xAB, s22  }
0x23: {  	s26 =	simm.s32 $0x2;
	s8 =	smul.u32 $0xAB, s23;
	[sflag:s14] =	ssyncset.done $0x0  }
0x24: {  	s0 =	sadd.s32 s5, s0;
	[sflag:s14] =	ssyncadd.s32 $0xFFFFF830;
	s22 =	sshrl.u32 @!p2 s22, $0x9  }
0x25: {  	[tilespmem:s28], [sflag:$0x3] =	stream.linear.gather [hbm4b:s0+s23], $0x7D0, $0x38;
	[tilespmem:$0x1C060] =	vst v63  }
0x26: {  	s0 =	sshrl.u32 s8, $0x9;
	s22 =	sand.u32 @!p2 $0x7F, s22;
	_ =	swait.ge [sflag:s14], $0x7D0  }
0x27: {  	s0 =	sand.u32 $0x7F, s0;
	s22 =	smul.u32 @!p2 $0x3, s22;
	[sflag:s14] =	ssyncset.done $0x0  }
0x28: {  	p1 =	por @!p2 $0x1, $0x1;
	s0 =	smul.u32 $0x3, s0;
	[sflag:s14] =	ssyncadd.s32 $0xFFFFF830  }
0x29: {  	[tilespmem:s17], [sflag:$0x1] =	stream.indirect.gather [hbm4b:s3+s16], $0x80, s23, s16, $0xb8;
	[tilespmem:$0x1C060] =	vst v63  }
0x2a: {  	p3 =	por p2, p2;
	p1 =	por p1, p2;
	s0 =	ssub.s32 $0x0, s0  }
0x2b: {  	p2 =	por $0x0, $0x0;
	s22 =	ssub.s32 @!p3 $0x2, s22;
	s0 =	sand.u32 $0xFF, s0  }
0x2c: {  	[tilespmem:s18], [sflag:$0x1] =	stream.indirect.gather [hbm4b:s3+s16], $0x80, s16, s16, $0xb8;
	[tilespmem:$0x1C060] =	vst v63  }
0x2d: {  	s29 =	sand.u32 @!p3 $0xFF, s22;
	s22 =	simm.s32 $0xF0;
	s0 =	smul.u32 $0xA000, s0  }
0x2e: {  	s23 =	simm.s32 $0x820;
	s31 =	smul.u32 @!p3 $0xA000, s29;
	_ =	swait.ge [sflag:s19], $0x2800  }
0x2f: {  	[sflag:s19] =	ssyncset.done $0x0;
	s10 =	sshrl.u32 s0, $0x2;
	s0 =	smul.u32 $0xAB, s24  }
0x30: {  	s29 =	simm.s32 @!p3 $0x50;
	[sflag:s19] =	ssyncadd.s32 $0xFFFFD800;
	s30 =	sadd.s32 $0xFA0, s10  }
.LBB2_3:
0x31: {  	s0 =	sshrl.u32 s0, $0x9;
	p4 =	seq.s32 @!p2 s24, $0x0  }
0x32: {  	s6 =	simm.s32 @!p1 $0x2;
	s8 =	smov.u32 s26;
	s10 =	sadd.s32 $0x2, s24  }
0x33: {  	[spmem:s1] =	stream.indirect.scatter.add.f32 [tilespmem:s30], [sflag:$0x2], $0x80, s28, s16, $0xb8;
	[tilespmem:$0x1C060] =	vst v63  }
0x34: {  	s26 =	sadd.s32 $0x1, s26;
	s0 =	sand.u32 $0x7F, s0;
	_ =	swait.ge @!p1 [sflag:s6], $0x2800  }
0x35: {  	s28 =	sshrl.u32 @!p3 s31, $0x2;
	s0 =	smul.u32 $0x3, s0;
	[sflag:s6] =	ssyncset.done @!p1 $0x0  }
0x36: {  	s30 =	smul.u32 @!p2 $0xAB, s10;
	[sflag:s6] =	ssyncadd.s32 @!p1 $0xFFFFD800;
	s6 =	sadd.s32 @!p3 $0xFA0, s28  }
0x37: {  	[tilespmem:s6], [sflag:$0x1] =	stream.indirect.gather @!p3 [hbm4b:s3+s29], $0x80, s25, s29, $0xb8;
	[tilespmem:$0x1C060] =	vst v63  }
0x38: {  	s0 =	ssub.s32 s24, s0;
	p1 =	por p4, p2;
	p4 =	sne.s32 s26, $0x19  }
0x39: {  	s24 =	smov.u32 s8;
	s0 =	sand.u32 $0xFF, s0;
	s6 =	sshrl.u32 @!p2 s30, $0x9  }
0x3a: {  	s6 =	sand.u32 @!p2 $0x7F, s6;
	s0 =	smul.u32 $0xA000, s0;
	_ =	swait.ge [sflag:s19], $0x2800  }
0x3b: {  	s25 =	smov.u32 s22;
	s6 =	smul.u32 @!p2 $0x3, s6;
	[sflag:s19] =	ssyncset.done $0x0  }
.Ltmp0:
0x3c: {  	[sflag:s19] =	ssyncadd.s32 $0xFFFFD800;
	(pc) =	sbr.rel @p4 .LBB2_3-.Ltmp0, $4  }
0x3d: {  	s28 =	smov.u32 s23;
	p3 =	por p2, p2;
	s8 =	sshrl.u32 s0, $0x2  }
0x3e: {  	s0 =	smul.u32 $0xAB, s24;
	s30 =	sadd.s32 $0xFA0, s8;
	s6 =	ssub.s32 @!p3 s10, s6  }
0x3f: {  	s23 =	sadd.s32 $0x50, s23;
	s22 =	sadd.s32 $0x50, s22;
	s6 =	sand.u32 @!p3 $0xFF, s6  }
0x40: {  	s29 =	simm.s32 @!p3 $0x50;
	p2 =	sgt.u32 s24, $0x16;
	s31 =	smul.u32 @!p3 $0xA000, s6  }
0x41: {  	s0 =	sshrl.u32 s0, $0x9;
	s6 =	simm.s32 @!p1 $0x2  }
0x42: {  	[spmem:s1] =	stream.indirect.scatter.add.f32 [tilespmem:s30], [sflag:$0x2], $0x80, s28, s16, $0xb8;
	[tilespmem:$0x1C060] =	vst v63  }
0x43: {  	s8 =	sadd.s32 $0x2, s24;
	s0 =	sand.u32 $0x7F, s0;
	_ =	swait.ge @!p1 [sflag:s6], $0x2800  }
0x44: {  	s10 =	sshrl.u32 @!p3 s31, $0x2;
	s26 =	smul.u32 @!p2 $0xAB, s8;
	[sflag:s6] =	ssyncset.done @!p1 $0x0  }
0x45: {  	s0 =	smul.u32 $0x3, s0;
	[sflag:s6] =	ssyncadd.s32 @!p1 $0xFFFFD800;
	s6 =	sadd.s32 @!p3 $0xFA0, s10  }
0x46: {  	[tilespmem:s6], [sflag:$0x1] =	stream.indirect.gather @!p3 [hbm4b:s3+s29], $0x80, s25, s29, $0xb8;
	[tilespmem:$0x1C060] =	vst v63  }
0x47: {  	s6 =	sshrl.u32 @!p2 s26, $0x9  }
0x48: {  	s0 =	ssub.s32 s24, s0;
	s6 =	sand.u32 @!p2 $0x7F, s6  }
0x49: {  	p1 =	por p2, p2;
	s0 =	sand.u32 $0xFF, s0;
	s6 =	smul.u32 @!p2 $0x3, s6  }
0x4a: {  	p3 =	seq.s32 @!p2 s24, $0x0;
	_ =	swait.ge [sflag:s19], $0x2800;
	s0 =	smul.u32 $0xA000, s0  }
0x4b: {  	p2 =	por p3, p2;
	[sflag:s19] =	ssyncset.done $0x0;
	s6 =	ssub.s32 @!p1 s8, s6  }
0x4c: {  	[sflag:s19] =	ssyncadd.s32 $0xFFFFD800;
	s0 =	sshrl.u32 s0, $0x2;
	s6 =	sand.u32 @!p1 $0xFF, s6  }
0x4d: {  	s8 =	simm.s32 @!p2 $0x2;
	s0 =	sadd.s32 $0xFA0, s0;
	s6 =	smul.u32 @!p1 $0xA000, s6  }
0x4e: {  	[spmem:s1] =	stream.indirect.scatter.add.f32 [tilespmem:s0], [sflag:$0x2], $0x80, s23, s16, $0xb8;
	[tilespmem:$0x1C060] =	vst v63  }
0x4f: {  	_ =	swait.ge @!p2 [sflag:s8], $0x2800  }
0x50: {  	[sflag:s8] =	ssyncset.done @!p2 $0x0;
	s0 =	sshrl.u32 @!p1 s6, $0x2  }
0x51: {  	s6 =	simm.s32 @!p1 $0x50;
	[sflag:s8] =	ssyncadd.s32 @!p2 $0xFFFFD800;
	s0 =	sadd.s32 @!p1 $0xFA0, s0  }
0x52: {  	[tilespmem:s0], [sflag:$0x1] =	stream.indirect.gather @!p1 [hbm4b:s3+s6], $0x80, s22, s6, $0xb8;
	[tilespmem:$0x1C060] =	vst v63  }
0x53: {  	_ =	swait.ge [sflag:s20], $0x2800  }
0x54: {  	[sflag:s20] =	ssyncset.done $0x0  }
0x55: {  	s21 =	sadd.s32 $0x1, s21;
	[sflag:s20] =	ssyncadd.s32 $0xFFFFD800  }
0x56: {  	p1 =	sne.s32 s21, $0x5;
	_ =	swait.ge [sflag:s20], $0x2800  }
.Ltmp1:
0x57: {  	[sflag:s20] =	ssyncset.done $0x0;
	(pc) =	sbr.rel @p1 .LBB2_2-.Ltmp1, $4  }
0x58: {  	[sflag:s20] =	ssyncadd.s32 $0xFFFFD800  }
0x59: {  	_ =	swait.ge [sflag:s20], $0x2800  }
0x5a: {  	[sflag:s20] =	ssyncset.done $0x0  }
0x5b: {  	[sflag:s20] =	ssyncadd.s32 $0xFFFFD800  }
0x5c: {  	[bflag:$0x0] =	sbarrier.arrive $0xFFFF  }
0x5d: {  	s0 =	rddreg [dreg:$0x5]  }
0x5e: {  	[hbm:s0], [sflag:s7] =	dma.local [spmem:s13], $0x2700  }
0x5f: {  	s2 =	sadd.s32 $0x1, s2;
	_ =	swait.ge [sflag:s14], $0x2700  }
0x60: {  	p1 =	sne.s32 s2, s12;
	[sflag:s14] =	ssyncset.done $0x0  }
.Ltmp2:
0x61: {  	s0 =	simm.s32 @!p0 $0x3;
	[sflag:s14] =	ssyncadd.s32 $0xFFFFD900;
	(pc) =	sbr.rel @p1 .LBB2_1-.Ltmp2, $4  }
0x62: {  	[hbm:s11], [sflag:s7] =	dma.local @!p0 [spmem:s15], $0x100  }
0x63: {  	_ =	swait.ge @!p0 [sflag:s0], $0x100  }
0x64: {  	[sflag:s0] =	ssyncset.done @!p0 $0x0  }
0x65: {  	[sflag:s0] =	ssyncadd.s32 @!p0 $0xFFFFFF00  }
0x66: {  	_ =	sfence.sel $0x180000  }
0x67: {  	[bflag:$0x0] =	sbarrier.arrive $0xFFFF  }
0x68: {  	_ =	strace $0x9000004A  }
0x69: {  	[bflag:$0x2] =	sbarrier.arrive $0xFFFF  }
0x6a: {  	s0 =	rddreg [dreg:$0x2]  }
0x6b: {  	s0 =	sadd.s32 @!p0 $0x100000, s0  }
0x6c: {  	[sflag:s0] =	ssyncadd.tile.s32 @!p0 $0x1;
	_ =	shalt  }
.Lfunc_end2:
_tile_overlayer_lowered:
.L_overlay_start_2:
0x6d: {  	(tag) =	ssettag $0x2  }
0x6e: {  	s0 =	rddreg [dreg:$0x0];
	s2 =	stileid.u32  }
0x6f: {  	s1 =	rddreg [dreg:$0x1];
	p0 =	sne.s32 s2, $0x0  }
0x70: {  	s3 =	rddreg [dreg:$0x2];
	[bflag:$0x3] =	sbarrier.arrive $0xFFFF;
	s2 =	simm.s32 @!p0 $0x1C03  }
0x71: {  	[timem:s3], [sflag:s2] =	dma.local @!p0 [hbm:s0], s1  }
0x72: {  	s0 =	simm.s32 @!p0 $0x3  }
0x73: {  	_ =	swait.ge @!p0 [sflag:s0], s1  }
0x74: {  	s1 =	ssub.s32 @!p0 $0x0, s1;
	[sflag:s0] =	ssyncset.done @!p0 $0x0  }
0x75: {  	[sflag:s0] =	ssyncadd.s32 @!p0 s1  }
0x76: {  	[bflag:$0x3] =	sbarrier.arrive $0xFFFF  }
0x77: {  	_ =	shalt  }

// kernel: kernel.14.cloned.1.call-start
scs
__scs_entry_jumppad:
0x0: {  	(pc) =	sbr.rel $0x88, $3  }
0x1: {  	(tag) =	ssettag $0x0;
	lr =	simm.s32 $0x1  }
0x2: {  	[smem:$0x3F9B] =	sst lr;
	_ =	strace $0xD0000000  }
0x3: {  	_ = 	snop  }
0x4: {  	_ = 	snop  }
0x5: {  	_ = 	snop  }
0x6: {  	_ = 	snop  }
0x7: {  	_ = 	snop  }
__scs_overlays_trampoline_lowered:
0x8: {  	[smem:$0x3FAA] =	sst s0  }
0x9: {  	[smem:$0x3FAB] =	sst s1  }
0xa: {  	[smem:$0x3FAC] =	sst s2  }
0xb: {  	[smem:$0x3FAD] =	sst s3  }
0xc: {  	[smem:$0x3FAE] =	sst s4  }
0xd: {  	[smem:$0x3FAF] =	sst s5  }
0xe: {  	[smem:$0x3FB0] =	sst s6  }
0xf: {  	[smem:$0x3FB1] =	sst s7  }
0x10: {  	[smem:$0x3FB2] =	sst s8  }
0x11: {  	[smem:$0x3FB3] =	sst s9;
	s0 =	simm.s32 @!p0 $0x0  }
0x12: {  	s1 =	sld [smem:$0x3F99];
	s0 =	simm.s32 @p0 $0x1  }
0x13: {  	[smem:$0x3FB4] =	sst s0;
	s0 =	simm.s32 @!p1 $0x0  }
0x14: {  	s2 =	sld [smem:$0x3F98];
	s0 =	simm.s32 @p1 $0x1  }
0x15: {  	[smem:$0x3FB5] =	sst s0;
	s0 =	simm.s32 @!p2 $0x0  }
0x16: {  	s3 =	sld [smem:$0x3FDB];
	s0 =	simm.s32 @p2 $0x1  }
0x17: {  	s4 =	simm.s32 $0x1BF5;
	[smem:$0x3FB7] =	sst s0  }
0x18: {  	s0 =	sld [smem:$0x3F9A];
	_ =	swait.ge [sflag:s4], $0x0  }
0x19: {  	s7 =	sld [smem:$0x3F9B]  }
0x1a: {  	s8 =	sadd.s32 $0xFFFFE003, lr  }
0x1b: {  	s9 =	sadd.s32 $0xFFFFFEF7, lr;
	s5 =	simm.s32 $0xFFFFFFFF;
	p2 =	slt.u32 s8, $0xFFFFF086  }
0x1c: {  	p1 =	slt.u32 s9, $0xF7A;
	s5 =	simm.s32 @!p2 $0x0  }
0x1d: {  	s5 =	simm.s32 @p1 $0x1;
	p0 =	seq.s32 s7, s2  }
0x1e: {  	s7 =	smul.u32 @!p0 $0xF7A, s2;
	p2 =	seq.s32 @!p0 s5, $0x0  }
0x1f: {  	s9 =	smul.u32 $0xF7A, s1;
	s8 =	simm.s32 @!p0 $0x1BF5;
	p2 =	por !p2, p0  }
0x20: {  	[sflag:s8] =	ssyncset.s32 @!p0 $0xFFFFF086;
	s6 =	sadd.s32 @!p0 s3, s7;
	s7 =	simm.s32 @!p0 $0x108  }
0x21: {  	s3 =	sadd.s32 s3, s9;
	s6 =	sadd.s32 @!p0 $0x88, s6;
	s7 =	simm.s32 @p2 $0x1082  }
0x22: {  	[simem:s7], [sflag:s8] =	dma.local @!p0 [hbm:s6], $0xF7A  }
0x23: {  	s9 =	sor.u32 $0xD0000000, s2;
	s6 =	simm.s32 $0x108;
	_ =	swait.ge @!p0 [sflag:s8], $0x0  }
0x24: {  	s3 =	sadd.s32 $0x88, s3;
	s6 =	simm.s32 @!p1 $0x1082;
	[sflag:s4] =	ssyncset.s32 $0xFFFFF086  }
0x25: {  	[simem:s6], [sflag:s4] =	dma.local [hbm:s3], $0xF7A  }
0x26: {  	[smem:$0x3F9B] =	sst s1;
	(tag) =	ssettag s2;
	_ =	strace s9  }
0x27: {  	s1 =	sld [smem:$0x3FAB]  }
0x28: {  	s2 =	sld [smem:$0x3FAC]  }
0x29: {  	s4 =	sld [smem:$0x3FAE]  }
0x2a: {  	p0 =	seq.s32 s5, $0x0;
	s5 =	sld [smem:$0x3FAF]  }
0x2b: {  	s6 =	sld [smem:$0x3FB0]  }
0x2c: {  	s7 =	sld [smem:$0x3FB1]  }
0x2d: {  	s3 =	simm.s32 $0x108;
	s8 =	sld [smem:$0x3FB2]  }
0x2e: {  	s3 =	simm.s32 @!p0 $0x1082;
	s9 =	sld [smem:$0x3FB3]  }
0x2f: {  	lr =	sadd.s32 s0, s3;
	s0 =	sld [smem:$0x3FAA]  }
0x30: {  	s3 =	sld [smem:$0x3FAD]  }
0x31: {  	[smem:$0x3FB6] =	sst s10  }
0x32: {  	s10 =	sld [smem:$0x3FB4];
	_ =	sdelay $0x3  }
0x33: {  	p0 =	seq.s32 s10, $0x1;
	s10 =	sld [smem:$0x3FB6];
	_ =	sdelay $0x3  }
0x34: {  	[smem:$0x3FB6] =	sst s10  }
0x35: {  	s10 =	sld [smem:$0x3FB5];
	_ =	sdelay $0x3  }
0x36: {  	p1 =	seq.s32 s10, $0x1;
	s10 =	sld [smem:$0x3FB6];
	_ =	sdelay $0x3  }
0x37: {  	[smem:$0x3FB6] =	sst s10  }
0x38: {  	s10 =	sld [smem:$0x3FB7]  }
0x39: {  	_ = 	snop;
	(pc) =	sbr.ind lr, $3  }
0x3a: {  	_ = 	snop  }
0x3b: {  	_ = 	snop  }
0x3c: {  	p2 =	seq.s32 s10, $0x1;
	s10 =	sld [smem:$0x3FB6]  }
0x3d: {  	_ =	shalt  }
0x3e: {  	_ =	shalt  }
0x3f: {  	_ =	shalt  }
0x40: {  	_ =	shalt  }
0x41: {  	_ =	shalt  }
0x42: {  	_ =	shalt  }
0x43: {  	_ =	shalt  }
0x44: {  	_ =	shalt  }
0x45: {  	_ =	shalt  }
0x46: {  	_ =	shalt  }
0x47: {  	_ =	shalt  }
0x48: {  	_ =	shalt  }
0x49: {  	_ =	shalt  }
0x4a: {  	_ =	shalt  }
0x4b: {  	_ =	shalt  }
0x4c: {  	_ =	shalt  }
0x4d: {  	_ =	shalt  }
0x4e: {  	_ =	shalt  }
0x4f: {  	_ =	shalt  }
0x50: {  	_ =	shalt  }
0x51: {  	_ =	shalt  }
0x52: {  	_ =	shalt  }
0x53: {  	_ =	shalt  }
0x54: {  	_ =	shalt  }
0x55: {  	_ =	shalt  }
0x56: {  	_ =	shalt  }
0x57: {  	_ =	shalt  }
0x58: {  	_ =	shalt  }
0x59: {  	_ =	shalt  }
0x5a: {  	_ =	shalt  }
0x5b: {  	_ =	shalt  }
0x5c: {  	_ =	shalt  }
0x5d: {  	_ =	shalt  }
0x5e: {  	_ =	shalt  }
0x5f: {  	_ =	shalt  }
0x60: {  	_ =	shalt  }
0x61: {  	_ =	shalt  }
0x62: {  	_ =	shalt  }
0x63: {  	_ =	shalt  }
0x64: {  	_ =	shalt  }
0x65: {  	_ =	shalt  }
0x66: {  	_ =	shalt  }
0x67: {  	_ =	shalt  }
0x68: {  	_ =	shalt  }
0x69: {  	_ =	shalt  }
0x6a: {  	_ =	shalt  }
0x6b: {  	_ =	shalt  }
0x6c: {  	_ =	shalt  }
0x6d: {  	_ =	shalt  }
0x6e: {  	_ =	shalt  }
0x6f: {  	_ =	shalt  }
0x70: {  	_ =	shalt  }
0x71: {  	_ =	shalt  }
0x72: {  	_ =	shalt  }
0x73: {  	_ =	shalt  }
0x74: {  	_ =	shalt  }
0x75: {  	_ =	shalt  }
0x76: {  	_ =	shalt  }
0x77: {  	_ =	shalt  }
0x78: {  	_ =	shalt  }
0x79: {  	_ =	shalt  }
0x7a: {  	_ =	shalt  }
0x7b: {  	_ =	shalt  }
0x7c: {  	_ =	shalt  }
0x7d: {  	_ =	shalt  }
0x7e: {  	_ =	shalt  }
0x7f: {  	_ =	shalt  }
0x80: {  	_ =	shalt  }
0x81: {  	_ =	shalt  }
0x82: {  	_ =	shalt  }
0x83: {  	_ =	shalt  }
0x84: {  	_ =	shalt  }
0x85: {  	_ =	shalt  }
0x86: {  	_ =	shalt  }
0x87: {  	_ =	shalt  }
.Lfunc_end0:
.L_simem_size_0:
called_computation.2_lowered:
.L_overlay_start_0:
0x88: {  	s2 =	sld [smem:$0x3FD9]  }
0x89: {  	s3 =	sld [smem:$0x3FFE];
	_ =	sdelay $0x1  }
0x8a: {  	s1 =	srdreg.scid  }
0x8b: {  	s0 =	sand.u32 $0x1, s1  }
0x8c: {  	s17 =	sshll.u32 s0, $0xA;
	s2 =	sadd.s32 s3, s2  }
0x8d: {  	s2 =	sadd.s32 s2, s17  }
0x8e: {  	[smem:$0x3FC2] =	sst s2  }
0x8f: {  	_ = 	snop  }
0x90: {  	s2 =	sld [smem:$0x3FD0];
	(tm) =	ssettm $0x1  }
0x91: {  	s18 =	sld [smem:$0x3FFB];
	_ =	sdelay $0x3  }
0x92: {  	_ =	strace s18  }
0x93: {  	s3 =	sld [smem:$0x3FFC];
	_ =	sdelay $0x3  }
0x94: {  	_ =	strace s3  }
0x95: {  	s3 =	sld [smem:$0x3FFD];
	_ =	sdelay $0x3  }
0x96: {  	_ =	strace s3  }
0x97: {  	_ =	strace $0x8FFFFFFF  }
0x98: {  	s19 =	sld [smem:$0x3FDB];
	_ =	sdelay $0x1  }
0x99: {  	s4 =	simm.s32 $_scs_section_size  }
0x9a: {  	s5 =	simm.s32 $_size__tile_overlayer_lowered;
	s6 =	simm.s32 $_tile_overlayer_lowered  }
0x9b: {  	s22 =	simm.s32 $0x1BFF;
	s21 =	sshll.u32 s6, $0x1;
	s3 =	sadd.s32 s4, s19  }
0x9c: {  	s7 =	simm.s32 $0x0;
	s20 =	sshll.u32 s5, $0x1;
	s5 =	sadd.s32 s21, s3  }
0x9d: {  	[timem:s7], [sflag:s22] =	dma.local [hbm:s5], s20  }
0x9e: {  	_ =	swait.ge [sflag:s22], s20  }
0x9f: {  	s4 =	ssub.s32 $0x0, s20;
	[sflag:s22] =	ssyncset.done $0x0  }
0xa0: {  	[sflag:s22] =	ssyncadd.s32 s4;
	_ =	sdelay $0x1  }
0xa1: {  	s23 =	simm.s32 $0x1B8B  }
0xa2: {  	_ =	swait.ge [sflag:s23], $0x1  }
0xa3: {  	[sflag:s23] =	ssyncset.done $0x0  }
0xa4: {  	s25 =	simm.s32 $0x1B8E;
	s24 =	sld [smem:$0x3FFE];
	[sflag:s23] =	ssyncadd.s32 $0xFFFFFFFF  }
0xa5: {  	s26 =	simm.s32 $execute0_lowered;
	[smem:$0x3FD2] =	sst s25  }
0xa6: {  	s5 =	sshll.u32 s26, $0x1;
	_ =	strace $0x8000004C;
	[dreg:$0x1] =	wrdreg $0xFFFFFFFF  }
0xa7: {  	s28 =	simm.s32 $_size_execute0_lowered;
	s3 =	sadd.s32 s3, s5;
	[dreg:$0x0] =	wrdreg $0x0  }
0xa8: {  	s5 =	sshll.u32 s28, $0x1;
	[dreg:$0x2] =	wrdreg s3  }
0xa9: {  	[dreg:$0x3] =	wrdreg s5  }
0xaa: {  	[dreg:$0x4] =	wrdreg $0xC0  }
0xab: {  	_ =	task [dreg:s7], $0x5FFFF  }
0xac: {  	[dreg:$0x1] =	wrdreg $0xFFFFFFFF  }
0xad: {  	[dreg:$0x0] =	wrdreg $0x60  }
0xae: {  	[dreg:$0x2] =	wrdreg s2  }
0xaf: {  	[dreg:$0x3] =	wrdreg s24  }
0xb0: {  	[dreg:$0x4] =	wrdreg $0x4BA00  }
0xb1: {  	[dreg:$0x5] =	wrdreg $0x9  }
0xb2: {  	_ =	task.clear_ibuf [dreg:s7], $0x6FFFF;
	_ =	strace $0x9000004C  }
0xb3: {  	s29 =	simm.s32 $0x9;
	_ =	strace $0x8000004E  }
0xb4: {  	_ =	swait.ge [sflag:s29], $0x1  }
0xb5: {  	[sflag:s29] =	ssyncadd.s32 $0xFFFFFFFF  }
0xb6: {  	_ =	strace $0x9000004E  }
0xb7: {  	_ =	sfence  }
0xb8: {  	s30 =	sld [smem:$0x0];
	_ =	sdelay $0x2  }
0xb9: {  	s31 =	sshll.u32 s1, $0xD;
	s1 =	sshrl.u32 s1, $0x2  }
0xba: {  	s3 =	sand.u32 $0x4000, s31;
	s1 =	sadd.s32 s1, s30  }
0xbb: {  	s0 =	sor.u32 s3, s0;
	s1 =	sshll.u32 s1, $0x11  }
0xbc: {  	s0 =	sor.u32 s1, s0  }
0xbd: {  	s0 =	sadd.s32 $0x8F2B, s0  }
0xbe: {  	[sflag:s0] =	ssyncadd.remote.s32 $0x1  }
0xbf: {  	_ =	sfence.sel $0xFFFF  }
0xc0: {  	[dreg:$0x0] =	wrdreg $0xFFFFFFFF;
	(pc) =	sbr.abs _section_cstart, $3  }
0xc1: {  	[dreg:$0x1] =	wrdreg $0xFFFFFFFF  }
0xc2: {  	_ =	task.clear_ibuf [dreg:s7], $0x2FFFF;
	_ =	strace $0x9FFFFFFF  }
0xc3: {  	(tm) =	ssettm $0x7FFFFFFF  }
tec
execute0_lowered:
.L_overlay_start_1:
0x0: {  	(tag) =	ssettag $0x1  }
0x1: {  	s1 =	rddreg [dreg:$0x0]  }
0x2: {  	s0 =	rddreg [dreg:$0x1]  }
0x3: {  	s2 =	rddreg [dreg:$0x2];
	s3 =	simm.s32 $0x0  }
0x4: {  	s5 =	srdreg.scid;
	s13 =	stileid.u32;
	s17 =	simm.s32 $0xFA0  }
0x5: {  	s18 =	simm.s32 $0x23A0;
	s19 =	simm.s32 $0x1;
	s20 =	simm.s32 $0x2  }
0x6: {  	[smem:$0x7FF] =	sst s3;
	s4 =	sadd.s32 $0x1E00, s0;
	s6 =	sand.u32 $0x1, s5  }
0x7: {  	s5 =	sadd.s32 $0xBC00, s0;
	s9 =	smul.u32 $0x9C00, s13;
	s0 =	sadd.s32 $0x15A00, s0  }
0x8: {  	s10 =	sshll.u32 s13, $0x1;
	s28 =	sshll.u32 s13, $0x6;
	s15 =	sadd.s32 $0x9C000, s2  }
0x9: {  	s30 =	sadd.s32 $0x13800, s1;
	p0 =	sne.s32 s13, $0x0;
	_ =	strace $0x8000004D  }
0xa: {  	s7 =	ssub.s32 $0x2, s6;
	s10 =	sor.u32 s6, s10;
	s11 =	smul.u32 $0x9C400, s6  }
0xb: {  	[dreg:$0x5] =	wrdreg s30;
	s15 =	sshrl.u32 @!p0 s15, $0x3;
	s8 =	sshrl.u32 s7, $0x1  }
0xc: {  	s14 =	sadd.s32 s9, s2;
	s26 =	sshrl.u32 s9, $0x3;
	s12 =	ssub.s32 s7, s8  }
0xd: {  	s29 =	sadd.s32 s1, s26;
	s7 =	sor.u32 $0x1C03, s28;
	s16 =	sadd.s32 s9, s11  }
0xe: {  	s11 =	sshrl.u32 s11, $0x3;
	s9 =	smul.u32 $0x2710, s10;
	s13 =	sshrl.u32 s14, $0x3  }
0xf: {  	s14 =	simm.s32 $0x3;
	[dreg:$0x4] =	wrdreg s29;
	s31 =	sshrl.u32 s16, $0x3  }
0x10: {  	s11 =	sadd.s32 s0, s11;
	s12 =	smax.u32 s12, $0x1;
	s0 =	sadd.s32 s0, s31  }
0x11: {  	s16 =	simm.s32 $0x50;
	s11 =	sadd.s32 $0x13800, s11;
	[dreg:$0x6] =	wrdreg s0  }
.LBB2_1:
0x12: {  	s0 =	rddreg [dreg:$0x4]  }
0x13: {  	[spmem:s13], [sflag:s7] =	dma.local [hbm:s0], $0x1380  }
0x14: {  	_ =	swait.ge [sflag:s14], $0x1380  }
0x15: {  	[sflag:s14] =	ssyncset.done $0x0  }
0x16: {  	s0 =	rddreg [dreg:$0x5];
	[sflag:s14] =	ssyncadd.s32 $0xFFFFEC80  }
0x17: {  	[spmem:s15], [sflag:s7] =	dma.local @!p0 [hbm:s0], $0x80  }
0x18: {  	s0 =	simm.s32 @!p0 $0x3  }
0x19: {  	_ =	swait.ge @!p0 [sflag:s0], $0x80  }
0x1a: {  	[sflag:s0] =	ssyncset.done @!p0 $0x0  }
0x1b: {  	[sflag:s0] =	ssyncadd.s32 @!p0 $0xFFFFFF80  }
0x1c: {  	s21 =	simm.s32 $0x0;
	[bflag:$0x0] =	sbarrier.arrive $0xFFFF  }
.LBB2_2:
0x1d: {  	s0 =	smul.u32 $0x7D0, s21;
	_ =	sdelay $0x1  }
0x1e: {  	s0 =	sadd.s32 s9, s0  }
0x1f: {  	s0 =	sshrl.u32 s0, $0x3  }
0x20: {  	s23 =	simm.s32 $0x0;
	s28 =	simm.s32 $0x7D0;
	s22 =	sadd.s32 s4, s0  }
0x21: {  	[tilespmem:s23], [sflag:$0x3] =	stream.linear.gather [hbm4b:s22+s23], $0x7D0, $0x38;
	[tilespmem:$0xE800] =	vst v63  }
0x22: {  	p2 =	por $0x0, $0x0;
	s25 =	simm.s32 $0xA0;
	s22 =	simm.s32 $0x2  }
0x23: {  	s24 =	simm.s32 $0x1;
	_ =	swait.ge [sflag:s14], $0x7D0;
	s22 =	smul.u32 @!p2 $0xAB, s22  }
0x24: {  	s26 =	simm.s32 $0x2;
	s8 =	smul.u32 $0xAB, s23;
	[sflag:s14] =	ssyncset.done $0x0  }
0x25: {  	s0 =	sadd.s32 s5, s0;
	[sflag:s14] =	ssyncadd.s32 $0xFFFFF830;
	s22 =	sshrl.u32 @!p2 s22, $0x9  }
0x26: {  	[tilespmem:s28], [sflag:$0x3] =	stream.linear.gather [hbm4b:s0+s23], $0x7D0, $0x38;
	[tilespmem:$0xE800] =	vst v63  }
0x27: {  	s0 =	sshrl.u32 s8, $0x9;
	s22 =	sand.u32 @!p2 $0x7F, s22;
	_ =	swait.ge [sflag:s14], $0x7D0  }
0x28: {  	s0 =	sand.u32 $0x7F, s0;
	s22 =	smul.u32 @!p2 $0x3, s22;
	[sflag:s14] =	ssyncset.done $0x0  }
0x29: {  	p1 =	por @!p2 $0x1, $0x1;
	s0 =	smul.u32 $0x3, s0;
	[sflag:s14] =	ssyncadd.s32 $0xFFFFF830  }
0x2a: {  	[tilespmem:s17], [sflag:$0x1] =	stream.indirect.gather [hbm4b:s1+s16], $0x40, s23, s16, $0xb8;
	[tilespmem:$0xE800] =	vst v63  }
0x2b: {  	p3 =	por p2, p2;
	p1 =	por p1, p2;
	s0 =	ssub.s32 $0x0, s0  }
0x2c: {  	p2 =	por $0x0, $0x0;
	s22 =	ssub.s32 @!p3 $0x2, s22;
	s0 =	sand.u32 $0xFF, s0  }
0x2d: {  	[tilespmem:s18], [sflag:$0x1] =	stream.indirect.gather [hbm4b:s1+s16], $0x40, s16, s16, $0xb8;
	[tilespmem:$0xE800] =	vst v63  }
0x2e: {  	s29 =	sand.u32 @!p3 $0xFF, s22;
	s22 =	simm.s32 $0xF0;
	s0 =	smul.u32 $0x5000, s0  }
0x2f: {  	s23 =	simm.s32 $0x820;
	s31 =	smul.u32 @!p3 $0x5000, s29;
	_ =	swait.ge [sflag:s19], $0x1400  }
0x30: {  	[sflag:s19] =	ssyncset.done $0x0;
	s10 =	sshrl.u32 s0, $0x2;
	s0 =	smul.u32 $0xAB, s24  }
0x31: {  	s29 =	simm.s32 @!p3 $0x50;
	[sflag:s19] =	ssyncadd.s32 $0xFFFFEC00;
	s30 =	sadd.s32 $0xFA0, s10  }
.LBB2_3:
0x32: {  	s0 =	sshrl.u32 s0, $0x9;
	p4 =	seq.s32 @!p2 s24, $0x0  }
0x33: {  	s6 =	simm.s32 @!p1 $0x2;
	s8 =	smov.u32 s26;
	s10 =	sadd.s32 $0x2, s24  }
0x34: {  	[spmem:s2] =	stream.indirect.scatter.add.f32 [tilespmem:s30], [sflag:$0x2], $0x40, s28, s16, $0xb8;
	[tilespmem:$0xE800] =	vst v63  }
0x35: {  	s26 =	sadd.s32 $0x1, s26;
	s0 =	sand.u32 $0x7F, s0;
	_ =	swait.ge @!p1 [sflag:s6], $0x1400  }
0x36: {  	s28 =	sshrl.u32 @!p3 s31, $0x2;
	s0 =	smul.u32 $0x3, s0;
	[sflag:s6] =	ssyncset.done @!p1 $0x0  }
0x37: {  	s30 =	smul.u32 @!p2 $0xAB, s10;
	[sflag:s6] =	ssyncadd.s32 @!p1 $0xFFFFEC00;
	s6 =	sadd.s32 @!p3 $0xFA0, s28  }
0x38: {  	[tilespmem:s6], [sflag:$0x1] =	stream.indirect.gather @!p3 [hbm4b:s1+s29], $0x40, s25, s29, $0xb8;
	[tilespmem:$0xE800] =	vst v63  }
0x39: {  	s0 =	ssub.s32 s24, s0;
	p1 =	por p4, p2;
	p4 =	sne.s32 s26, $0x19  }
0x3a: {  	s24 =	smov.u32 s8;
	s0 =	sand.u32 $0xFF, s0;
	s6 =	sshrl.u32 @!p2 s30, $0x9  }
0x3b: {  	s6 =	sand.u32 @!p2 $0x7F, s6;
	s0 =	smul.u32 $0x5000, s0;
	_ =	swait.ge [sflag:s19], $0x1400  }
0x3c: {  	s25 =	smov.u32 s22;
	s6 =	smul.u32 @!p2 $0x3, s6;
	[sflag:s19] =	ssyncset.done $0x0  }
.Ltmp0:
0x3d: {  	[sflag:s19] =	ssyncadd.s32 $0xFFFFEC00;
	(pc) =	sbr.rel @p4 .LBB2_3-.Ltmp0, $4  }
0x3e: {  	s28 =	smov.u32 s23;
	p3 =	por p2, p2;
	s8 =	sshrl.u32 s0, $0x2  }
0x3f: {  	s0 =	smul.u32 $0xAB, s24;
	s30 =	sadd.s32 $0xFA0, s8;
	s6 =	ssub.s32 @!p3 s10, s6  }
0x40: {  	s23 =	sadd.s32 $0x50, s23;
	s22 =	sadd.s32 $0x50, s22;
	s6 =	sand.u32 @!p3 $0xFF, s6  }
0x41: {  	s29 =	simm.s32 @!p3 $0x50;
	p2 =	sgt.u32 s24, $0x16;
	s31 =	smul.u32 @!p3 $0x5000, s6  }
0x42: {  	s0 =	sshrl.u32 s0, $0x9;
	s6 =	simm.s32 @!p1 $0x2  }
0x43: {  	[spmem:s2] =	stream.indirect.scatter.add.f32 [tilespmem:s30], [sflag:$0x2], $0x40, s28, s16, $0xb8;
	[tilespmem:$0xE800] =	vst v63  }
0x44: {  	s8 =	sadd.s32 $0x2, s24;
	s0 =	sand.u32 $0x7F, s0;
	_ =	swait.ge @!p1 [sflag:s6], $0x1400  }
0x45: {  	s10 =	sshrl.u32 @!p3 s31, $0x2;
	s26 =	smul.u32 @!p2 $0xAB, s8;
	[sflag:s6] =	ssyncset.done @!p1 $0x0  }
0x46: {  	s0 =	smul.u32 $0x3, s0;
	[sflag:s6] =	ssyncadd.s32 @!p1 $0xFFFFEC00;
	s6 =	sadd.s32 @!p3 $0xFA0, s10  }
0x47: {  	[tilespmem:s6], [sflag:$0x1] =	stream.indirect.gather @!p3 [hbm4b:s1+s29], $0x40, s25, s29, $0xb8;
	[tilespmem:$0xE800] =	vst v63  }
0x48: {  	s6 =	sshrl.u32 @!p2 s26, $0x9  }
0x49: {  	s0 =	ssub.s32 s24, s0;
	s6 =	sand.u32 @!p2 $0x7F, s6  }
0x4a: {  	p1 =	por p2, p2;
	s0 =	sand.u32 $0xFF, s0;
	s6 =	smul.u32 @!p2 $0x3, s6  }
0x4b: {  	p3 =	seq.s32 @!p2 s24, $0x0;
	_ =	swait.ge [sflag:s19], $0x1400;
	s0 =	smul.u32 $0x5000, s0  }
0x4c: {  	p2 =	por p3, p2;
	[sflag:s19] =	ssyncset.done $0x0;
	s6 =	ssub.s32 @!p1 s8, s6  }
0x4d: {  	[sflag:s19] =	ssyncadd.s32 $0xFFFFEC00;
	s0 =	sshrl.u32 s0, $0x2;
	s6 =	sand.u32 @!p1 $0xFF, s6  }
0x4e: {  	s8 =	simm.s32 @!p2 $0x2;
	s0 =	sadd.s32 $0xFA0, s0;
	s6 =	smul.u32 @!p1 $0x5000, s6  }
0x4f: {  	[spmem:s2] =	stream.indirect.scatter.add.f32 [tilespmem:s0], [sflag:$0x2], $0x40, s23, s16, $0xb8;
	[tilespmem:$0xE800] =	vst v63  }
0x50: {  	_ =	swait.ge @!p2 [sflag:s8], $0x1400  }
0x51: {  	[sflag:s8] =	ssyncset.done @!p2 $0x0;
	s0 =	sshrl.u32 @!p1 s6, $0x2  }
0x52: {  	s6 =	simm.s32 @!p1 $0x50;
	[sflag:s8] =	ssyncadd.s32 @!p2 $0xFFFFEC00;
	s0 =	sadd.s32 @!p1 $0xFA0, s0  }
0x53: {  	[tilespmem:s0], [sflag:$0x1] =	stream.indirect.gather @!p1 [hbm4b:s1+s6], $0x40, s22, s6, $0xb8;
	[tilespmem:$0xE800] =	vst v63  }
0x54: {  	_ =	swait.ge [sflag:s20], $0x1400  }
0x55: {  	[sflag:s20] =	ssyncset.done $0x0  }
0x56: {  	s21 =	sadd.s32 $0x1, s21;
	[sflag:s20] =	ssyncadd.s32 $0xFFFFEC00  }
0x57: {  	p1 =	sne.s32 s21, $0x5;
	_ =	swait.ge [sflag:s20], $0x1400  }
.Ltmp1:
0x58: {  	[sflag:s20] =	ssyncset.done $0x0;
	(pc) =	sbr.rel @p1 .LBB2_2-.Ltmp1, $4  }
0x59: {  	[sflag:s20] =	ssyncadd.s32 $0xFFFFEC00  }
0x5a: {  	_ =	swait.ge [sflag:s20], $0x1400  }
0x5b: {  	[sflag:s20] =	ssyncset.done $0x0  }
0x5c: {  	[sflag:s20] =	ssyncadd.s32 $0xFFFFEC00  }
0x5d: {  	[bflag:$0x0] =	sbarrier.arrive $0xFFFF  }
0x5e: {  	s0 =	rddreg [dreg:$0x6]  }
0x5f: {  	[hbm:s0], [sflag:s7] =	dma.local [spmem:s13], $0x1380  }
0x60: {  	s3 =	sadd.s32 $0x1, s3;
	_ =	swait.ge [sflag:s14], $0x1380  }
0x61: {  	p1 =	sne.s32 s3, s12;
	[sflag:s14] =	ssyncset.done $0x0  }
.Ltmp2:
0x62: {  	s0 =	simm.s32 @!p0 $0x3;
	[sflag:s14] =	ssyncadd.s32 $0xFFFFEC80;
	(pc) =	sbr.rel @p1 .LBB2_1-.Ltmp2, $4  }
0x63: {  	[hbm:s11], [sflag:s7] =	dma.local @!p0 [spmem:s15], $0x80  }
0x64: {  	_ =	swait.ge @!p0 [sflag:s0], $0x80  }
0x65: {  	[sflag:s0] =	ssyncset.done @!p0 $0x0  }
0x66: {  	[sflag:s0] =	ssyncadd.s32 @!p0 $0xFFFFFF80  }
0x67: {  	_ =	sfence.sel $0x180000  }
0x68: {  	[bflag:$0x0] =	sbarrier.arrive $0xFFFF  }
0x69: {  	_ =	strace $0x9000004D  }
0x6a: {  	[bflag:$0x2] =	sbarrier.arrive $0xFFFF  }
0x6b: {  	s0 =	rddreg [dreg:$0x3]  }
0x6c: {  	s0 =	sadd.s32 @!p0 $0x100000, s0  }
0x6d: {  	[sflag:s0] =	ssyncadd.tile.s32 @!p0 $0x1;
	_ =	shalt  }
.Lfunc_end2:
_tile_overlayer_lowered:
.L_overlay_start_2:
0x6e: {  	(tag) =	ssettag $0x2  }
0x6f: {  	s0 =	rddreg [dreg:$0x0];
	s2 =	stileid.u32  }
0x70: {  	s1 =	rddreg [dreg:$0x1];
	p0 =	sne.s32 s2, $0x0  }
0x71: {  	s3 =	rddreg [dreg:$0x2];
	[bflag:$0x3] =	sbarrier.arrive $0xFFFF;
	s2 =	simm.s32 @!p0 $0x1C03  }
0x72: {  	[timem:s3], [sflag:s2] =	dma.local @!p0 [hbm:s0], s1  }
0x73: {  	s0 =	simm.s32 @!p0 $0x3  }
0x74: {  	_ =	swait.ge @!p0 [sflag:s0], s1  }
0x75: {  	s1 =	ssub.s32 @!p0 $0x0, s1;
	[sflag:s0] =	ssyncset.done @!p0 $0x0  }
0x76: {  	[sflag:s0] =	ssyncadd.s32 @!p0 s1  }
0x77: {  	[bflag:$0x3] =	sbarrier.arrive $0xFFFF  }
0x78: {  	_ =	shalt  }

// kernel: kernel.8.cloned.1.call-start
scs
__scs_entry_jumppad:
0x0: {  	(pc) =	sbr.rel $0x88, $3  }
0x1: {  	(tag) =	ssettag $0x0;
	lr =	simm.s32 $0x1  }
0x2: {  	[smem:$0x3F9B] =	sst lr;
	_ =	strace $0xD0000000  }
0x3: {  	_ = 	snop  }
0x4: {  	_ = 	snop  }
0x5: {  	_ = 	snop  }
0x6: {  	_ = 	snop  }
0x7: {  	_ = 	snop  }
__scs_overlays_trampoline_lowered:
0x8: {  	[smem:$0x3FAA] =	sst s0  }
0x9: {  	[smem:$0x3FAB] =	sst s1  }
0xa: {  	[smem:$0x3FAC] =	sst s2  }
0xb: {  	[smem:$0x3FAD] =	sst s3  }
0xc: {  	[smem:$0x3FAE] =	sst s4  }
0xd: {  	[smem:$0x3FAF] =	sst s5  }
0xe: {  	[smem:$0x3FB0] =	sst s6  }
0xf: {  	[smem:$0x3FB1] =	sst s7  }
0x10: {  	[smem:$0x3FB2] =	sst s8  }
0x11: {  	[smem:$0x3FB3] =	sst s9;
	s0 =	simm.s32 @!p0 $0x0  }
0x12: {  	s1 =	sld [smem:$0x3F99];
	s0 =	simm.s32 @p0 $0x1  }
0x13: {  	[smem:$0x3FB4] =	sst s0;
	s0 =	simm.s32 @!p1 $0x0  }
0x14: {  	s2 =	sld [smem:$0x3F98];
	s0 =	simm.s32 @p1 $0x1  }
0x15: {  	[smem:$0x3FB5] =	sst s0;
	s0 =	simm.s32 @!p2 $0x0  }
0x16: {  	s3 =	sld [smem:$0x3FDB];
	s0 =	simm.s32 @p2 $0x1  }
0x17: {  	s4 =	simm.s32 $0x1BF5;
	[smem:$0x3FB7] =	sst s0  }
0x18: {  	s0 =	sld [smem:$0x3F9A];
	_ =	swait.ge [sflag:s4], $0x0  }
0x19: {  	s7 =	sld [smem:$0x3F9B]  }
0x1a: {  	s8 =	sadd.s32 $0xFFFFE003, lr  }
0x1b: {  	s9 =	sadd.s32 $0xFFFFFEF7, lr;
	s5 =	simm.s32 $0xFFFFFFFF;
	p2 =	slt.u32 s8, $0xFFFFF086  }
0x1c: {  	p1 =	slt.u32 s9, $0xF7A;
	s5 =	simm.s32 @!p2 $0x0  }
0x1d: {  	s5 =	simm.s32 @p1 $0x1;
	p0 =	seq.s32 s7, s2  }
0x1e: {  	s7 =	smul.u32 @!p0 $0xF7A, s2;
	p2 =	seq.s32 @!p0 s5, $0x0  }
0x1f: {  	s9 =	smul.u32 $0xF7A, s1;
	s8 =	simm.s32 @!p0 $0x1BF5;
	p2 =	por !p2, p0  }
0x20: {  	[sflag:s8] =	ssyncset.s32 @!p0 $0xFFFFF086;
	s6 =	sadd.s32 @!p0 s3, s7;
	s7 =	simm.s32 @!p0 $0x108  }
0x21: {  	s3 =	sadd.s32 s3, s9;
	s6 =	sadd.s32 @!p0 $0x88, s6;
	s7 =	simm.s32 @p2 $0x1082  }
0x22: {  	[simem:s7], [sflag:s8] =	dma.local @!p0 [hbm:s6], $0xF7A  }
0x23: {  	s9 =	sor.u32 $0xD0000000, s2;
	s6 =	simm.s32 $0x108;
	_ =	swait.ge @!p0 [sflag:s8], $0x0  }
0x24: {  	s3 =	sadd.s32 $0x88, s3;
	s6 =	simm.s32 @!p1 $0x1082;
	[sflag:s4] =	ssyncset.s32 $0xFFFFF086  }
0x25: {  	[simem:s6], [sflag:s4] =	dma.local [hbm:s3], $0xF7A  }
0x26: {  	[smem:$0x3F9B] =	sst s1;
	(tag) =	ssettag s2;
	_ =	strace s9  }
0x27: {  	s1 =	sld [smem:$0x3FAB]  }
0x28: {  	s2 =	sld [smem:$0x3FAC]  }
0x29: {  	s4 =	sld [smem:$0x3FAE]  }
0x2a: {  	p0 =	seq.s32 s5, $0x0;
	s5 =	sld [smem:$0x3FAF]  }
0x2b: {  	s6 =	sld [smem:$0x3FB0]  }
0x2c: {  	s7 =	sld [smem:$0x3FB1]  }
0x2d: {  	s3 =	simm.s32 $0x108;
	s8 =	sld [smem:$0x3FB2]  }
0x2e: {  	s3 =	simm.s32 @!p0 $0x1082;
	s9 =	sld [smem:$0x3FB3]  }
0x2f: {  	lr =	sadd.s32 s0, s3;
	s0 =	sld [smem:$0x3FAA]  }
0x30: {  	s3 =	sld [smem:$0x3FAD]  }
0x31: {  	[smem:$0x3FB6] =	sst s10  }
0x32: {  	s10 =	sld [smem:$0x3FB4];
	_ =	sdelay $0x3  }
0x33: {  	p0 =	seq.s32 s10, $0x1;
	s10 =	sld [smem:$0x3FB6];
	_ =	sdelay $0x3  }
0x34: {  	[smem:$0x3FB6] =	sst s10  }
0x35: {  	s10 =	sld [smem:$0x3FB5];
	_ =	sdelay $0x3  }
0x36: {  	p1 =	seq.s32 s10, $0x1;
	s10 =	sld [smem:$0x3FB6];
	_ =	sdelay $0x3  }
0x37: {  	[smem:$0x3FB6] =	sst s10  }
0x38: {  	s10 =	sld [smem:$0x3FB7]  }
0x39: {  	_ = 	snop;
	(pc) =	sbr.ind lr, $3  }
0x3a: {  	_ = 	snop  }
0x3b: {  	_ = 	snop  }
0x3c: {  	p2 =	seq.s32 s10, $0x1;
	s10 =	sld [smem:$0x3FB6]  }
0x3d: {  	_ =	shalt  }
0x3e: {  	_ =	shalt  }
0x3f: {  	_ =	shalt  }
0x40: {  	_ =	shalt  }
0x41: {  	_ =	shalt  }
0x42: {  	_ =	shalt  }
0x43: {  	_ =	shalt  }
0x44: {  	_ =	shalt  }
0x45: {  	_ =	shalt  }
0x46: {  	_ =	shalt  }
0x47: {  	_ =	shalt  }
0x48: {  	_ =	shalt  }
0x49: {  	_ =	shalt  }
0x4a: {  	_ =	shalt  }
0x4b: {  	_ =	shalt  }
0x4c: {  	_ =	shalt  }
0x4d: {  	_ =	shalt  }
0x4e: {  	_ =	shalt  }
0x4f: {  	_ =	shalt  }
0x50: {  	_ =	shalt  }
0x51: {  	_ =	shalt  }
0x52: {  	_ =	shalt  }
0x53: {  	_ =	shalt  }
0x54: {  	_ =	shalt  }
0x55: {  	_ =	shalt  }
0x56: {  	_ =	shalt  }
0x57: {  	_ =	shalt  }
0x58: {  	_ =	shalt  }
0x59: {  	_ =	shalt  }
0x5a: {  	_ =	shalt  }
0x5b: {  	_ =	shalt  }
0x5c: {  	_ =	shalt  }
0x5d: {  	_ =	shalt  }
0x5e: {  	_ =	shalt  }
0x5f: {  	_ =	shalt  }
0x60: {  	_ =	shalt  }
0x61: {  	_ =	shalt  }
0x62: {  	_ =	shalt  }
0x63: {  	_ =	shalt  }
0x64: {  	_ =	shalt  }
0x65: {  	_ =	shalt  }
0x66: {  	_ =	shalt  }
0x67: {  	_ =	shalt  }
0x68: {  	_ =	shalt  }
0x69: {  	_ =	shalt  }
0x6a: {  	_ =	shalt  }
0x6b: {  	_ =	shalt  }
0x6c: {  	_ =	shalt  }
0x6d: {  	_ =	shalt  }
0x6e: {  	_ =	shalt  }
0x6f: {  	_ =	shalt  }
0x70: {  	_ =	shalt  }
0x71: {  	_ =	shalt  }
0x72: {  	_ =	shalt  }
0x73: {  	_ =	shalt  }
0x74: {  	_ =	shalt  }
0x75: {  	_ =	shalt  }
0x76: {  	_ =	shalt  }
0x77: {  	_ =	shalt  }
0x78: {  	_ =	shalt  }
0x79: {  	_ =	shalt  }
0x7a: {  	_ =	shalt  }
0x7b: {  	_ =	shalt  }
0x7c: {  	_ =	shalt  }
0x7d: {  	_ =	shalt  }
0x7e: {  	_ =	shalt  }
0x7f: {  	_ =	shalt  }
0x80: {  	_ =	shalt  }
0x81: {  	_ =	shalt  }
0x82: {  	_ =	shalt  }
0x83: {  	_ =	shalt  }
0x84: {  	_ =	shalt  }
0x85: {  	_ =	shalt  }
0x86: {  	_ =	shalt  }
0x87: {  	_ =	shalt  }
.Lfunc_end0:
.L_simem_size_0:
called_computation_lowered:
.L_overlay_start_0:
0x88: {  	s2 =	sld [smem:$0x3FD9]  }
0x89: {  	s3 =	sld [smem:$0x3FFE];
	_ =	sdelay $0x1  }
0x8a: {  	s1 =	srdreg.scid  }
0x8b: {  	s0 =	sand.u32 $0x1, s1  }
0x8c: {  	s17 =	sshll.u32 s0, $0xA;
	s2 =	sadd.s32 s3, s2  }
0x8d: {  	s2 =	sadd.s32 s2, s17  }
0x8e: {  	[smem:$0x3FC2] =	sst s2  }
0x8f: {  	_ = 	snop  }
0x90: {  	s2 =	sld [smem:$0x3FD0];
	(tm) =	ssettm $0x1  }
0x91: {  	s18 =	sld [smem:$0x3FFB];
	_ =	sdelay $0x3  }
0x92: {  	_ =	strace s18  }
0x93: {  	s3 =	sld [smem:$0x3FFC];
	_ =	sdelay $0x3  }
0x94: {  	_ =	strace s3  }
0x95: {  	s3 =	sld [smem:$0x3FFD];
	_ =	sdelay $0x3  }
0x96: {  	_ =	strace s3  }
0x97: {  	_ =	strace $0x8FFFFFFF  }
0x98: {  	s19 =	sld [smem:$0x3FDB];
	_ =	sdelay $0x1  }
0x99: {  	s4 =	simm.s32 $_scs_section_size  }
0x9a: {  	s5 =	simm.s32 $_size__tile_overlayer_lowered;
	s6 =	simm.s32 $_tile_overlayer_lowered  }
0x9b: {  	s22 =	simm.s32 $0x1BFF;
	s21 =	sshll.u32 s6, $0x1;
	s3 =	sadd.s32 s4, s19  }
0x9c: {  	s7 =	simm.s32 $0x0;
	s20 =	sshll.u32 s5, $0x1;
	s5 =	sadd.s32 s21, s3  }
0x9d: {  	[timem:s7], [sflag:s22] =	dma.local [hbm:s5], s20  }
0x9e: {  	_ =	swait.ge [sflag:s22], s20  }
0x9f: {  	s4 =	ssub.s32 $0x0, s20;
	[sflag:s22] =	ssyncset.done $0x0  }
0xa0: {  	[sflag:s22] =	ssyncadd.s32 s4;
	_ =	sdelay $0x1  }
0xa1: {  	s23 =	simm.s32 $0x1B8B  }
0xa2: {  	_ =	swait.ge [sflag:s23], $0x1  }
0xa3: {  	[sflag:s23] =	ssyncset.done $0x0  }
0xa4: {  	s25 =	simm.s32 $0x1B8E;
	s24 =	sld [smem:$0x3FFE];
	[sflag:s23] =	ssyncadd.s32 $0xFFFFFFFF  }
0xa5: {  	s26 =	simm.s32 $execute0_lowered;
	[smem:$0x3FD2] =	sst s25  }
0xa6: {  	s5 =	sshll.u32 s26, $0x1;
	_ =	strace $0x80000046;
	[dreg:$0x1] =	wrdreg $0xFFFFFFFF  }
0xa7: {  	s28 =	simm.s32 $_size_execute0_lowered;
	s3 =	sadd.s32 s3, s5;
	[dreg:$0x0] =	wrdreg $0x0  }
0xa8: {  	s5 =	sshll.u32 s28, $0x1;
	[dreg:$0x2] =	wrdreg s3  }
0xa9: {  	[dreg:$0x3] =	wrdreg s5  }
0xaa: {  	[dreg:$0x4] =	wrdreg $0xC0  }
0xab: {  	_ =	task [dreg:s7], $0x5FFFF  }
0xac: {  	[dreg:$0x1] =	wrdreg $0xFFFFFFFF  }
0xad: {  	[dreg:$0x0] =	wrdreg $0x60  }
0xae: {  	[dreg:$0x2] =	wrdreg s24  }
0xaf: {  	[dreg:$0x3] =	wrdreg s2  }
0xb0: {  	[dreg:$0x4] =	wrdreg $0x13500  }
0xb1: {  	[dreg:$0x5] =	wrdreg $0x9  }
0xb2: {  	_ =	task.clear_ibuf [dreg:s7], $0x6FFFF;
	_ =	strace $0x90000046  }
0xb3: {  	s29 =	simm.s32 $0x9;
	_ =	strace $0x80000048  }
0xb4: {  	_ =	swait.ge [sflag:s29], $0x1  }
0xb5: {  	[sflag:s29] =	ssyncadd.s32 $0xFFFFFFFF  }
0xb6: {  	_ =	strace $0x90000048  }
0xb7: {  	_ =	sfence  }
0xb8: {  	s30 =	sld [smem:$0x0];
	_ =	sdelay $0x2  }
0xb9: {  	s31 =	sshll.u32 s1, $0xD;
	s1 =	sshrl.u32 s1, $0x2  }
0xba: {  	s3 =	sand.u32 $0x4000, s31;
	s1 =	sadd.s32 s1, s30  }
0xbb: {  	s0 =	sor.u32 s3, s0;
	s1 =	sshll.u32 s1, $0x11  }
0xbc: {  	s0 =	sor.u32 s1, s0  }
0xbd: {  	s0 =	sadd.s32 $0x8F2B, s0  }
0xbe: {  	[sflag:s0] =	ssyncadd.remote.s32 $0x1  }
0xbf: {  	_ =	sfence.sel $0xFFFF  }
0xc0: {  	[dreg:$0x0] =	wrdreg $0xFFFFFFFF;
	(pc) =	sbr.abs _section_cstart, $3  }
0xc1: {  	[dreg:$0x1] =	wrdreg $0xFFFFFFFF  }
0xc2: {  	_ =	task.clear_ibuf [dreg:s7], $0x2FFFF;
	_ =	strace $0x9FFFFFFF  }
0xc3: {  	(tm) =	ssettm $0x7FFFFFFF  }
tec
execute0_lowered:
.L_overlay_start_1:
0x0: {  	(tag) =	ssettag $0x1  }
0x1: {  	s0 =	rddreg [dreg:$0x0];
	s1 =	srdreg.scid  }
0x2: {  	s3 =	stileid.u32;
	s4 =	rddreg [dreg:$0x1]  }
0x3: {  	s2 =	simm.s32 $0x0;
	s28 =	simm.s32 $0x230;
	s29 =	simm.s32 $0x280  }
0x4: {  	s30 =	simm.s32 $0x2D0;
	s31 =	simm.s32 $0x320;
	s6 =	smul.u32 $0x4E20, s3  }
0x5: {  	s5 =	sand.u32 $0x1, s1;
	s1 =	rddreg [dreg:$0x2];
	s8 =	smul.u32 $0x9C00, s3  }
0x6: {  	[smem:$0x7FF] =	sst s2;
	s25 =	smul.u32 $0x2700, s3;
	p0 =	sne.s32 s3, $0x0  }
0x7: {  	s3 =	simm.s32 $0x6E0;
	s7 =	smul.u32 $0x2710, s5;
	s22 =	ssub.s32 $0x2, s5  }
0x8: {  	s5 =	smul.u32 $0x27100, s5;
	_ =	strace $0x80000047;
	s9 =	sadd.s32 $0x27000, s1  }
0x9: {  	s23 =	sshrl.u32 s22, $0x1;
	[dreg:$0x6] =	wrdreg s9;
	s26 =	sshrl.u32 s8, $0x2  }
0xa: {  	s13 =	sadd.s32 $0xD00, s25;
	s16 =	sadd.s32 $0x1380, s25;
	s17 =	sadd.s32 $0x1A00, s25  }
0xb: {  	s11 =	sadd.s32 $0x2080, s25;
	s9 =	sadd.s32 s25, s1;
	s8 =	simm.s32 $0x780  }
0xc: {  	s6 =	sadd.s32 s7, s6;
	s15 =	sadd.s32 s13, s1;
	[dreg:$0xf] =	wrdreg s9  }
0xd: {  	s24 =	sshrl.u32 s5, $0x3;
	s10 =	sadd.s32 s16, s1;
	[dreg:$0xb] =	wrdreg s15  }
0xe: {  	s12 =	sadd.s32 s17, s1;
	s18 =	sadd.s32 s11, s1;
	[dreg:$0xc] =	wrdreg s10  }
0xf: {  	s19 =	sadd.s32 s5, s25;
	s6 =	sshrl.u32 s6, $0x3;
	[dreg:$0xd] =	wrdreg s12  }
0x10: {  	s7 =	sadd.s32 s4, s24;
	[dreg:$0xe] =	wrdreg s18;
	s20 =	sshrl.u32 s19, $0x3  }
0x11: {  	s24 =	sadd.s32 s5, s17;
	s12 =	simm.s32 $0x4B0;
	s15 =	simm.s32 $0x5A0  }
0x12: {  	s17 =	simm.s32 $0x640;
	s18 =	simm.s32 $0x690;
	s19 =	simm.s32 $0x0  }
0x13: {  	s0 =	sadd.s32 s6, s0;
	s6 =	ssub.s32 s22, s23;
	s7 =	sadd.s32 $0x4E00, s7  }
0x14: {  	s9 =	sadd.s32 s4, s20;
	s22 =	sadd.s32 s5, s16;
	s20 =	simm.s32 $0x2  }
0x15: {  	s16 =	simm.s32 $0x5F0;
	[dreg:$0x7] =	wrdreg s7;
	s6 =	smax.u32 s6, $0x1  }
0x16: {  	s7 =	sadd.s32 $0x680, s25;
	[dreg:$0x10] =	wrdreg s9;
	s23 =	sshrl.u32 s22, $0x3  }
0x17: {  	s25 =	sshrl.u32 s24, $0x3;
	s0 =	sadd.s32 $0xBC00, s0;
	s22 =	simm.s32 $0x7D0  }
0x18: {  	s24 =	simm.s32 $0x140;
	s9 =	simm.s32 $0x1;
	[dreg:$0x8] =	wrdreg s6  }
0x19: {  	s6 =	sadd.s32 s26, s1;
	s14 =	sadd.s32 s7, s1;
	[dreg:$0x4] =	wrdreg s0  }
0x1a: {  	s26 =	simm.s32 $0xA0;
	s0 =	simm.s32 $0x370;
	[dreg:$0x9] =	wrdreg s6  }
0x1b: {  	[dreg:$0xa] =	wrdreg s14;
	s6 =	sadd.s32 s5, s7;
	s7 =	sadd.s32 s5, s13  }
0x1c: {  	s5 =	sadd.s32 s5, s11;
	[dreg:$0x5] =	wrdreg s26;
	s26 =	simm.s32 $0x1E0  }
0x1d: {  	s13 =	simm.s32 $0x500;
	s14 =	simm.s32 $0x550;
	s6 =	sshrl.u32 s6, $0x3  }
0x1e: {  	s21 =	sshrl.u32 s7, $0x3;
	s5 =	sshrl.u32 s5, $0x3;
	s6 =	sadd.s32 s4, s6  }
0x1f: {  	s7 =	simm.s32 $0x730;
	[dreg:$0x11] =	wrdreg s6;
	s6 =	sadd.s32 s4, s21  }
0x20: {  	s21 =	simm.s32 $0x50;
	[dreg:$0x12] =	wrdreg s6;
	s6 =	sadd.s32 s4, s23  }
0x21: {  	[dreg:$0x13] =	wrdreg s6;
	s6 =	sadd.s32 s4, s25;
	s4 =	sadd.s32 s4, s5  }
0x22: {  	s25 =	simm.s32 $0x190;
	s5 =	simm.s32 $0x410;
	[dreg:$0x14] =	wrdreg s6  }
0x23: {  	v0 =	vimm.f32 $0.0e+00;
	v1 =	vimm.f32 $1.000000000e+00;
	[dreg:$0x15] =	wrdreg s4;
	s4 =	simm.s32 $0x3C0;
	s6 =	simm.s32 $0x460  }
.LBB2_1:
0x24: {  	[dreg:$0x16] =	wrdreg s19;
	s10 =	simm.s32 $0x0  }
.LBB2_2:
0x25: {  	p1 =	sne.s32 s10, $0x19C0  }
.Ltmp0:
0x26: {  	_ = 	snop;
	(pc) =	sbr.rel @p1 .LBB2_2-.Ltmp0, $3  }
0x27: {  	_ =	sdelay $0x1  }
0x28: {  	s11 =	sshra.s32 s10, $0x2  }
0x29: {  	s10 =	sadd.s32 $0x40, s10;
	[tilespmem:s11+$0xCD0] =	vst v0  }
0x2a: {  	s10 =	simm.s32 $0x40;
	s11 =	simm.s32 $0x0;
	s19 =	simm.s32 $0xF0  }
.LBB2_4:
0x2b: {  	p1 =	sne.s32 s10, $0x13C0;
	[tilespmem:s11+$0x7D0] =	vst v1;
	s11 =	smov.u32 s10;
	s10 =	sadd.s32 $0x40, s10  }
.Ltmp1:
0x2c: {  	(pc) =	sbr.rel @p1 .LBB2_4-.Ltmp1, $2  }
0x2d: {  	_ =	sdelay $0x2  }
0x2e: {  	s11 =	sshra.s32 s11, $0x2  }
0x2f: {  	[tilespmem:s11+$0x7D0] =	vst v1;
	s10 =	rddreg [dreg:$0x9];
	s11 =	simm.s32 $0xCD0  }
0x30: {  	[spmem:s10] =	stream.linear.scatter [tilespmem:s11], [sflag:$0x2], $0x680, $0x38;
	[tilespmem:$0x3A68] =	vst v63  }
0x31: {  	_ =	swait.ge [sflag:s20], $0x680  }
0x32: {  	[sflag:s20] =	ssyncset.done $0x0  }
0x33: {  	s23 =	rddreg [dreg:$0xa];
	[sflag:s20] =	ssyncadd.s32 $0xFFFFF980  }
0x34: {  	[spmem:s23] =	stream.linear.scatter [tilespmem:s11], [sflag:$0x2], $0x680, $0x38;
	[tilespmem:$0x3A68] =	vst v63  }
0x35: {  	_ =	swait.ge [sflag:s20], $0x680  }
0x36: {  	[sflag:s20] =	ssyncset.done $0x0  }
0x37: {  	s23 =	rddreg [dreg:$0xb];
	[sflag:s20] =	ssyncadd.s32 $0xFFFFF980  }
0x38: {  	[spmem:s23] =	stream.linear.scatter [tilespmem:s11], [sflag:$0x2], $0x680, $0x38;
	[tilespmem:$0x3A68] =	vst v63  }
0x39: {  	_ =	swait.ge [sflag:s20], $0x680  }
0x3a: {  	[sflag:s20] =	ssyncset.done $0x0  }
0x3b: {  	s23 =	rddreg [dreg:$0xc];
	[sflag:s20] =	ssyncadd.s32 $0xFFFFF980  }
0x3c: {  	[spmem:s23] =	stream.linear.scatter [tilespmem:s11], [sflag:$0x2], $0x680, $0x38;
	[tilespmem:$0x3A68] =	vst v63  }
0x3d: {  	_ =	swait.ge [sflag:s20], $0x680  }
0x3e: {  	[sflag:s20] =	ssyncset.done $0x0  }
0x3f: {  	s23 =	rddreg [dreg:$0xd];
	[sflag:s20] =	ssyncadd.s32 $0xFFFFF980  }
0x40: {  	[spmem:s23] =	stream.linear.scatter [tilespmem:s11], [sflag:$0x2], $0x680, $0x38;
	[tilespmem:$0x3A68] =	vst v63  }
0x41: {  	_ =	swait.ge [sflag:s20], $0x680  }
0x42: {  	[sflag:s20] =	ssyncset.done $0x0  }
0x43: {  	s23 =	rddreg [dreg:$0xe];
	[sflag:s20] =	ssyncadd.s32 $0xFFFFF980  }
0x44: {  	[spmem:s23] =	stream.linear.scatter [tilespmem:s11], [sflag:$0x2], $0x680, $0x38;
	[tilespmem:$0x3A68] =	vst v63  }
0x45: {  	_ =	swait.ge [sflag:s20], $0x680  }
0x46: {  	[sflag:s20] =	ssyncset.done $0x0  }
0x47: {  	s10 =	simm.s32 @!p0 $0xCD0;
	s11 =	rddreg [dreg:$0x6];
	[sflag:s20] =	ssyncadd.s32 $0xFFFFF980  }
0x48: {  	[spmem:s11] =	stream.linear.scatter @!p0 [tilespmem:s10], [sflag:$0x2], $0x100, $0x38;
	[tilespmem:$0x3A68] =	vst v63  }
0x49: {  	s10 =	simm.s32 @!p0 $0x2  }
0x4a: {  	_ =	swait.ge @!p0 [sflag:s10], $0x100  }
0x4b: {  	[sflag:s10] =	ssyncset.done @!p0 $0x0  }
0x4c: {  	[sflag:s10] =	ssyncadd.s32 @!p0 $0xFFFFFF00  }
0x4d: {  	[bflag:$0x0] =	sbarrier.arrive $0xFFFF  }
0x4e: {  	s11 =	rddreg [dreg:$0x4]  }
0x4f: {  	s10 =	sadd.s32 $0x0, s11  }
0x50: {  	[tilespmem:s2], [sflag:$0x2] =	stream.linear.gather [hbm4b:s10+s2], $0x7D0, $0x38;
	[tilespmem:$0x3A68] =	vst v63  }
0x51: {  	_ =	swait.ge [sflag:s20], $0x7D0  }
0x52: {  	[sflag:s20] =	ssyncset.done $0x0  }
0x53: {  	[sflag:s20] =	ssyncadd.s32 $0xFFFFF830  }
0x54: {  	[spmem:s1] =	stream.indirect.scatter.add.f32 [tilespmem:s22], [sflag:$0x1], $0x10, s2, s21, $0xb8;
	[tilespmem:$0x3A68] =	vst v63  }
0x55: {  	_ = 	snop  }
0x56: {  	[spmem:s1] =	stream.indirect.scatter.add.f32 [tilespmem:s22], [sflag:$0x1], $0x10, s21, s21, $0xb8;
	[tilespmem:$0x3A68] =	vst v63  }
0x57: {  	s23 =	rddreg [dreg:$0x5]  }
0x58: {  	[spmem:s1] =	stream.indirect.scatter.add.f32 [tilespmem:s22], [sflag:$0x1], $0x10, s23, s21, $0xb8;
	[tilespmem:$0x3A68] =	vst v63  }
0x59: {  	_ = 	snop  }
0x5a: {  	[spmem:s1] =	stream.indirect.scatter.add.f32 [tilespmem:s22], [sflag:$0x1], $0x10, s19, s21, $0xb8;
	[tilespmem:$0x3A68] =	vst v63  }
0x5b: {  	_ = 	snop  }
0x5c: {  	[spmem:s1] =	stream.indirect.scatter.add.f32 [tilespmem:s22], [sflag:$0x1], $0x10, s24, s21, $0xb8;
	[tilespmem:$0x3A68] =	vst v63  }
0x5d: {  	_ = 	snop  }
0x5e: {  	[spmem:s1] =	stream.indirect.scatter.add.f32 [tilespmem:s22], [sflag:$0x1], $0x10, s25, s21, $0xb8;
	[tilespmem:$0x3A68] =	vst v63  }
0x5f: {  	_ = 	snop  }
0x60: {  	[spmem:s1] =	stream.indirect.scatter.add.f32 [tilespmem:s22], [sflag:$0x1], $0x10, s26, s21, $0xb8;
	[tilespmem:$0x3A68] =	vst v63  }
0x61: {  	_ = 	snop  }
0x62: {  	[spmem:s1] =	stream.indirect.scatter.add.f32 [tilespmem:s22], [sflag:$0x1], $0x10, s28, s21, $0xb8;
	[tilespmem:$0x3A68] =	vst v63  }
0x63: {  	_ = 	snop  }
0x64: {  	[spmem:s1] =	stream.indirect.scatter.add.f32 [tilespmem:s22], [sflag:$0x1], $0x10, s29, s21, $0xb8;
	[tilespmem:$0x3A68] =	vst v63  }
0x65: {  	_ = 	snop  }
0x66: {  	[spmem:s1] =	stream.indirect.scatter.add.f32 [tilespmem:s22], [sflag:$0x1], $0x10, s30, s21, $0xb8;
	[tilespmem:$0x3A68] =	vst v63  }
0x67: {  	_ = 	snop  }
0x68: {  	[spmem:s1] =	stream.indirect.scatter.add.f32 [tilespmem:s22], [sflag:$0x1], $0x10, s31, s21, $0xb8;
	[tilespmem:$0x3A68] =	vst v63  }
0x69: {  	_ = 	snop  }
0x6a: {  	[spmem:s1] =	stream.indirect.scatter.add.f32 [tilespmem:s22], [sflag:$0x1], $0x10, s0, s21, $0xb8;
	[tilespmem:$0x3A68] =	vst v63  }
0x6b: {  	_ = 	snop  }
0x6c: {  	[spmem:s1] =	stream.indirect.scatter.add.f32 [tilespmem:s22], [sflag:$0x1], $0x10, s4, s21, $0xb8;
	[tilespmem:$0x3A68] =	vst v63  }
0x6d: {  	_ = 	snop  }
0x6e: {  	[spmem:s1] =	stream.indirect.scatter.add.f32 [tilespmem:s22], [sflag:$0x1], $0x10, s5, s21, $0xb8;
	[tilespmem:$0x3A68] =	vst v63  }
0x6f: {  	_ = 	snop  }
0x70: {  	[spmem:s1] =	stream.indirect.scatter.add.f32 [tilespmem:s22], [sflag:$0x1], $0x10, s6, s21, $0xb8;
	[tilespmem:$0x3A68] =	vst v63  }
0x71: {  	_ = 	snop  }
0x72: {  	[spmem:s1] =	stream.indirect.scatter.add.f32 [tilespmem:s22], [sflag:$0x1], $0x10, s12, s21, $0xb8;
	[tilespmem:$0x3A68] =	vst v63  }
0x73: {  	_ = 	snop  }
0x74: {  	[spmem:s1] =	stream.indirect.scatter.add.f32 [tilespmem:s22], [sflag:$0x1], $0x10, s13, s21, $0xb8;
	[tilespmem:$0x3A68] =	vst v63  }
0x75: {  	_ = 	snop  }
0x76: {  	[spmem:s1] =	stream.indirect.scatter.add.f32 [tilespmem:s22], [sflag:$0x1], $0x10, s14, s21, $0xb8;
	[tilespmem:$0x3A68] =	vst v63  }
0x77: {  	_ = 	snop  }
0x78: {  	[spmem:s1] =	stream.indirect.scatter.add.f32 [tilespmem:s22], [sflag:$0x1], $0x10, s15, s21, $0xb8;
	[tilespmem:$0x3A68] =	vst v63  }
0x79: {  	_ = 	snop  }
0x7a: {  	[spmem:s1] =	stream.indirect.scatter.add.f32 [tilespmem:s22], [sflag:$0x1], $0x10, s16, s21, $0xb8;
	[tilespmem:$0x3A68] =	vst v63  }
0x7b: {  	_ = 	snop  }
0x7c: {  	[spmem:s1] =	stream.indirect.scatter.add.f32 [tilespmem:s22], [sflag:$0x1], $0x10, s17, s21, $0xb8;
	[tilespmem:$0x3A68] =	vst v63  }
0x7d: {  	_ = 	snop  }
0x7e: {  	[spmem:s1] =	stream.indirect.scatter.add.f32 [tilespmem:s22], [sflag:$0x1], $0x10, s18, s21, $0xb8;
	[tilespmem:$0x3A68] =	vst v63  }
0x7f: {  	_ = 	snop  }
0x80: {  	[spmem:s1] =	stream.indirect.scatter.add.f32 [tilespmem:s22], [sflag:$0x1], $0x10, s3, s21, $0xb8;
	[tilespmem:$0x3A68] =	vst v63  }
0x81: {  	_ = 	snop  }
0x82: {  	[spmem:s1] =	stream.indirect.scatter.add.f32 [tilespmem:s22], [sflag:$0x1], $0x10, s7, s21, $0xb8;
	[tilespmem:$0x3A68] =	vst v63  }
0x83: {  	_ = 	snop  }
0x84: {  	[spmem:s1] =	stream.indirect.scatter.add.f32 [tilespmem:s22], [sflag:$0x1], $0x10, s8, s21, $0xb8;
	[tilespmem:$0x3A68] =	vst v63  }
0x85: {  	_ =	swait.ge [sflag:s9], $0x500  }
0x86: {  	[sflag:s9] =	ssyncset.done $0x0  }
0x87: {  	[sflag:s9] =	ssyncadd.s32 $0xFFFFFB00  }
0x88: {  	_ =	swait.ge [sflag:s9], $0x500  }
0x89: {  	[sflag:s9] =	ssyncset.done $0x0  }
0x8a: {  	[sflag:s9] =	ssyncadd.s32 $0xFFFFFB00  }
0x8b: {  	_ =	swait.ge [sflag:s9], $0x500  }
0x8c: {  	[sflag:s9] =	ssyncset.done $0x0  }
0x8d: {  	[sflag:s9] =	ssyncadd.s32 $0xFFFFFB00  }
0x8e: {  	_ =	swait.ge [sflag:s9], $0x500  }
0x8f: {  	[sflag:s9] =	ssyncset.done $0x0  }
0x90: {  	[sflag:s9] =	ssyncadd.s32 $0xFFFFFB00  }
0x91: {  	_ =	swait.ge [sflag:s9], $0x500  }
0x92: {  	[sflag:s9] =	ssyncset.done $0x0  }
0x93: {  	[sflag:s9] =	ssyncadd.s32 $0xFFFFFB00  }
0x94: {  	_ =	swait.ge [sflag:s9], $0x500  }
0x95: {  	[sflag:s9] =	ssyncset.done $0x0  }
0x96: {  	[sflag:s9] =	ssyncadd.s32 $0xFFFFFB00  }
0x97: {  	_ =	swait.ge [sflag:s9], $0x500  }
0x98: {  	[sflag:s9] =	ssyncset.done $0x0  }
0x99: {  	[sflag:s9] =	ssyncadd.s32 $0xFFFFFB00  }
0x9a: {  	_ =	swait.ge [sflag:s9], $0x500  }
0x9b: {  	[sflag:s9] =	ssyncset.done $0x0  }
0x9c: {  	[sflag:s9] =	ssyncadd.s32 $0xFFFFFB00  }
0x9d: {  	_ =	swait.ge [sflag:s9], $0x500  }
0x9e: {  	[sflag:s9] =	ssyncset.done $0x0  }
0x9f: {  	[sflag:s9] =	ssyncadd.s32 $0xFFFFFB00  }
0xa0: {  	_ =	swait.ge [sflag:s9], $0x500  }
0xa1: {  	[sflag:s9] =	ssyncset.done $0x0  }
0xa2: {  	[sflag:s9] =	ssyncadd.s32 $0xFFFFFB00  }
0xa3: {  	_ =	swait.ge [sflag:s9], $0x500  }
0xa4: {  	[sflag:s9] =	ssyncset.done $0x0  }
0xa5: {  	[sflag:s9] =	ssyncadd.s32 $0xFFFFFB00  }
0xa6: {  	_ =	swait.ge [sflag:s9], $0x500  }
0xa7: {  	[sflag:s9] =	ssyncset.done $0x0  }
0xa8: {  	[sflag:s9] =	ssyncadd.s32 $0xFFFFFB00  }
0xa9: {  	_ =	swait.ge [sflag:s9], $0x500  }
0xaa: {  	[sflag:s9] =	ssyncset.done $0x0  }
0xab: {  	[sflag:s9] =	ssyncadd.s32 $0xFFFFFB00  }
0xac: {  	_ =	swait.ge [sflag:s9], $0x500  }
0xad: {  	[sflag:s9] =	ssyncset.done $0x0  }
0xae: {  	[sflag:s9] =	ssyncadd.s32 $0xFFFFFB00  }
0xaf: {  	_ =	swait.ge [sflag:s9], $0x500  }
0xb0: {  	[sflag:s9] =	ssyncset.done $0x0  }
0xb1: {  	[sflag:s9] =	ssyncadd.s32 $0xFFFFFB00  }
0xb2: {  	_ =	swait.ge [sflag:s9], $0x500  }
0xb3: {  	[sflag:s9] =	ssyncset.done $0x0  }
0xb4: {  	[sflag:s9] =	ssyncadd.s32 $0xFFFFFB00  }
0xb5: {  	_ =	swait.ge [sflag:s9], $0x500  }
0xb6: {  	[sflag:s9] =	ssyncset.done $0x0  }
0xb7: {  	[sflag:s9] =	ssyncadd.s32 $0xFFFFFB00  }
0xb8: {  	_ =	swait.ge [sflag:s9], $0x500  }
0xb9: {  	[sflag:s9] =	ssyncset.done $0x0  }
0xba: {  	[sflag:s9] =	ssyncadd.s32 $0xFFFFFB00  }
0xbb: {  	_ =	swait.ge [sflag:s9], $0x500  }
0xbc: {  	[sflag:s9] =	ssyncset.done $0x0  }
0xbd: {  	[sflag:s9] =	ssyncadd.s32 $0xFFFFFB00  }
0xbe: {  	_ =	swait.ge [sflag:s9], $0x500  }
0xbf: {  	[sflag:s9] =	ssyncset.done $0x0  }
0xc0: {  	[sflag:s9] =	ssyncadd.s32 $0xFFFFFB00  }
0xc1: {  	_ =	swait.ge [sflag:s9], $0x500  }
0xc2: {  	[sflag:s9] =	ssyncset.done $0x0  }
0xc3: {  	[sflag:s9] =	ssyncadd.s32 $0xFFFFFB00  }
0xc4: {  	_ =	swait.ge [sflag:s9], $0x500  }
0xc5: {  	[sflag:s9] =	ssyncset.done $0x0  }
0xc6: {  	[sflag:s9] =	ssyncadd.s32 $0xFFFFFB00  }
0xc7: {  	_ =	swait.ge [sflag:s9], $0x500  }
0xc8: {  	[sflag:s9] =	ssyncset.done $0x0  }
0xc9: {  	[sflag:s9] =	ssyncadd.s32 $0xFFFFFB00  }
0xca: {  	_ =	swait.ge [sflag:s9], $0x500  }
0xcb: {  	[sflag:s9] =	ssyncset.done $0x0  }
0xcc: {  	[sflag:s9] =	ssyncadd.s32 $0xFFFFFB00  }
0xcd: {  	s11 =	simm.s32 $0xFA;
	_ =	swait.ge [sflag:s9], $0x500  }
0xce: {  	s10 =	simm.s32 $0x1F4;
	s19 =	rddreg [dreg:$0x4];
	[sflag:s9] =	ssyncset.done $0x0  }
.LBB2_6:
0xcf: {  	[sflag:s9] =	ssyncadd.s32 $0xFFFFFB00;
	s19 =	sadd.s32 s11, s19  }
0xd0: {  	[tilespmem:s2], [sflag:$0x2] =	stream.linear.gather [hbm4b:s19+s2], $0x7D0, $0x38;
	[tilespmem:$0x3A68] =	vst v63  }
0xd1: {  	_ =	swait.ge [sflag:s20], $0x7D0  }
0xd2: {  	[sflag:s20] =	ssyncset.done $0x0  }
0xd3: {  	[sflag:s20] =	ssyncadd.s32 $0xFFFFF830  }
0xd4: {  	[spmem:s1] =	stream.indirect.scatter.add.f32 [tilespmem:s22], [sflag:$0x1], $0x10, s2, s21, $0xb8;
	[tilespmem:$0x3A68] =	vst v63  }
0xd5: {  	_ = 	snop  }
0xd6: {  	[spmem:s1] =	stream.indirect.scatter.add.f32 [tilespmem:s22], [sflag:$0x1], $0x10, s21, s21, $0xb8;
	[tilespmem:$0x3A68] =	vst v63  }
0xd7: {  	s23 =	smov.u32 s10;
	s19 =	rddreg [dreg:$0x5]  }
0xd8: {  	[spmem:s1] =	stream.indirect.scatter.add.f32 [tilespmem:s22], [sflag:$0x1], $0x10, s19, s21, $0xb8;
	[tilespmem:$0x3A68] =	vst v63  }
0xd9: {  	s11 =	smov.u32 s23;
	s23 =	simm.s32 $0xF0  }
0xda: {  	[spmem:s1] =	stream.indirect.scatter.add.f32 [tilespmem:s22], [sflag:$0x1], $0x10, s23, s21, $0xb8;
	[tilespmem:$0x3A68] =	vst v63  }
0xdb: {  	_ = 	snop  }
0xdc: {  	[spmem:s1] =	stream.indirect.scatter.add.f32 [tilespmem:s22], [sflag:$0x1], $0x10, s24, s21, $0xb8;
	[tilespmem:$0x3A68] =	vst v63  }
0xdd: {  	_ = 	snop  }
0xde: {  	[spmem:s1] =	stream.indirect.scatter.add.f32 [tilespmem:s22], [sflag:$0x1], $0x10, s25, s21, $0xb8;
	[tilespmem:$0x3A68] =	vst v63  }
0xdf: {  	_ = 	snop  }
0xe0: {  	[spmem:s1] =	stream.indirect.scatter.add.f32 [tilespmem:s22], [sflag:$0x1], $0x10, s26, s21, $0xb8;
	[tilespmem:$0x3A68] =	vst v63  }
0xe1: {  	_ = 	snop  }
0xe2: {  	[spmem:s1] =	stream.indirect.scatter.add.f32 [tilespmem:s22], [sflag:$0x1], $0x10, s28, s21, $0xb8;
	[tilespmem:$0x3A68] =	vst v63  }
0xe3: {  	_ = 	snop  }
0xe4: {  	[spmem:s1] =	stream.indirect.scatter.add.f32 [tilespmem:s22], [sflag:$0x1], $0x10, s29, s21, $0xb8;
	[tilespmem:$0x3A68] =	vst v63  }
0xe5: {  	_ = 	snop  }
0xe6: {  	[spmem:s1] =	stream.indirect.scatter.add.f32 [tilespmem:s22], [sflag:$0x1], $0x10, s30, s21, $0xb8;
	[tilespmem:$0x3A68] =	vst v63  }
0xe7: {  	_ = 	snop  }
0xe8: {  	[spmem:s1] =	stream.indirect.scatter.add.f32 [tilespmem:s22], [sflag:$0x1], $0x10, s31, s21, $0xb8;
	[tilespmem:$0x3A68] =	vst v63  }
0xe9: {  	_ = 	snop  }
0xea: {  	[spmem:s1] =	stream.indirect.scatter.add.f32 [tilespmem:s22], [sflag:$0x1], $0x10, s0, s21, $0xb8;
	[tilespmem:$0x3A68] =	vst v63  }
0xeb: {  	_ = 	snop  }
0xec: {  	[spmem:s1] =	stream.indirect.scatter.add.f32 [tilespmem:s22], [sflag:$0x1], $0x10, s4, s21, $0xb8;
	[tilespmem:$0x3A68] =	vst v63  }
0xed: {  	_ = 	snop  }
0xee: {  	[spmem:s1] =	stream.indirect.scatter.add.f32 [tilespmem:s22], [sflag:$0x1], $0x10, s5, s21, $0xb8;
	[tilespmem:$0x3A68] =	vst v63  }
0xef: {  	_ = 	snop  }
0xf0: {  	[spmem:s1] =	stream.indirect.scatter.add.f32 [tilespmem:s22], [sflag:$0x1], $0x10, s6, s21, $0xb8;
	[tilespmem:$0x3A68] =	vst v63  }
0xf1: {  	_ = 	snop  }
0xf2: {  	[spmem:s1] =	stream.indirect.scatter.add.f32 [tilespmem:s22], [sflag:$0x1], $0x10, s12, s21, $0xb8;
	[tilespmem:$0x3A68] =	vst v63  }
0xf3: {  	_ = 	snop  }
0xf4: {  	[spmem:s1] =	stream.indirect.scatter.add.f32 [tilespmem:s22], [sflag:$0x1], $0x10, s13, s21, $0xb8;
	[tilespmem:$0x3A68] =	vst v63  }
0xf5: {  	_ = 	snop  }
0xf6: {  	[spmem:s1] =	stream.indirect.scatter.add.f32 [tilespmem:s22], [sflag:$0x1], $0x10, s14, s21, $0xb8;
	[tilespmem:$0x3A68] =	vst v63  }
0xf7: {  	_ = 	snop  }
0xf8: {  	[spmem:s1] =	stream.indirect.scatter.add.f32 [tilespmem:s22], [sflag:$0x1], $0x10, s15, s21, $0xb8;
	[tilespmem:$0x3A68] =	vst v63  }
0xf9: {  	_ = 	snop  }
0xfa: {  	[spmem:s1] =	stream.indirect.scatter.add.f32 [tilespmem:s22], [sflag:$0x1], $0x10, s16, s21, $0xb8;
	[tilespmem:$0x3A68] =	vst v63  }
0xfb: {  	_ = 	snop  }
0xfc: {  	[spmem:s1] =	stream.indirect.scatter.add.f32 [tilespmem:s22], [sflag:$0x1], $0x10, s17, s21, $0xb8;
	[tilespmem:$0x3A68] =	vst v63  }
0xfd: {  	_ = 	snop  }
0xfe: {  	[spmem:s1] =	stream.indirect.scatter.add.f32 [tilespmem:s22], [sflag:$0x1], $0x10, s18, s21, $0xb8;
	[tilespmem:$0x3A68] =	vst v63  }
0xff: {  	_ = 	snop  }
0x100: {  	[spmem:s1] =	stream.indirect.scatter.add.f32 [tilespmem:s22], [sflag:$0x1], $0x10, s3, s21, $0xb8;
	[tilespmem:$0x3A68] =	vst v63  }
0x101: {  	_ = 	snop  }
0x102: {  	[spmem:s1] =	stream.indirect.scatter.add.f32 [tilespmem:s22], [sflag:$0x1], $0x10, s7, s21, $0xb8;
	[tilespmem:$0x3A68] =	vst v63  }
0x103: {  	_ = 	snop  }
0x104: {  	[spmem:s1] =	stream.indirect.scatter.add.f32 [tilespmem:s22], [sflag:$0x1], $0x10, s8, s21, $0xb8;
	[tilespmem:$0x3A68] =	vst v63  }
0x105: {  	_ =	swait.ge [sflag:s9], $0x500  }
0x106: {  	[sflag:s9] =	ssyncset.done $0x0  }
0x107: {  	[sflag:s9] =	ssyncadd.s32 $0xFFFFFB00  }
0x108: {  	_ =	swait.ge [sflag:s9], $0x500  }
0x109: {  	[sflag:s9] =	ssyncset.done $0x0  }
0x10a: {  	[sflag:s9] =	ssyncadd.s32 $0xFFFFFB00  }
0x10b: {  	_ =	swait.ge [sflag:s9], $0x500  }
0x10c: {  	[sflag:s9] =	ssyncset.done $0x0  }
0x10d: {  	[sflag:s9] =	ssyncadd.s32 $0xFFFFFB00  }
0x10e: {  	_ =	swait.ge [sflag:s9], $0x500  }
0x10f: {  	[sflag:s9] =	ssyncset.done $0x0  }
0x110: {  	[sflag:s9] =	ssyncadd.s32 $0xFFFFFB00  }
0x111: {  	_ =	swait.ge [sflag:s9], $0x500  }
0x112: {  	[sflag:s9] =	ssyncset.done $0x0  }
0x113: {  	[sflag:s9] =	ssyncadd.s32 $0xFFFFFB00  }
0x114: {  	_ =	swait.ge [sflag:s9], $0x500  }
0x115: {  	[sflag:s9] =	ssyncset.done $0x0  }
0x116: {  	[sflag:s9] =	ssyncadd.s32 $0xFFFFFB00  }
0x117: {  	_ =	swait.ge [sflag:s9], $0x500  }
0x118: {  	[sflag:s9] =	ssyncset.done $0x0  }
0x119: {  	[sflag:s9] =	ssyncadd.s32 $0xFFFFFB00  }
0x11a: {  	_ =	swait.ge [sflag:s9], $0x500  }
0x11b: {  	[sflag:s9] =	ssyncset.done $0x0  }
0x11c: {  	[sflag:s9] =	ssyncadd.s32 $0xFFFFFB00  }
0x11d: {  	_ =	swait.ge [sflag:s9], $0x500  }
0x11e: {  	[sflag:s9] =	ssyncset.done $0x0  }
0x11f: {  	[sflag:s9] =	ssyncadd.s32 $0xFFFFFB00  }
0x120: {  	_ =	swait.ge [sflag:s9], $0x500  }
0x121: {  	[sflag:s9] =	ssyncset.done $0x0  }
0x122: {  	[sflag:s9] =	ssyncadd.s32 $0xFFFFFB00  }
0x123: {  	_ =	swait.ge [sflag:s9], $0x500  }
0x124: {  	[sflag:s9] =	ssyncset.done $0x0  }
0x125: {  	[sflag:s9] =	ssyncadd.s32 $0xFFFFFB00  }
0x126: {  	_ =	swait.ge [sflag:s9], $0x500  }
0x127: {  	[sflag:s9] =	ssyncset.done $0x0  }
0x128: {  	[sflag:s9] =	ssyncadd.s32 $0xFFFFFB00  }
0x129: {  	_ =	swait.ge [sflag:s9], $0x500  }
0x12a: {  	[sflag:s9] =	ssyncset.done $0x0  }
0x12b: {  	[sflag:s9] =	ssyncadd.s32 $0xFFFFFB00  }
0x12c: {  	_ =	swait.ge [sflag:s9], $0x500  }
0x12d: {  	[sflag:s9] =	ssyncset.done $0x0  }
0x12e: {  	[sflag:s9] =	ssyncadd.s32 $0xFFFFFB00  }
0x12f: {  	_ =	swait.ge [sflag:s9], $0x500  }
0x130: {  	[sflag:s9] =	ssyncset.done $0x0  }
0x131: {  	[sflag:s9] =	ssyncadd.s32 $0xFFFFFB00  }
0x132: {  	_ =	swait.ge [sflag:s9], $0x500  }
0x133: {  	[sflag:s9] =	ssyncset.done $0x0  }
0x134: {  	[sflag:s9] =	ssyncadd.s32 $0xFFFFFB00  }
0x135: {  	_ =	swait.ge [sflag:s9], $0x500  }
0x136: {  	[sflag:s9] =	ssyncset.done $0x0  }
0x137: {  	[sflag:s9] =	ssyncadd.s32 $0xFFFFFB00  }
0x138: {  	_ =	swait.ge [sflag:s9], $0x500  }
0x139: {  	[sflag:s9] =	ssyncset.done $0x0  }
0x13a: {  	[sflag:s9] =	ssyncadd.s32 $0xFFFFFB00  }
0x13b: {  	_ =	swait.ge [sflag:s9], $0x500  }
0x13c: {  	[sflag:s9] =	ssyncset.done $0x0  }
0x13d: {  	[sflag:s9] =	ssyncadd.s32 $0xFFFFFB00  }
0x13e: {  	_ =	swait.ge [sflag:s9], $0x500  }
0x13f: {  	[sflag:s9] =	ssyncset.done $0x0  }
0x140: {  	[sflag:s9] =	ssyncadd.s32 $0xFFFFFB00  }
0x141: {  	_ =	swait.ge [sflag:s9], $0x500  }
0x142: {  	[sflag:s9] =	ssyncset.done $0x0  }
0x143: {  	[sflag:s9] =	ssyncadd.s32 $0xFFFFFB00  }
0x144: {  	_ =	swait.ge [sflag:s9], $0x500  }
0x145: {  	[sflag:s9] =	ssyncset.done $0x0  }
0x146: {  	[sflag:s9] =	ssyncadd.s32 $0xFFFFFB00  }
0x147: {  	_ =	swait.ge [sflag:s9], $0x500  }
0x148: {  	[sflag:s9] =	ssyncset.done $0x0  }
0x149: {  	p1 =	sne.s32 s10, $0x3E8;
	[sflag:s9] =	ssyncadd.s32 $0xFFFFFB00  }
.Ltmp2:
0x14a: {  	_ =	swait.ge [sflag:s9], $0x500;
	(pc) =	sbr.rel @p1 .LBB2_6-.Ltmp2, $4  }
0x14b: {  	[sflag:s9] =	ssyncset.done $0x0  }
0x14c: {  	[sflag:s9] =	ssyncadd.s32 $0xFFFFFB00  }
0x14d: {  	_ =	swait.ge [sflag:s9], $0x500  }
0x14e: {  	s10 =	sadd.s32 $0xFA, s10;
	s19 =	rddreg [dreg:$0x4];
	[sflag:s9] =	ssyncset.done $0x0  }
0x14f: {  	[sflag:s9] =	ssyncadd.s32 $0xFFFFFB00;
	s10 =	sadd.s32 s11, s19  }
0x150: {  	[tilespmem:s2], [sflag:$0x2] =	stream.linear.gather [hbm4b:s10+s2], $0x7D0, $0x38;
	[tilespmem:$0x3A68] =	vst v63  }
0x151: {  	_ =	swait.ge [sflag:s20], $0x7D0  }
0x152: {  	[sflag:s20] =	ssyncset.done $0x0  }
0x153: {  	[sflag:s20] =	ssyncadd.s32 $0xFFFFF830  }
0x154: {  	[spmem:s1] =	stream.indirect.scatter.add.f32 [tilespmem:s22], [sflag:$0x1], $0x10, s2, s21, $0xb8;
	[tilespmem:$0x3A68] =	vst v63  }
0x155: {  	_ = 	snop  }
0x156: {  	[spmem:s1] =	stream.indirect.scatter.add.f32 [tilespmem:s22], [sflag:$0x1], $0x10, s21, s21, $0xb8;
	[tilespmem:$0x3A68] =	vst v63  }
0x157: {  	s11 =	rddreg [dreg:$0x5]  }
0x158: {  	[spmem:s1] =	stream.indirect.scatter.add.f32 [tilespmem:s22], [sflag:$0x1], $0x10, s11, s21, $0xb8;
	[tilespmem:$0x3A68] =	vst v63  }
0x159: {  	_ = 	snop  }
0x15a: {  	[spmem:s1] =	stream.indirect.scatter.add.f32 [tilespmem:s22], [sflag:$0x1], $0x10, s23, s21, $0xb8;
	[tilespmem:$0x3A68] =	vst v63  }
0x15b: {  	_ = 	snop  }
0x15c: {  	[spmem:s1] =	stream.indirect.scatter.add.f32 [tilespmem:s22], [sflag:$0x1], $0x10, s24, s21, $0xb8;
	[tilespmem:$0x3A68] =	vst v63  }
0x15d: {  	_ = 	snop  }
0x15e: {  	[spmem:s1] =	stream.indirect.scatter.add.f32 [tilespmem:s22], [sflag:$0x1], $0x10, s25, s21, $0xb8;
	[tilespmem:$0x3A68] =	vst v63  }
0x15f: {  	_ = 	snop  }
0x160: {  	[spmem:s1] =	stream.indirect.scatter.add.f32 [tilespmem:s22], [sflag:$0x1], $0x10, s26, s21, $0xb8;
	[tilespmem:$0x3A68] =	vst v63  }
0x161: {  	_ = 	snop  }
0x162: {  	[spmem:s1] =	stream.indirect.scatter.add.f32 [tilespmem:s22], [sflag:$0x1], $0x10, s28, s21, $0xb8;
	[tilespmem:$0x3A68] =	vst v63  }
0x163: {  	_ = 	snop  }
0x164: {  	[spmem:s1] =	stream.indirect.scatter.add.f32 [tilespmem:s22], [sflag:$0x1], $0x10, s29, s21, $0xb8;
	[tilespmem:$0x3A68] =	vst v63  }
0x165: {  	_ = 	snop  }
0x166: {  	[spmem:s1] =	stream.indirect.scatter.add.f32 [tilespmem:s22], [sflag:$0x1], $0x10, s30, s21, $0xb8;
	[tilespmem:$0x3A68] =	vst v63  }
0x167: {  	_ = 	snop  }
0x168: {  	[spmem:s1] =	stream.indirect.scatter.add.f32 [tilespmem:s22], [sflag:$0x1], $0x10, s31, s21, $0xb8;
	[tilespmem:$0x3A68] =	vst v63  }
0x169: {  	_ = 	snop  }
0x16a: {  	[spmem:s1] =	stream.indirect.scatter.add.f32 [tilespmem:s22], [sflag:$0x1], $0x10, s0, s21, $0xb8;
	[tilespmem:$0x3A68] =	vst v63  }
0x16b: {  	_ = 	snop  }
0x16c: {  	[spmem:s1] =	stream.indirect.scatter.add.f32 [tilespmem:s22], [sflag:$0x1], $0x10, s4, s21, $0xb8;
	[tilespmem:$0x3A68] =	vst v63  }
0x16d: {  	_ = 	snop  }
0x16e: {  	[spmem:s1] =	stream.indirect.scatter.add.f32 [tilespmem:s22], [sflag:$0x1], $0x10, s5, s21, $0xb8;
	[tilespmem:$0x3A68] =	vst v63  }
0x16f: {  	_ = 	snop  }
0x170: {  	[spmem:s1] =	stream.indirect.scatter.add.f32 [tilespmem:s22], [sflag:$0x1], $0x10, s6, s21, $0xb8;
	[tilespmem:$0x3A68] =	vst v63  }
0x171: {  	_ = 	snop  }
0x172: {  	[spmem:s1] =	stream.indirect.scatter.add.f32 [tilespmem:s22], [sflag:$0x1], $0x10, s12, s21, $0xb8;
	[tilespmem:$0x3A68] =	vst v63  }
0x173: {  	_ = 	snop  }
0x174: {  	[spmem:s1] =	stream.indirect.scatter.add.f32 [tilespmem:s22], [sflag:$0x1], $0x10, s13, s21, $0xb8;
	[tilespmem:$0x3A68] =	vst v63  }
0x175: {  	_ = 	snop  }
0x176: {  	[spmem:s1] =	stream.indirect.scatter.add.f32 [tilespmem:s22], [sflag:$0x1], $0x10, s14, s21, $0xb8;
	[tilespmem:$0x3A68] =	vst v63  }
0x177: {  	_ = 	snop  }
0x178: {  	[spmem:s1] =	stream.indirect.scatter.add.f32 [tilespmem:s22], [sflag:$0x1], $0x10, s15, s21, $0xb8;
	[tilespmem:$0x3A68] =	vst v63  }
0x179: {  	_ = 	snop  }
0x17a: {  	[spmem:s1] =	stream.indirect.scatter.add.f32 [tilespmem:s22], [sflag:$0x1], $0x10, s16, s21, $0xb8;
	[tilespmem:$0x3A68] =	vst v63  }
0x17b: {  	_ = 	snop  }
0x17c: {  	[spmem:s1] =	stream.indirect.scatter.add.f32 [tilespmem:s22], [sflag:$0x1], $0x10, s17, s21, $0xb8;
	[tilespmem:$0x3A68] =	vst v63  }
0x17d: {  	_ = 	snop  }
0x17e: {  	[spmem:s1] =	stream.indirect.scatter.add.f32 [tilespmem:s22], [sflag:$0x1], $0x10, s18, s21, $0xb8;
	[tilespmem:$0x3A68] =	vst v63  }
0x17f: {  	_ = 	snop  }
0x180: {  	[spmem:s1] =	stream.indirect.scatter.add.f32 [tilespmem:s22], [sflag:$0x1], $0x10, s3, s21, $0xb8;
	[tilespmem:$0x3A68] =	vst v63  }
0x181: {  	_ = 	snop  }
0x182: {  	[spmem:s1] =	stream.indirect.scatter.add.f32 [tilespmem:s22], [sflag:$0x1], $0x10, s7, s21, $0xb8;
	[tilespmem:$0x3A68] =	vst v63  }
0x183: {  	_ = 	snop  }
0x184: {  	[spmem:s1] =	stream.indirect.scatter.add.f32 [tilespmem:s22], [sflag:$0x1], $0x10, s8, s21, $0xb8;
	[tilespmem:$0x3A68] =	vst v63  }
0x185: {  	_ =	swait.ge [sflag:s9], $0x500  }
0x186: {  	[sflag:s9] =	ssyncset.done $0x0  }
0x187: {  	[sflag:s9] =	ssyncadd.s32 $0xFFFFFB00  }
0x188: {  	_ =	swait.ge [sflag:s9], $0x500  }
0x189: {  	[sflag:s9] =	ssyncset.done $0x0  }
0x18a: {  	[sflag:s9] =	ssyncadd.s32 $0xFFFFFB00  }
0x18b: {  	_ =	swait.ge [sflag:s9], $0x500  }
0x18c: {  	[sflag:s9] =	ssyncset.done $0x0  }
0x18d: {  	[sflag:s9] =	ssyncadd.s32 $0xFFFFFB00  }
0x18e: {  	_ =	swait.ge [sflag:s9], $0x500  }
0x18f: {  	[sflag:s9] =	ssyncset.done $0x0  }
0x190: {  	[sflag:s9] =	ssyncadd.s32 $0xFFFFFB00  }
0x191: {  	_ =	swait.ge [sflag:s9], $0x500  }
0x192: {  	[sflag:s9] =	ssyncset.done $0x0  }
0x193: {  	[sflag:s9] =	ssyncadd.s32 $0xFFFFFB00  }
0x194: {  	_ =	swait.ge [sflag:s9], $0x500  }
0x195: {  	[sflag:s9] =	ssyncset.done $0x0  }
0x196: {  	[sflag:s9] =	ssyncadd.s32 $0xFFFFFB00  }
0x197: {  	_ =	swait.ge [sflag:s9], $0x500  }
0x198: {  	[sflag:s9] =	ssyncset.done $0x0  }
0x199: {  	[sflag:s9] =	ssyncadd.s32 $0xFFFFFB00  }
0x19a: {  	_ =	swait.ge [sflag:s9], $0x500  }
0x19b: {  	[sflag:s9] =	ssyncset.done $0x0  }
0x19c: {  	[sflag:s9] =	ssyncadd.s32 $0xFFFFFB00  }
0x19d: {  	_ =	swait.ge [sflag:s9], $0x500  }
0x19e: {  	[sflag:s9] =	ssyncset.done $0x0  }
0x19f: {  	[sflag:s9] =	ssyncadd.s32 $0xFFFFFB00  }
0x1a0: {  	_ =	swait.ge [sflag:s9], $0x500  }
0x1a1: {  	[sflag:s9] =	ssyncset.done $0x0  }
0x1a2: {  	[sflag:s9] =	ssyncadd.s32 $0xFFFFFB00  }
0x1a3: {  	_ =	swait.ge [sflag:s9], $0x500  }
0x1a4: {  	[sflag:s9] =	ssyncset.done $0x0  }
0x1a5: {  	[sflag:s9] =	ssyncadd.s32 $0xFFFFFB00  }
0x1a6: {  	_ =	swait.ge [sflag:s9], $0x500  }
0x1a7: {  	[sflag:s9] =	ssyncset.done $0x0  }
0x1a8: {  	[sflag:s9] =	ssyncadd.s32 $0xFFFFFB00  }
0x1a9: {  	_ =	swait.ge [sflag:s9], $0x500  }
0x1aa: {  	[sflag:s9] =	ssyncset.done $0x0  }
0x1ab: {  	[sflag:s9] =	ssyncadd.s32 $0xFFFFFB00  }
0x1ac: {  	_ =	swait.ge [sflag:s9], $0x500  }
0x1ad: {  	[sflag:s9] =	ssyncset.done $0x0  }
0x1ae: {  	[sflag:s9] =	ssyncadd.s32 $0xFFFFFB00  }
0x1af: {  	_ =	swait.ge [sflag:s9], $0x500  }
0x1b0: {  	[sflag:s9] =	ssyncset.done $0x0  }
0x1b1: {  	[sflag:s9] =	ssyncadd.s32 $0xFFFFFB00  }
0x1b2: {  	_ =	swait.ge [sflag:s9], $0x500  }
0x1b3: {  	[sflag:s9] =	ssyncset.done $0x0  }
0x1b4: {  	[sflag:s9] =	ssyncadd.s32 $0xFFFFFB00  }
0x1b5: {  	_ =	swait.ge [sflag:s9], $0x500  }
0x1b6: {  	[sflag:s9] =	ssyncset.done $0x0  }
0x1b7: {  	[sflag:s9] =	ssyncadd.s32 $0xFFFFFB00  }
0x1b8: {  	_ =	swait.ge [sflag:s9], $0x500  }
0x1b9: {  	[sflag:s9] =	ssyncset.done $0x0  }
0x1ba: {  	[sflag:s9] =	ssyncadd.s32 $0xFFFFFB00  }
0x1bb: {  	_ =	swait.ge [sflag:s9], $0x500  }
0x1bc: {  	[sflag:s9] =	ssyncset.done $0x0  }
0x1bd: {  	[sflag:s9] =	ssyncadd.s32 $0xFFFFFB00  }
0x1be: {  	_ =	swait.ge [sflag:s9], $0x500  }
0x1bf: {  	[sflag:s9] =	ssyncset.done $0x0  }
0x1c0: {  	[sflag:s9] =	ssyncadd.s32 $0xFFFFFB00  }
0x1c1: {  	_ =	swait.ge [sflag:s9], $0x500  }
0x1c2: {  	[sflag:s9] =	ssyncset.done $0x0  }
0x1c3: {  	[sflag:s9] =	ssyncadd.s32 $0xFFFFFB00  }
0x1c4: {  	_ =	swait.ge [sflag:s9], $0x500  }
0x1c5: {  	[sflag:s9] =	ssyncset.done $0x0  }
0x1c6: {  	[sflag:s9] =	ssyncadd.s32 $0xFFFFFB00  }
0x1c7: {  	_ =	swait.ge [sflag:s9], $0x500  }
0x1c8: {  	[sflag:s9] =	ssyncset.done $0x0  }
0x1c9: {  	[sflag:s9] =	ssyncadd.s32 $0xFFFFFB00  }
0x1ca: {  	_ =	swait.ge [sflag:s9], $0x500  }
0x1cb: {  	[sflag:s9] =	ssyncset.done $0x0  }
0x1cc: {  	[sflag:s9] =	ssyncadd.s32 $0xFFFFFB00  }
0x1cd: {  	_ =	swait.ge [sflag:s9], $0x500  }
0x1ce: {  	[sflag:s9] =	ssyncset.done $0x0  }
0x1cf: {  	[sflag:s9] =	ssyncadd.s32 $0xFFFFFB00  }
0x1d0: {  	[bflag:$0x0] =	sbarrier.arrive $0xFFFF  }
0x1d1: {  	s11 =	simm.s32 $0xCD0;
	s19 =	rddreg [dreg:$0xf]  }
0x1d2: {  	[tilespmem:s11], [sflag:$0x2] =	stream.linear.gather [spmem:s19], $0x680, $0x38;
	[tilespmem:$0x3A68] =	vst v63  }
0x1d3: {  	_ =	swait.ge [sflag:s20], $0x680  }
0x1d4: {  	[sflag:s20] =	ssyncset.done $0x0  }
0x1d5: {  	s23 =	rddreg [dreg:$0x10];
	[sflag:s20] =	ssyncadd.s32 $0xFFFFF980  }
0x1d6: {  	[hbm4b:s23+s2] =	stream.linear.scatter [tilespmem:s11], [sflag:$0x2], $0x680, $0x38;
	[tilespmem:$0x3A68] =	vst v63  }
0x1d7: {  	_ =	swait.ge [sflag:s20], $0x680  }
0x1d8: {  	[sflag:s20] =	ssyncset.done $0x0  }
0x1d9: {  	s19 =	rddreg [dreg:$0xa];
	[sflag:s20] =	ssyncadd.s32 $0xFFFFF980  }
0x1da: {  	[tilespmem:s11], [sflag:$0x2] =	stream.linear.gather [spmem:s19], $0x680, $0x38;
	[tilespmem:$0x3A68] =	vst v63  }
0x1db: {  	_ =	swait.ge [sflag:s20], $0x680  }
0x1dc: {  	[sflag:s20] =	ssyncset.done $0x0  }
0x1dd: {  	s23 =	rddreg [dreg:$0x11];
	[sflag:s20] =	ssyncadd.s32 $0xFFFFF980  }
0x1de: {  	[hbm4b:s23+s2] =	stream.linear.scatter [tilespmem:s11], [sflag:$0x2], $0x680, $0x38;
	[tilespmem:$0x3A68] =	vst v63  }
0x1df: {  	_ =	swait.ge [sflag:s20], $0x680  }
0x1e0: {  	[sflag:s20] =	ssyncset.done $0x0  }
0x1e1: {  	s19 =	rddreg [dreg:$0xb];
	[sflag:s20] =	ssyncadd.s32 $0xFFFFF980  }
0x1e2: {  	[tilespmem:s11], [sflag:$0x2] =	stream.linear.gather [spmem:s19], $0x680, $0x38;
	[tilespmem:$0x3A68] =	vst v63  }
0x1e3: {  	_ =	swait.ge [sflag:s20], $0x680  }
0x1e4: {  	[sflag:s20] =	ssyncset.done $0x0  }
0x1e5: {  	s23 =	rddreg [dreg:$0x12];
	[sflag:s20] =	ssyncadd.s32 $0xFFFFF980  }
0x1e6: {  	[hbm4b:s23+s2] =	stream.linear.scatter [tilespmem:s11], [sflag:$0x2], $0x680, $0x38;
	[tilespmem:$0x3A68] =	vst v63  }
0x1e7: {  	_ =	swait.ge [sflag:s20], $0x680  }
0x1e8: {  	[sflag:s20] =	ssyncset.done $0x0  }
0x1e9: {  	s19 =	rddreg [dreg:$0xc];
	[sflag:s20] =	ssyncadd.s32 $0xFFFFF980  }
0x1ea: {  	[tilespmem:s11], [sflag:$0x2] =	stream.linear.gather [spmem:s19], $0x680, $0x38;
	[tilespmem:$0x3A68] =	vst v63  }
0x1eb: {  	_ =	swait.ge [sflag:s20], $0x680  }
0x1ec: {  	[sflag:s20] =	ssyncset.done $0x0  }
0x1ed: {  	s23 =	rddreg [dreg:$0x13];
	[sflag:s20] =	ssyncadd.s32 $0xFFFFF980  }
0x1ee: {  	[hbm4b:s23+s2] =	stream.linear.scatter [tilespmem:s11], [sflag:$0x2], $0x680, $0x38;
	[tilespmem:$0x3A68] =	vst v63  }
0x1ef: {  	_ =	swait.ge [sflag:s20], $0x680  }
0x1f0: {  	[sflag:s20] =	ssyncset.done $0x0  }
0x1f1: {  	s19 =	rddreg [dreg:$0xd];
	[sflag:s20] =	ssyncadd.s32 $0xFFFFF980  }
0x1f2: {  	[tilespmem:s11], [sflag:$0x2] =	stream.linear.gather [spmem:s19], $0x680, $0x38;
	[tilespmem:$0x3A68] =	vst v63  }
0x1f3: {  	_ =	swait.ge [sflag:s20], $0x680  }
0x1f4: {  	[sflag:s20] =	ssyncset.done $0x0  }
0x1f5: {  	s23 =	rddreg [dreg:$0x14];
	[sflag:s20] =	ssyncadd.s32 $0xFFFFF980  }
0x1f6: {  	[hbm4b:s23+s2] =	stream.linear.scatter [tilespmem:s11], [sflag:$0x2], $0x680, $0x38;
	[tilespmem:$0x3A68] =	vst v63  }
0x1f7: {  	_ =	swait.ge [sflag:s20], $0x680  }
0x1f8: {  	[sflag:s20] =	ssyncset.done $0x0  }
0x1f9: {  	s19 =	rddreg [dreg:$0xe];
	[sflag:s20] =	ssyncadd.s32 $0xFFFFF980  }
0x1fa: {  	[tilespmem:s11], [sflag:$0x2] =	stream.linear.gather [spmem:s19], $0x680, $0x38;
	[tilespmem:$0x3A68] =	vst v63  }
0x1fb: {  	_ =	swait.ge [sflag:s20], $0x680  }
0x1fc: {  	[sflag:s20] =	ssyncset.done $0x0  }
0x1fd: {  	s23 =	rddreg [dreg:$0x15];
	[sflag:s20] =	ssyncadd.s32 $0xFFFFF980  }
0x1fe: {  	[hbm4b:s23+s2] =	stream.linear.scatter [tilespmem:s11], [sflag:$0x2], $0x680, $0x38;
	[tilespmem:$0x3A68] =	vst v63  }
0x1ff: {  	_ =	swait.ge [sflag:s20], $0x680  }
0x200: {  	[sflag:s20] =	ssyncset.done $0x0  }
0x201: {  	s10 =	simm.s32 @!p0 $0xCD0;
	s11 =	rddreg [dreg:$0x6];
	[sflag:s20] =	ssyncadd.s32 $0xFFFFF980  }
0x202: {  	[tilespmem:s10], [sflag:$0x2] =	stream.linear.gather @!p0 [spmem:s11], $0x100, $0x38;
	[tilespmem:$0x3A68] =	vst v63  }
0x203: {  	s11 =	simm.s32 @!p0 $0x2  }
0x204: {  	_ =	swait.ge @!p0 [sflag:s11], $0x100  }
0x205: {  	[sflag:s11] =	ssyncset.done @!p0 $0x0  }
0x206: {  	s19 =	simm.s32 @!p0 $0x0;
	s23 =	rddreg [dreg:$0x7];
	[sflag:s11] =	ssyncadd.s32 @!p0 $0xFFFFFF00  }
0x207: {  	[hbm4b:s23+s19] =	stream.linear.scatter @!p0 [tilespmem:s10], [sflag:$0x2], $0x100, $0x38;
	[tilespmem:$0x3A68] =	vst v63  }
0x208: {  	_ =	swait.ge @!p0 [sflag:s11], $0x100  }
0x209: {  	s10 =	rddreg [dreg:$0x16]  }
0x20a: {  	s23 =	rddreg [dreg:$0x8];
	s19 =	sadd.s32 $0x1, s10  }
0x20b: {  	p1 =	sne.s32 s19, s23  }
.Ltmp3:
0x20c: {  	_ = 	snop;
	(pc) =	sbr.rel @p1 .LBB2_1-.Ltmp3, $3  }
0x20d: {  	_ =	sdelay $0x1  }
0x20e: {  	[sflag:s11] =	ssyncset.done @!p0 $0x0  }
0x20f: {  	[sflag:s11] =	ssyncadd.s32 @!p0 $0xFFFFFF00  }
0x210: {  	_ =	sfence.sel $0x180000  }
0x211: {  	[bflag:$0x0] =	sbarrier.arrive $0xFFFF  }
0x212: {  	_ =	strace $0x90000047  }
0x213: {  	[bflag:$0x2] =	sbarrier.arrive $0xFFFF  }
0x214: {  	s0 =	rddreg [dreg:$0x3]  }
0x215: {  	s0 =	sadd.s32 @!p0 $0x100000, s0  }
0x216: {  	[sflag:s0] =	ssyncadd.tile.s32 @!p0 $0x1;
	_ =	shalt  }
.Lfunc_end2:
_tile_overlayer_lowered:
.L_overlay_start_2:
0x217: {  	(tag) =	ssettag $0x2  }
0x218: {  	s0 =	rddreg [dreg:$0x0];
	s2 =	stileid.u32  }
0x219: {  	s1 =	rddreg [dreg:$0x1];
	p0 =	sne.s32 s2, $0x0  }
0x21a: {  	s3 =	rddreg [dreg:$0x2];
	[bflag:$0x3] =	sbarrier.arrive $0xFFFF;
	s2 =	simm.s32 @!p0 $0x1C02  }
0x21b: {  	[timem:s3], [sflag:s2] =	dma.local @!p0 [hbm:s0], s1  }
0x21c: {  	s0 =	simm.s32 @!p0 $0x2  }
0x21d: {  	_ =	swait.ge @!p0 [sflag:s0], s1  }
0x21e: {  	s1 =	ssub.s32 @!p0 $0x0, s1;
	[sflag:s0] =	ssyncset.done @!p0 $0x0  }
0x21f: {  	[sflag:s0] =	ssyncadd.s32 @!p0 s1  }
0x220: {  	[bflag:$0x3] =	sbarrier.arrive $0xFFFF  }
0x221: {  	_ =	shalt  }

</sc_bundles>
